<compile_context>
chip_gen: v7x
topology: tpu7x:2x2x1
jax: 0.10.2.dev20260603
libtpu: 0.0.44.dev20260713+nightly
codegen_flags: <defaults>
</compile_context>

<pallas_src>
import functools

import jax
import jax.numpy as jnp
from jax import lax
from jax.experimental import pallas as pl
from jax.experimental.pallas import tpu as pltpu
from jax.experimental.pallas import tpu_sc as plsc

_N = 10000
_E = 320000
_D = 128
_EPS = 1e-5
_NC = 2
_NS = 16
_NW = _NC * _NS
_EPW = _E // _NW
_K = 80
_NCH = _EPW // _K
_RPS = 632
_DEGW = 16


def _row_off(s):
  return pl.multiple_of(jnp.minimum(s * _RPS, _N - _RPS), 8)


def _sc_mesh():
  return plsc.VectorSubcoreMesh(
      core_axis_name="c", subcore_axis_name="s",
      num_cores=_NC, num_subcores=_NS)


def _sc_degree(dst, zeros_nw, ones_kw):

  @functools.partial(
      pl.kernel,
      out_type=jax.ShapeDtypeStruct((_NC, _N, _DEGW), jnp.float32),
      mesh=_sc_mesh(),
      compiler_params=pltpu.CompilerParams(use_tc_tiling_on_sc=False),
      scratch_types=[
          pltpu.VMEM((_NCH, _K), jnp.int32),
          pltpu.VMEM((_K, _DEGW), jnp.float32),
          pltpu.VMEM_SHARED((_N, _DEGW), jnp.float32),
          pltpu.SemaphoreType.DMA,
          pltpu.SemaphoreType.DMA,
          pltpu.SemaphoreType.DMA,
      ],
  )
  def deg_kernel(dst_hbm, zero_hbm, one_hbm, out_hbm, dst_v, one_v, acc_sh,
                 dsem, dsem2, dsem3):
    c = lax.axis_index("c")
    s = lax.axis_index("s")
    wid = s * _NC + c
    off = _row_off(s)
    cp1 = pltpu.async_copy(dst_hbm.at[wid], dst_v, dsem)
    cp2 = pltpu.async_copy(one_hbm, one_v, dsem2)
    cp3 = pltpu.async_copy(zero_hbm.at[pl.ds(off, _RPS)],
                           acc_sh.at[pl.ds(off, _RPS)], dsem3)
    cp1.wait()
    cp2.wait()
    cp3.wait()
    plsc.subcore_barrier()

    def fire(j, carry):
      pltpu.async_copy(one_v, acc_sh.at[dst_v.at[j]], dsem, add=True)
      return carry

    def drain(j, carry):
      pltpu.make_async_copy(one_v, acc_sh.at[dst_v.at[j]], dsem).wait()
      return carry

    lax.fori_loop(0, _NCH, fire, 0)
    lax.fori_loop(0, _NCH, drain, 0)
    plsc.subcore_barrier()
    pltpu.sync_copy(acc_sh.at[pl.ds(off, _RPS)],
                    out_hbm.at[c, pl.ds(off, _RPS)])

  return deg_kernel(dst, zeros_nw, ones_kw)


def _sc_spmm(hs, zeros_nd, src, dst):

  @functools.partial(
      pl.kernel,
      out_type=jax.ShapeDtypeStruct((_NC, _N, _D), jnp.float32),
      mesh=_sc_mesh(),
      compiler_params=pltpu.CompilerParams(use_tc_tiling_on_sc=False),
      scratch_types=[
          pltpu.VMEM((_NCH, _K), jnp.int32),
          pltpu.VMEM((_NCH, _K), jnp.int32),
          pltpu.VMEM((_K, _D), jnp.float32),
          pltpu.VMEM((_K, _D), jnp.float32),
          pltpu.VMEM((_K, _D), jnp.float32),
          pltpu.VMEM_SHARED((_N, _D), jnp.float32),
          pltpu.SemaphoreType.DMA,
          pltpu.SemaphoreType.DMA,
          pltpu.SemaphoreType.DMA,
          pltpu.SemaphoreType.DMA,
          pltpu.SemaphoreType.DMA,
          pltpu.SemaphoreType.DMA,
      ],
  )
  def spmm_kernel(hs_hbm, zero_hbm, src_hbm, dst_hbm, out_hbm,
                  src_v, dst_v, rows0, rows1, rows2, acc_sh,
                  sg0, sg1, sg2, ss0, ss1, ss2):
    c = lax.axis_index("c")
    s = lax.axis_index("s")
    wid = s * _NC + c
    off = _row_off(s)
    cp_src = pltpu.async_copy(src_hbm.at[wid], src_v, sg0)
    cp_dst = pltpu.async_copy(dst_hbm.at[wid], dst_v, sg1)

    @pl.when(c == 0)
    def _():
      pltpu.async_copy(hs_hbm.at[pl.ds(off, _RPS)],
                       acc_sh.at[pl.ds(off, _RPS)], sg2)

    @pl.when(c == 1)
    def _():
      pltpu.async_copy(zero_hbm.at[pl.ds(off, _RPS)],
                       acc_sh.at[pl.ds(off, _RPS)], sg2)

    cp_src.wait()
    cp_dst.wait()
    pltpu.make_async_copy(hs_hbm.at[pl.ds(off, _RPS)],
                          acc_sh.at[pl.ds(off, _RPS)], sg2).wait()
    plsc.subcore_barrier()

    def wait_g(j, buf, sem):
      pltpu.make_async_copy(hs_hbm.at[src_v.at[j]], buf, sem).wait()

    def start_g(j, buf, sem):
      pltpu.async_copy(hs_hbm.at[src_v.at[j]], buf, sem)

    def start_s(j, buf, sem):
      pltpu.async_copy(buf, acc_sh.at[dst_v.at[j]], sem, add=True)

    def wait_s(buf, sem):
      pltpu.make_async_copy(buf, acc_sh.at[dst_v.at[0]], sem).wait()

    start_g(0, rows0, sg0)
    start_g(1, rows1, sg1)
    start_g(2, rows2, sg2)
    wait_g(0, rows0, sg0)
    start_s(0, rows0, ss0)
    wait_g(1, rows1, sg1)
    start_s(1, rows1, ss1)

    def triple(q, carry):
      t0 = 3 * q + 2
      wait_g(t0, rows2, sg2)
      start_s(t0, rows2, ss2)
      wait_s(rows0, ss0)
      start_g(t0 + 1, rows0, sg0)
      wait_g(t0 + 1, rows0, sg0)
      start_s(t0 + 1, rows0, ss0)
      wait_s(rows1, ss1)
      start_g(t0 + 2, rows1, sg1)
      wait_g(t0 + 2, rows1, sg1)
      start_s(t0 + 2, rows1, ss1)
      wait_s(rows2, ss2)
      start_g(jnp.minimum(t0 + 3, _NCH - 1), rows2, sg2)
      return carry

    lax.fori_loop(0, (_NCH - 2) // 3, triple, 0)
    wait_g(_NCH - 1, rows2, sg2)
    wait_s(rows0, ss0)
    wait_s(rows1, ss1)
    plsc.subcore_barrier()
    pltpu.sync_copy(acc_sh.at[pl.ds(off, _RPS)],
                    out_hbm.at[c, pl.ds(off, _RPS)])

  return spmm_kernel(hs, zeros_nd, src, dst)


def _tc_pre(x, W1, degs):

  def body(x_ref, w_ref, deg_ref, p_ref, dinv_ref):
    deg = deg_ref[0, :, 0:1] + deg_ref[1, :, 0:1] + 1.0
    dinv = lax.rsqrt(deg)
    dinv_ref[...] = jnp.broadcast_to(dinv, (_N, 8))
    p_ref[...] = jnp.dot(x_ref[...], w_ref[...],
                         preferred_element_type=jnp.float32) \
        * jnp.broadcast_to(dinv, (_N, _D))

  return pl.pallas_call(
      body,
      out_shape=[jax.ShapeDtypeStruct((_N, _D), jnp.float32),
                 jax.ShapeDtypeStruct((_N, 8), jnp.float32)],
  )(x, W1, degs)


def _tc_mid(accs, dinv8, b, g, be, Wn):

  def body(acc_ref, dinv_ref, b_ref, g_ref, be_ref, w_ref, out_ref):
    dinvb = jnp.broadcast_to(dinv_ref[:, 0:1], (_N, _D))
    T = (acc_ref[0] + acc_ref[1]) * dinvb + b_ref[...]
    m = jnp.mean(T, axis=0, keepdims=True)
    v = jnp.mean((T - m) ** 2, axis=0, keepdims=True)
    Hn = g_ref[...] * (T - m) * lax.rsqrt(v + _EPS) + be_ref[...]
    Hn = jnp.maximum(Hn, 0.0)
    out_ref[...] = jnp.dot(Hn, w_ref[...],
                           preferred_element_type=jnp.float32) * dinvb

  return pl.pallas_call(
      body,
      out_shape=jax.ShapeDtypeStruct((_N, _D), jnp.float32),
  )(accs, dinv8, b, g, be, Wn)


def _tc_fin(accs, dinv8, b):
  def body(acc_ref, dinv_ref, b_ref, out_ref):
    dinvb = jnp.broadcast_to(dinv_ref[:, 0:1], (_N, _D))
    out_ref[...] = (acc_ref[0] + acc_ref[1]) * dinvb + b_ref[...]

  return pl.pallas_call(
      body,
      out_shape=jax.ShapeDtypeStruct((_N, _D), jnp.float32),
  )(accs, dinv8, b)


def kernel(x, edge_index, W1, b1, W2, b2, W3, b3, g1, be1, g2, be2):
  ei = edge_index.astype(jnp.int32)
  src = ei[0].reshape(_NW, _NCH, _K)
  dst = ei[1].reshape(_NW, _NCH, _K)
  zeros_nw = jnp.zeros((_N, _DEGW), jnp.float32)
  ones_kw = jnp.ones((_K, _DEGW), jnp.float32)
  zeros_nd = jnp.zeros((_N, _D), jnp.float32)

  degs = _sc_degree(dst, zeros_nw, ones_kw)
  P1, dinv8 = _tc_pre(x, W1, degs)
  acc1 = _sc_spmm(P1, zeros_nd, src, dst)
  P2 = _tc_mid(acc1, dinv8, b1.reshape(1, _D), g1.reshape(1, _D),
               be1.reshape(1, _D), W2)
  acc2 = _sc_spmm(P2, zeros_nd, src, dst)
  P3 = _tc_mid(acc2, dinv8, b2.reshape(1, _D), g2.reshape(1, _D),
               be2.reshape(1, _D), W3)
  acc3 = _sc_spmm(P3, zeros_nd, src, dst)
  return _tc_fin(acc3, dinv8, b3.reshape(1, _D))

# --- scband reference (transcript-rebuilt; emitter-appended) ---
"""Pipeline reference for scband-seal-77498389889831 (READ-ONLY COPY).

The authoritative reference and input builder live on the scoring server;
editing this copy changes nothing except your own understanding.
"""

import jax, jax.numpy as jnp
import numpy as np

N = 10000
E = 320000
D_IN = 128
D_HID = 128
D_OUT = 128
EPS = 1e-5


def setup_inputs(seed: int = 0) -> dict:
    key = jax.random.key(seed)
    ks = jax.random.split(key, 8)
    x = jax.random.normal(ks[0], (N, D_IN), dtype=jnp.float32)
    edge_index = jax.random.randint(ks[1], (2, E), 0, N, dtype=jnp.int64)
    W1 = jax.random.normal(ks[2], (D_IN, D_HID), dtype=jnp.float32) * 0.05
    b1 = jnp.zeros((D_HID,), dtype=jnp.float32)
    W2 = jax.random.normal(ks[3], (D_HID, D_HID), dtype=jnp.float32) * 0.05
    b2 = jnp.zeros((D_HID,), dtype=jnp.float32)
    W3 = jax.random.normal(ks[4], (D_HID, D_OUT), dtype=jnp.float32) * 0.05
    b3 = jnp.zeros((D_OUT,), dtype=jnp.float32)
    g1 = jnp.ones((D_HID,), dtype=jnp.float32)
    be1 = jnp.zeros((D_HID,), dtype=jnp.float32)
    g2 = jnp.ones((D_HID,), dtype=jnp.float32)
    be2 = jnp.zeros((D_HID,), dtype=jnp.float32)
    return {"x": x, "edge_index": edge_index, "W1": W1, "b1": b1, "W2": W2, "b2": b2, "W3": W3, "b3": b3, "g1": g1, "be1": be1, "g2": g2, "be2": be2}


def _gcn_conv(x, W, b, src, dst, norm, n_nodes):
    # GCNConv: x' = D^{-1/2} (A + I) D^{-1/2} (x @ W) + b
    h = x @ W
    msg = h[src] * norm[:, None]
    out = jax.ops.segment_sum(msg, dst, num_segments=n_nodes)
    return out + b


def _batch_norm(x, gamma, beta):
    mean = jnp.mean(x, axis=0)
    var = jnp.mean((x - mean) ** 2, axis=0)
    return gamma * (x - mean) / jnp.sqrt(var + EPS) + beta


def reference(x, edge_index, W1, b1, W2, b2, W3, b3, g1, be1, g2, be2):
    n_nodes = x.shape[0]
    loop = jnp.arange(n_nodes, dtype=edge_index.dtype)
    src = jnp.concatenate([edge_index[0], loop])
    dst = jnp.concatenate([edge_index[1], loop])
    deg = jax.ops.segment_sum(jnp.ones_like(dst, dtype=x.dtype), dst, num_segments=n_nodes)
    dinv = jnp.where(deg > 0, jax.lax.rsqrt(deg), 0.0)
    norm = dinv[src] * dinv[dst]
    # layer 1
    h = _gcn_conv(x, W1, b1, src, dst, norm, n_nodes)
    h = _batch_norm(h, g1, be1)
    h = jax.nn.relu(h)
    # dropout is identity in eval mode
    # layer 2
    h = _gcn_conv(h, W2, b2, src, dst, norm, n_nodes)
    h = _batch_norm(h, g2, be2)
    h = jax.nn.relu(h)
    # layer 3 (no bn/relu)
    h = _gcn_conv(h, W3, b3, src, dst, norm, n_nodes)
    return h

if __name__ == "__main__":
    import jax
    _d = setup_inputs()
    print(jax.jit(kernel)(*tuple(_d.values())))

</pallas_src>

<mosaic_0001>
#map = affine_map<(d0, d1) -> (0, 0)>
#map1 = affine_map<(d0, d1) -> (0, 0, 0)>
module attributes {stable_mosaic.version = 14 : i64} {
  func.func @spmm_kernel(%arg0: i32, %arg1: i32, %arg2: memref<10000x128xf32, #tpu.memory_space<hbm>>, %arg3: memref<10000x128xf32, #tpu.memory_space<hbm>>, %arg4: memref<32x125x80xi32, #tpu.memory_space<hbm>>, %arg5: memref<32x125x80xi32, #tpu.memory_space<hbm>>, %arg6: memref<2x10000x128xf32, #tpu.memory_space<hbm>>, %arg7: memref<125x80xi32, #tpu.memory_space<vmem>>, %arg8: memref<125x80xi32, #tpu.memory_space<vmem>>, %arg9: memref<80x128xf32, #tpu.memory_space<vmem>>, %arg10: memref<80x128xf32, #tpu.memory_space<vmem>>, %arg11: memref<80x128xf32, #tpu.memory_space<vmem>>, %arg12: memref<10000x128xf32, #tpu.memory_space<vmem_shared>>, %arg13: memref<!tpu.dma_semaphore, #tpu.memory_space<semaphore_mem>>, %arg14: memref<!tpu.dma_semaphore, #tpu.memory_space<semaphore_mem>>, %arg15: memref<!tpu.dma_semaphore, #tpu.memory_space<semaphore_mem>>, %arg16: memref<!tpu.dma_semaphore, #tpu.memory_space<semaphore_mem>>, %arg17: memref<!tpu.dma_semaphore, #tpu.memory_space<semaphore_mem>>, %arg18: memref<!tpu.dma_semaphore, #tpu.memory_space<semaphore_mem>>) attributes {dimension_semantics = [#tpu.dimension_semantics<core_parallel>, #tpu.dimension_semantics<subcore_parallel>], iteration_bounds = array<i64: 2, 16>, scalar_prefetch = 0 : i64, scratch_operands = 12 : i64, tpu.core_type = #tpu.core_type<sc_vector_subcore>, window_params = [{transform_indices = #map}, {transform_indices = #map}, {transform_indices = #map1}, {transform_indices = #map1}, {transform_indices = #map1}]} {
    %mul3A = arith.constant 2 : i32
    %mul3A_0 = arith.muli %arg1, %mul3A : i32
    %add3A = arith.addi %mul3A_0, %arg0 : i32
    %mul3A_1 = arith.constant 632 : i32
    %mul3A_2 = arith.muli %arg1, %mul3A_1 : i32
    %min3A = arith.constant 9368 : i32
    %min3A_3 = arith.minsi %mul3A_2, %min3A : i32
    %multiple_of3A = tpu.assume_multiple %min3A_3, 8 : i32
    %dma_start3A = arith.constant 0 : i32
    %dma_start3A_4 = arith.constant 0 : i32
    %dma_start3A_5 = tpu.memref_slice %arg4[%add3A, %dma_start3A, %dma_start3A_4] : memref<32x125x80xi32, #tpu.memory_space<hbm>> -> memref<1x125x80xi32, #tpu.memory_space<hbm>>
    %dma_start3A_6 = tpu.memref_squeeze %dma_start3A_5 : memref<1x125x80xi32, #tpu.memory_space<hbm>> -> memref<125x80xi32, #tpu.memory_space<hbm>>
    %dma_start3A_7 = arith.constant 0 : i32
    %dma_start3A_8 = arith.constant 0 : i32
    %dma_start3A_9 = tpu.memref_slice %arg4[%add3A, %dma_start3A_7, %dma_start3A_8] : memref<32x125x80xi32, #tpu.memory_space<hbm>> -> memref<1x125x80xi32, #tpu.memory_space<hbm>>
    %dma_start3A_10 = tpu.memref_squeeze %dma_start3A_9 : memref<1x125x80xi32, #tpu.memory_space<hbm>> -> memref<125x80xi32, #tpu.memory_space<hbm>>
    tpu.enqueue_dma source(%dma_start3A_10 : memref<125x80xi32, #tpu.memory_space<hbm>>) target(%arg7 : memref<125x80xi32, #tpu.memory_space<vmem>>) target_semaphore(%arg13 : memref<!tpu.dma_semaphore, #tpu.memory_space<semaphore_mem>>)
    %dma_start3A_11 = arith.constant 0 : i32
    %dma_start3A_12 = arith.constant 0 : i32
    %dma_start3A_13 = tpu.memref_slice %arg5[%add3A, %dma_start3A_11, %dma_start3A_12] : memref<32x125x80xi32, #tpu.memory_space<hbm>> -> memref<1x125x80xi32, #tpu.memory_space<hbm>>
    %dma_start3A_14 = tpu.memref_squeeze %dma_start3A_13 : memref<1x125x80xi32, #tpu.memory_space<hbm>> -> memref<125x80xi32, #tpu.memory_space<hbm>>
    %dma_start3A_15 = arith.constant 0 : i32
    %dma_start3A_16 = arith.constant 0 : i32
    %dma_start3A_17 = tpu.memref_slice %arg5[%add3A, %dma_start3A_15, %dma_start3A_16] : memref<32x125x80xi32, #tpu.memory_space<hbm>> -> memref<1x125x80xi32, #tpu.memory_space<hbm>>
    %dma_start3A_18 = tpu.memref_squeeze %dma_start3A_17 : memref<1x125x80xi32, #tpu.memory_space<hbm>> -> memref<125x80xi32, #tpu.memory_space<hbm>>
    tpu.enqueue_dma source(%dma_start3A_18 : memref<125x80xi32, #tpu.memory_space<hbm>>) target(%arg8 : memref<125x80xi32, #tpu.memory_space<vmem>>) target_semaphore(%arg14 : memref<!tpu.dma_semaphore, #tpu.memory_space<semaphore_mem>>)
    %eq3A = arith.constant 0 : i32
    %eq3A_19 = arith.cmpi eq, %arg0, %eq3A : i32
    %convert_element_type3A = arith.extui %eq3A_19 : i1 to i32
    %cond3A = arith.constant 0 : i32
    %cond3A_20 = arith.cmpi ne, %convert_element_type3A, %cond3A : i32
    scf.if %cond3A_20 {
      %dma_start3A_121 = arith.constant 0 : i32
      %dma_start3A_122 = tpu.memref_slice %arg12[%multiple_of3A, %dma_start3A_121] : memref<10000x128xf32, #tpu.memory_space<vmem_shared>> -> memref<632x128xf32, #tpu.memory_space<vmem_shared>>
      %dma_start3A_123 = arith.constant 0 : i32
      %dma_start3A_124 = tpu.memref_slice %arg2[%multiple_of3A, %dma_start3A_123] : memref<10000x128xf32, #tpu.memory_space<hbm>> -> memref<632x128xf32, #tpu.memory_space<hbm>>
      tpu.enqueue_dma source(%dma_start3A_124 : memref<632x128xf32, #tpu.memory_space<hbm>>) target(%dma_start3A_122 : memref<632x128xf32, #tpu.memory_space<vmem_shared>>) target_semaphore(%arg15 : memref<!tpu.dma_semaphore, #tpu.memory_space<semaphore_mem>>)
    } else {
    }
    %eq3A_21 = arith.constant 1 : i32
    %eq3A_22 = arith.cmpi eq, %arg0, %eq3A_21 : i32
    %convert_element_type3A_23 = arith.extui %eq3A_22 : i1 to i32
    %cond3A_24 = arith.constant 0 : i32
    %cond3A_25 = arith.cmpi ne, %convert_element_type3A_23, %cond3A_24 : i32
    scf.if %cond3A_25 {
      %dma_start3A_121 = arith.constant 0 : i32
      %dma_start3A_122 = tpu.memref_slice %arg12[%multiple_of3A, %dma_start3A_121] : memref<10000x128xf32, #tpu.memory_space<vmem_shared>> -> memref<632x128xf32, #tpu.memory_space<vmem_shared>>
      %dma_start3A_123 = arith.constant 0 : i32
      %dma_start3A_124 = tpu.memref_slice %arg3[%multiple_of3A, %dma_start3A_123] : memref<10000x128xf32, #tpu.memory_space<hbm>> -> memref<632x128xf32, #tpu.memory_space<hbm>>
      tpu.enqueue_dma source(%dma_start3A_124 : memref<632x128xf32, #tpu.memory_space<hbm>>) target(%dma_start3A_122 : memref<632x128xf32, #tpu.memory_space<vmem_shared>>) target_semaphore(%arg15 : memref<!tpu.dma_semaphore, #tpu.memory_space<semaphore_mem>>)
    } else {
    }
    %dma_wait3A = arith.constant 0 : i32
    %dma_wait3A_26 = arith.constant 0 : i32
    %dma_wait3A_27 = tpu.memref_slice %arg4[%add3A, %dma_wait3A, %dma_wait3A_26] : memref<32x125x80xi32, #tpu.memory_space<hbm>> -> memref<1x125x80xi32, #tpu.memory_space<hbm>>
    %dma_wait3A_28 = tpu.memref_squeeze %dma_wait3A_27 : memref<1x125x80xi32, #tpu.memory_space<hbm>> -> memref<125x80xi32, #tpu.memory_space<hbm>>
    %dma_wait3A_29 = arith.constant 0 : i32
    %dma_wait3A_30 = arith.constant 0 : i32
    %dma_wait3A_31 = tpu.memref_slice %arg4[%add3A, %dma_wait3A_29, %dma_wait3A_30] : memref<32x125x80xi32, #tpu.memory_space<hbm>> -> memref<1x125x80xi32, #tpu.memory_space<hbm>>
    %dma_wait3A_32 = tpu.memref_squeeze %dma_wait3A_31 : memref<1x125x80xi32, #tpu.memory_space<hbm>> -> memref<125x80xi32, #tpu.memory_space<hbm>>
    tpu.wait_dma2 semaphore(%arg13 : memref<!tpu.dma_semaphore, #tpu.memory_space<semaphore_mem>>) src(%dma_wait3A_32 : memref<125x80xi32, #tpu.memory_space<hbm>>) dst(%arg7 : memref<125x80xi32, #tpu.memory_space<vmem>>)
    %dma_wait3A_33 = arith.constant 0 : i32
    %dma_wait3A_34 = arith.constant 0 : i32
    %dma_wait3A_35 = tpu.memref_slice %arg5[%add3A, %dma_wait3A_33, %dma_wait3A_34] : memref<32x125x80xi32, #tpu.memory_space<hbm>> -> memref<1x125x80xi32, #tpu.memory_space<hbm>>
    %dma_wait3A_36 = tpu.memref_squeeze %dma_wait3A_35 : memref<1x125x80xi32, #tpu.memory_space<hbm>> -> memref<125x80xi32, #tpu.memory_space<hbm>>
    %dma_wait3A_37 = arith.constant 0 : i32
    %dma_wait3A_38 = arith.constant 0 : i32
    %dma_wait3A_39 = tpu.memref_slice %arg5[%add3A, %dma_wait3A_37, %dma_wait3A_38] : memref<32x125x80xi32, #tpu.memory_space<hbm>> -> memref<1x125x80xi32, #tpu.memory_space<hbm>>
    %dma_wait3A_40 = tpu.memref_squeeze %dma_wait3A_39 : memref<1x125x80xi32, #tpu.memory_space<hbm>> -> memref<125x80xi32, #tpu.memory_space<hbm>>
    tpu.wait_dma2 semaphore(%arg14 : memref<!tpu.dma_semaphore, #tpu.memory_space<semaphore_mem>>) src(%dma_wait3A_40 : memref<125x80xi32, #tpu.memory_space<hbm>>) dst(%arg8 : memref<125x80xi32, #tpu.memory_space<vmem>>)
    %dma_wait3A_41 = arith.constant 0 : i32
    %dma_wait3A_42 = tpu.memref_slice %arg12[%multiple_of3A, %dma_wait3A_41] : memref<10000x128xf32, #tpu.memory_space<vmem_shared>> -> memref<632x128xf32, #tpu.memory_space<vmem_shared>>
    %dma_wait3A_43 = arith.constant 0 : i32
    %dma_wait3A_44 = tpu.memref_slice %arg2[%multiple_of3A, %dma_wait3A_43] : memref<10000x128xf32, #tpu.memory_space<hbm>> -> memref<632x128xf32, #tpu.memory_space<hbm>>
    tpu.wait_dma2 semaphore(%arg15 : memref<!tpu.dma_semaphore, #tpu.memory_space<semaphore_mem>>) src(%dma_wait3A_44 : memref<632x128xf32, #tpu.memory_space<hbm>>) dst(%dma_wait3A_42 : memref<632x128xf32, #tpu.memory_space<vmem_shared>>)
    %barrier3A = arith.constant 0 : index
    tpu.barrier barrier_id(%barrier3A)
    %dma_start3A_45 = arith.constant 0 : i32
    %dma_start3A_46 = arith.constant 0 : i32
    %dma_start3A_47 = tpu.memref_slice %arg7[%dma_start3A_45, %dma_start3A_46] : memref<125x80xi32, #tpu.memory_space<vmem>> -> memref<1x80xi32, #tpu.memory_space<vmem>>
    %dma_start3A_48 = tpu.memref_squeeze %dma_start3A_47 : memref<1x80xi32, #tpu.memory_space<vmem>> -> memref<80xi32, #tpu.memory_space<vmem>>
    %dma_start3A_49 = arith.constant 0 : i32
    %dma_start3A_50 = arith.constant 0 : i32
    %dma_start3A_51 = tpu.memref_slice %arg2[%dma_start3A_49, %dma_start3A_50] : memref<10000x128xf32, #tpu.memory_space<hbm>> -> memref<10000x128xf32, #tpu.memory_space<hbm>>
    tpu.enqueue_indirect_dma source(%dma_start3A_51 : memref<10000x128xf32, #tpu.memory_space<hbm>>) target(%arg9 : memref<80x128xf32, #tpu.memory_space<vmem>>) offsets(%dma_start3A_48 : memref<80xi32, #tpu.memory_space<vmem>>) semaphore(%arg13 : memref<!tpu.dma_semaphore, #tpu.memory_space<semaphore_mem>>)
    %dma_start3A_52 = arith.constant 1 : i32
    %dma_start3A_53 = arith.constant 0 : i32
    %dma_start3A_54 = tpu.memref_slice %arg7[%dma_start3A_52, %dma_start3A_53] : memref<125x80xi32, #tpu.memory_space<vmem>> -> memref<1x80xi32, #tpu.memory_space<vmem>>
    %dma_start3A_55 = tpu.memref_squeeze %dma_start3A_54 : memref<1x80xi32, #tpu.memory_space<vmem>> -> memref<80xi32, #tpu.memory_space<vmem>>
    %dma_start3A_56 = arith.constant 0 : i32
    %dma_start3A_57 = arith.constant 0 : i32
    %dma_start3A_58 = tpu.memref_slice %arg2[%dma_start3A_56, %dma_start3A_57] : memref<10000x128xf32, #tpu.memory_space<hbm>> -> memref<10000x128xf32, #tpu.memory_space<hbm>>
    tpu.enqueue_indirect_dma source(%dma_start3A_58 : memref<10000x128xf32, #tpu.memory_space<hbm>>) target(%arg10 : memref<80x128xf32, #tpu.memory_space<vmem>>) offsets(%dma_start3A_55 : memref<80xi32, #tpu.memory_space<vmem>>) semaphore(%arg14 : memref<!tpu.dma_semaphore, #tpu.memory_space<semaphore_mem>>)
    %dma_start3A_59 = arith.constant 2 : i32
    %dma_start3A_60 = arith.constant 0 : i32
    %dma_start3A_61 = tpu.memref_slice %arg7[%dma_start3A_59, %dma_start3A_60] : memref<125x80xi32, #tpu.memory_space<vmem>> -> memref<1x80xi32, #tpu.memory_space<vmem>>
    %dma_start3A_62 = tpu.memref_squeeze %dma_start3A_61 : memref<1x80xi32, #tpu.memory_space<vmem>> -> memref<80xi32, #tpu.memory_space<vmem>>
    %dma_start3A_63 = arith.constant 0 : i32
    %dma_start3A_64 = arith.constant 0 : i32
    %dma_start3A_65 = tpu.memref_slice %arg2[%dma_start3A_63, %dma_start3A_64] : memref<10000x128xf32, #tpu.memory_space<hbm>> -> memref<10000x128xf32, #tpu.memory_space<hbm>>
    tpu.enqueue_indirect_dma source(%dma_start3A_65 : memref<10000x128xf32, #tpu.memory_space<hbm>>) target(%arg11 : memref<80x128xf32, #tpu.memory_space<vmem>>) offsets(%dma_start3A_62 : memref<80xi32, #tpu.memory_space<vmem>>) semaphore(%arg15 : memref<!tpu.dma_semaphore, #tpu.memory_space<semaphore_mem>>)
    %dma_wait3A_66 = arith.constant 0 : i32
    %dma_wait3A_67 = arith.constant 0 : i32
    %dma_wait3A_68 = tpu.memref_slice %arg7[%dma_wait3A_66, %dma_wait3A_67] : memref<125x80xi32, #tpu.memory_space<vmem>> -> memref<1x80xi32, #tpu.memory_space<vmem>>
    %dma_wait3A_69 = tpu.memref_squeeze %dma_wait3A_68 : memref<1x80xi32, #tpu.memory_space<vmem>> -> memref<80xi32, #tpu.memory_space<vmem>>
    %dma_wait3A_70 = arith.constant 0 : i32
    %dma_wait3A_71 = arith.constant 0 : i32
    %dma_wait3A_72 = tpu.memref_slice %arg2[%dma_wait3A_70, %dma_wait3A_71] : memref<10000x128xf32, #tpu.memory_space<hbm>> -> memref<10000x128xf32, #tpu.memory_space<hbm>>
    tpu.wait_indirect_dma semaphore(%arg13 : memref<!tpu.dma_semaphore, #tpu.memory_space<semaphore_mem>>) src(%dma_wait3A_72 : memref<10000x128xf32, #tpu.memory_space<hbm>>) dst(%arg9 : memref<80x128xf32, #tpu.memory_space<vmem>>)
    %dma_start3A_73 = arith.constant 0 : i32
    %dma_start3A_74 = arith.constant 0 : i32
    %dma_start3A_75 = tpu.memref_slice %arg8[%dma_start3A_73, %dma_start3A_74] : memref<125x80xi32, #tpu.memory_space<vmem>> -> memref<1x80xi32, #tpu.memory_space<vmem>>
    %dma_start3A_76 = tpu.memref_squeeze %dma_start3A_75 : memref<1x80xi32, #tpu.memory_space<vmem>> -> memref<80xi32, #tpu.memory_space<vmem>>
    %dma_start3A_77 = arith.constant 0 : i32
    %dma_start3A_78 = arith.constant 0 : i32
    %dma_start3A_79 = tpu.memref_slice %arg12[%dma_start3A_77, %dma_start3A_78] : memref<10000x128xf32, #tpu.memory_space<vmem_shared>> -> memref<10000x128xf32, #tpu.memory_space<vmem_shared>>
    tpu.enqueue_indirect_dma source(%arg9 : memref<80x128xf32, #tpu.memory_space<vmem>>) target(%dma_start3A_79 : memref<10000x128xf32, #tpu.memory_space<vmem_shared>>) offsets(%dma_start3A_76 : memref<80xi32, #tpu.memory_space<vmem>>) semaphore(%arg16 : memref<!tpu.dma_semaphore, #tpu.memory_space<semaphore_mem>>) {add = true}
    %dma_wait3A_80 = arith.constant 1 : i32
    %dma_wait3A_81 = arith.constant 0 : i32
    %dma_wait3A_82 = tpu.memref_slice %arg7[%dma_wait3A_80, %dma_wait3A_81] : memref<125x80xi32, #tpu.memory_space<vmem>> -> memref<1x80xi32, #tpu.memory_space<vmem>>
    %dma_wait3A_83 = tpu.memref_squeeze %dma_wait3A_82 : memref<1x80xi32, #tpu.memory_space<vmem>> -> memref<80xi32, #tpu.memory_space<vmem>>
    %dma_wait3A_84 = arith.constant 0 : i32
    %dma_wait3A_85 = arith.constant 0 : i32
    %dma_wait3A_86 = tpu.memref_slice %arg2[%dma_wait3A_84, %dma_wait3A_85] : memref<10000x128xf32, #tpu.memory_space<hbm>> -> memref<10000x128xf32, #tpu.memory_space<hbm>>
    tpu.wait_indirect_dma semaphore(%arg14 : memref<!tpu.dma_semaphore, #tpu.memory_space<semaphore_mem>>) src(%dma_wait3A_86 : memref<10000x128xf32, #tpu.memory_space<hbm>>) dst(%arg10 : memref<80x128xf32, #tpu.memory_space<vmem>>)
    %dma_start3A_87 = arith.constant 1 : i32
    %dma_start3A_88 = arith.constant 0 : i32
    %dma_start3A_89 = tpu.memref_slice %arg8[%dma_start3A_87, %dma_start3A_88] : memref<125x80xi32, #tpu.memory_space<vmem>> -> memref<1x80xi32, #tpu.memory_space<vmem>>
    %dma_start3A_90 = tpu.memref_squeeze %dma_start3A_89 : memref<1x80xi32, #tpu.memory_space<vmem>> -> memref<80xi32, #tpu.memory_space<vmem>>
    %dma_start3A_91 = arith.constant 0 : i32
    %dma_start3A_92 = arith.constant 0 : i32
    %dma_start3A_93 = tpu.memref_slice %arg12[%dma_start3A_91, %dma_start3A_92] : memref<10000x128xf32, #tpu.memory_space<vmem_shared>> -> memref<10000x128xf32, #tpu.memory_space<vmem_shared>>
    tpu.enqueue_indirect_dma source(%arg10 : memref<80x128xf32, #tpu.memory_space<vmem>>) target(%dma_start3A_93 : memref<10000x128xf32, #tpu.memory_space<vmem_shared>>) offsets(%dma_start3A_90 : memref<80xi32, #tpu.memory_space<vmem>>) semaphore(%arg17 : memref<!tpu.dma_semaphore, #tpu.memory_space<semaphore_mem>>) {add = true}
    %scan3A = arith.constant 0 : i32
    %scan3A_94 = arith.constant 0 : i32
    %scan3A_95 = arith.constant 41 : i32
    %scan3A_96 = arith.addi %scan3A_94, %scan3A_95 : i32
    %scan3A_97 = arith.constant 1 : i32
    scf.for %scan3A_121 = %scan3A_94 to %scan3A_96 step %scan3A_97  : i32 {
      %mul3A_122 = arith.constant 3 : i32
      %mul3A_123 = arith.muli %mul3A_122, %scan3A_121 : i32
      %add3A_124 = arith.constant 2 : i32
      %add3A_125 = arith.addi %mul3A_123, %add3A_124 : i32
      %dma_wait3A_126 = arith.constant 0 : i32
      %dma_wait3A_127 = tpu.memref_slice %arg7[%add3A_125, %dma_wait3A_126] : memref<125x80xi32, #tpu.memory_space<vmem>> -> memref<1x80xi32, #tpu.memory_space<vmem>>
      %dma_wait3A_128 = tpu.memref_squeeze %dma_wait3A_127 : memref<1x80xi32, #tpu.memory_space<vmem>> -> memref<80xi32, #tpu.memory_space<vmem>>
      %dma_wait3A_129 = arith.constant 0 : i32
      %dma_wait3A_130 = arith.constant 0 : i32
      %dma_wait3A_131 = tpu.memref_slice %arg2[%dma_wait3A_129, %dma_wait3A_130] : memref<10000x128xf32, #tpu.memory_space<hbm>> -> memref<10000x128xf32, #tpu.memory_space<hbm>>
      tpu.wait_indirect_dma semaphore(%arg15 : memref<!tpu.dma_semaphore, #tpu.memory_space<semaphore_mem>>) src(%dma_wait3A_131 : memref<10000x128xf32, #tpu.memory_space<hbm>>) dst(%arg11 : memref<80x128xf32, #tpu.memory_space<vmem>>)
      %dma_start3A_132 = arith.constant 0 : i32
      %dma_start3A_133 = tpu.memref_slice %arg8[%add3A_125, %dma_start3A_132] : memref<125x80xi32, #tpu.memory_space<vmem>> -> memref<1x80xi32, #tpu.memory_space<vmem>>
      %dma_start3A_134 = tpu.memref_squeeze %dma_start3A_133 : memref<1x80xi32, #tpu.memory_space<vmem>> -> memref<80xi32, #tpu.memory_space<vmem>>
      %dma_start3A_135 = arith.constant 0 : i32
      %dma_start3A_136 = arith.constant 0 : i32
      %dma_start3A_137 = tpu.memref_slice %arg12[%dma_start3A_135, %dma_start3A_136] : memref<10000x128xf32, #tpu.memory_space<vmem_shared>> -> memref<10000x128xf32, #tpu.memory_space<vmem_shared>>
      tpu.enqueue_indirect_dma source(%arg11 : memref<80x128xf32, #tpu.memory_space<vmem>>) target(%dma_start3A_137 : memref<10000x128xf32, #tpu.memory_space<vmem_shared>>) offsets(%dma_start3A_134 : memref<80xi32, #tpu.memory_space<vmem>>) semaphore(%arg18 : memref<!tpu.dma_semaphore, #tpu.memory_space<semaphore_mem>>) {add = true}
      %dma_wait3A_138 = arith.constant 0 : i32
      %dma_wait3A_139 = arith.constant 0 : i32
      %dma_wait3A_140 = tpu.memref_slice %arg8[%dma_wait3A_138, %dma_wait3A_139] : memref<125x80xi32, #tpu.memory_space<vmem>> -> memref<1x80xi32, #tpu.memory_space<vmem>>
      %dma_wait3A_141 = tpu.memref_squeeze %dma_wait3A_140 : memref<1x80xi32, #tpu.memory_space<vmem>> -> memref<80xi32, #tpu.memory_space<vmem>>
      %dma_wait3A_142 = arith.constant 0 : i32
      %dma_wait3A_143 = arith.constant 0 : i32
      %dma_wait3A_144 = tpu.memref_slice %arg12[%dma_wait3A_142, %dma_wait3A_143] : memref<10000x128xf32, #tpu.memory_space<vmem_shared>> -> memref<10000x128xf32, #tpu.memory_space<vmem_shared>>
      tpu.wait_indirect_dma semaphore(%arg16 : memref<!tpu.dma_semaphore, #tpu.memory_space<semaphore_mem>>) src(%arg9 : memref<80x128xf32, #tpu.memory_space<vmem>>) dst(%dma_wait3A_144 : memref<10000x128xf32, #tpu.memory_space<vmem_shared>>)
      %add3A_145 = arith.constant 1 : i32
      %add3A_146 = arith.addi %add3A_125, %add3A_145 : i32
      %dma_start3A_147 = arith.constant 0 : i32
      %dma_start3A_148 = tpu.memref_slice %arg7[%add3A_146, %dma_start3A_147] : memref<125x80xi32, #tpu.memory_space<vmem>> -> memref<1x80xi32, #tpu.memory_space<vmem>>
      %dma_start3A_149 = tpu.memref_squeeze %dma_start3A_148 : memref<1x80xi32, #tpu.memory_space<vmem>> -> memref<80xi32, #tpu.memory_space<vmem>>
      %dma_start3A_150 = arith.constant 0 : i32
      %dma_start3A_151 = arith.constant 0 : i32
      %dma_start3A_152 = tpu.memref_slice %arg2[%dma_start3A_150, %dma_start3A_151] : memref<10000x128xf32, #tpu.memory_space<hbm>> -> memref<10000x128xf32, #tpu.memory_space<hbm>>
      tpu.enqueue_indirect_dma source(%dma_start3A_152 : memref<10000x128xf32, #tpu.memory_space<hbm>>) target(%arg9 : memref<80x128xf32, #tpu.memory_space<vmem>>) offsets(%dma_start3A_149 : memref<80xi32, #tpu.memory_space<vmem>>) semaphore(%arg13 : memref<!tpu.dma_semaphore, #tpu.memory_space<semaphore_mem>>)
      %add3A_153 = arith.constant 1 : i32
      %add3A_154 = arith.addi %add3A_125, %add3A_153 : i32
      %dma_wait3A_155 = arith.constant 0 : i32
      %dma_wait3A_156 = tpu.memref_slice %arg7[%add3A_154, %dma_wait3A_155] : memref<125x80xi32, #tpu.memory_space<vmem>> -> memref<1x80xi32, #tpu.memory_space<vmem>>
      %dma_wait3A_157 = tpu.memref_squeeze %dma_wait3A_156 : memref<1x80xi32, #tpu.memory_space<vmem>> -> memref<80xi32, #tpu.memory_space<vmem>>
      %dma_wait3A_158 = arith.constant 0 : i32
      %dma_wait3A_159 = arith.constant 0 : i32
      %dma_wait3A_160 = tpu.memref_slice %arg2[%dma_wait3A_158, %dma_wait3A_159] : memref<10000x128xf32, #tpu.memory_space<hbm>> -> memref<10000x128xf32, #tpu.memory_space<hbm>>
      tpu.wait_indirect_dma semaphore(%arg13 : memref<!tpu.dma_semaphore, #tpu.memory_space<semaphore_mem>>) src(%dma_wait3A_160 : memref<10000x128xf32, #tpu.memory_space<hbm>>) dst(%arg9 : memref<80x128xf32, #tpu.memory_space<vmem>>)
      %add3A_161 = arith.constant 1 : i32
      %add3A_162 = arith.addi %add3A_125, %add3A_161 : i32
      %dma_start3A_163 = arith.constant 0 : i32
      %dma_start3A_164 = tpu.memref_slice %arg8[%add3A_162, %dma_start3A_163] : memref<125x80xi32, #tpu.memory_space<vmem>> -> memref<1x80xi32, #tpu.memory_space<vmem>>
      %dma_start3A_165 = tpu.memref_squeeze %dma_start3A_164 : memref<1x80xi32, #tpu.memory_space<vmem>> -> memref<80xi32, #tpu.memory_space<vmem>>
      %dma_start3A_166 = arith.constant 0 : i32
      %dma_start3A_167 = arith.constant 0 : i32
      %dma_start3A_168 = tpu.memref_slice %arg12[%dma_start3A_166, %dma_start3A_167] : memref<10000x128xf32, #tpu.memory_space<vmem_shared>> -> memref<10000x128xf32, #tpu.memory_space<vmem_shared>>
      tpu.enqueue_indirect_dma source(%arg9 : memref<80x128xf32, #tpu.memory_space<vmem>>) target(%dma_start3A_168 : memref<10000x128xf32, #tpu.memory_space<vmem_shared>>) offsets(%dma_start3A_165 : memref<80xi32, #tpu.memory_space<vmem>>) semaphore(%arg16 : memref<!tpu.dma_semaphore, #tpu.memory_space<semaphore_mem>>) {add = true}
      %dma_wait3A_169 = arith.constant 0 : i32
      %dma_wait3A_170 = arith.constant 0 : i32
      %dma_wait3A_171 = tpu.memref_slice %arg8[%dma_wait3A_169, %dma_wait3A_170] : memref<125x80xi32, #tpu.memory_space<vmem>> -> memref<1x80xi32, #tpu.memory_space<vmem>>
      %dma_wait3A_172 = tpu.memref_squeeze %dma_wait3A_171 : memref<1x80xi32, #tpu.memory_space<vmem>> -> memref<80xi32, #tpu.memory_space<vmem>>
      %dma_wait3A_173 = arith.constant 0 : i32
      %dma_wait3A_174 = arith.constant 0 : i32
      %dma_wait3A_175 = tpu.memref_slice %arg12[%dma_wait3A_173, %dma_wait3A_174] : memref<10000x128xf32, #tpu.memory_space<vmem_shared>> -> memref<10000x128xf32, #tpu.memory_space<vmem_shared>>
      tpu.wait_indirect_dma semaphore(%arg17 : memref<!tpu.dma_semaphore, #tpu.memory_space<semaphore_mem>>) src(%arg10 : memref<80x128xf32, #tpu.memory_space<vmem>>) dst(%dma_wait3A_175 : memref<10000x128xf32, #tpu.memory_space<vmem_shared>>)
      %add3A_176 = arith.constant 2 : i32
      %add3A_177 = arith.addi %add3A_125, %add3A_176 : i32
      %dma_start3A_178 = arith.constant 0 : i32
      %dma_start3A_179 = tpu.memref_slice %arg7[%add3A_177, %dma_start3A_178] : memref<125x80xi32, #tpu.memory_space<vmem>> -> memref<1x80xi32, #tpu.memory_space<vmem>>
      %dma_start3A_180 = tpu.memref_squeeze %dma_start3A_179 : memref<1x80xi32, #tpu.memory_space<vmem>> -> memref<80xi32, #tpu.memory_space<vmem>>
      %dma_start3A_181 = arith.constant 0 : i32
      %dma_start3A_182 = arith.constant 0 : i32
      %dma_start3A_183 = tpu.memref_slice %arg2[%dma_start3A_181, %dma_start3A_182] : memref<10000x128xf32, #tpu.memory_space<hbm>> -> memref<10000x128xf32, #tpu.memory_space<hbm>>
      tpu.enqueue_indirect_dma source(%dma_start3A_183 : memref<10000x128xf32, #tpu.memory_space<hbm>>) target(%arg10 : memref<80x128xf32, #tpu.memory_space<vmem>>) offsets(%dma_start3A_180 : memref<80xi32, #tpu.memory_space<vmem>>) semaphore(%arg14 : memref<!tpu.dma_semaphore, #tpu.memory_space<semaphore_mem>>)
      %add3A_184 = arith.constant 2 : i32
      %add3A_185 = arith.addi %add3A_125, %add3A_184 : i32
      %dma_wait3A_186 = arith.constant 0 : i32
      %dma_wait3A_187 = tpu.memref_slice %arg7[%add3A_185, %dma_wait3A_186] : memref<125x80xi32, #tpu.memory_space<vmem>> -> memref<1x80xi32, #tpu.memory_space<vmem>>
      %dma_wait3A_188 = tpu.memref_squeeze %dma_wait3A_187 : memref<1x80xi32, #tpu.memory_space<vmem>> -> memref<80xi32, #tpu.memory_space<vmem>>
      %dma_wait3A_189 = arith.constant 0 : i32
      %dma_wait3A_190 = arith.constant 0 : i32
      %dma_wait3A_191 = tpu.memref_slice %arg2[%dma_wait3A_189, %dma_wait3A_190] : memref<10000x128xf32, #tpu.memory_space<hbm>> -> memref<10000x128xf32, #tpu.memory_space<hbm>>
      tpu.wait_indirect_dma semaphore(%arg14 : memref<!tpu.dma_semaphore, #tpu.memory_space<semaphore_mem>>) src(%dma_wait3A_191 : memref<10000x128xf32, #tpu.memory_space<hbm>>) dst(%arg10 : memref<80x128xf32, #tpu.memory_space<vmem>>)
      %add3A_192 = arith.constant 2 : i32
      %add3A_193 = arith.addi %add3A_125, %add3A_192 : i32
      %dma_start3A_194 = arith.constant 0 : i32
      %dma_start3A_195 = tpu.memref_slice %arg8[%add3A_193, %dma_start3A_194] : memref<125x80xi32, #tpu.memory_space<vmem>> -> memref<1x80xi32, #tpu.memory_space<vmem>>
      %dma_start3A_196 = tpu.memref_squeeze %dma_start3A_195 : memref<1x80xi32, #tpu.memory_space<vmem>> -> memref<80xi32, #tpu.memory_space<vmem>>
      %dma_start3A_197 = arith.constant 0 : i32
      %dma_start3A_198 = arith.constant 0 : i32
      %dma_start3A_199 = tpu.memref_slice %arg12[%dma_start3A_197, %dma_start3A_198] : memref<10000x128xf32, #tpu.memory_space<vmem_shared>> -> memref<10000x128xf32, #tpu.memory_space<vmem_shared>>
      tpu.enqueue_indirect_dma source(%arg10 : memref<80x128xf32, #tpu.memory_space<vmem>>) target(%dma_start3A_199 : memref<10000x128xf32, #tpu.memory_space<vmem_shared>>) offsets(%dma_start3A_196 : memref<80xi32, #tpu.memory_space<vmem>>) semaphore(%arg17 : memref<!tpu.dma_semaphore, #tpu.memory_space<semaphore_mem>>) {add = true}
      %dma_wait3A_200 = arith.constant 0 : i32
      %dma_wait3A_201 = arith.constant 0 : i32
      %dma_wait3A_202 = tpu.memref_slice %arg8[%dma_wait3A_200, %dma_wait3A_201] : memref<125x80xi32, #tpu.memory_space<vmem>> -> memref<1x80xi32, #tpu.memory_space<vmem>>
      %dma_wait3A_203 = tpu.memref_squeeze %dma_wait3A_202 : memref<1x80xi32, #tpu.memory_space<vmem>> -> memref<80xi32, #tpu.memory_space<vmem>>
      %dma_wait3A_204 = arith.constant 0 : i32
      %dma_wait3A_205 = arith.constant 0 : i32
      %dma_wait3A_206 = tpu.memref_slice %arg12[%dma_wait3A_204, %dma_wait3A_205] : memref<10000x128xf32, #tpu.memory_space<vmem_shared>> -> memref<10000x128xf32, #tpu.memory_space<vmem_shared>>
      tpu.wait_indirect_dma semaphore(%arg18 : memref<!tpu.dma_semaphore, #tpu.memory_space<semaphore_mem>>) src(%arg11 : memref<80x128xf32, #tpu.memory_space<vmem>>) dst(%dma_wait3A_206 : memref<10000x128xf32, #tpu.memory_space<vmem_shared>>)
      %add3A_207 = arith.constant 3 : i32
      %add3A_208 = arith.addi %add3A_125, %add3A_207 : i32
      %min3A_209 = arith.constant 124 : i32
      %min3A_210 = arith.minsi %add3A_208, %min3A_209 : i32
      %dma_start3A_211 = arith.constant 0 : i32
      %dma_start3A_212 = tpu.memref_slice %arg7[%min3A_210, %dma_start3A_211] : memref<125x80xi32, #tpu.memory_space<vmem>> -> memref<1x80xi32, #tpu.memory_space<vmem>>
      %dma_start3A_213 = tpu.memref_squeeze %dma_start3A_212 : memref<1x80xi32, #tpu.memory_space<vmem>> -> memref<80xi32, #tpu.memory_space<vmem>>
      %dma_start3A_214 = arith.constant 0 : i32
      %dma_start3A_215 = arith.constant 0 : i32
      %dma_start3A_216 = tpu.memref_slice %arg2[%dma_start3A_214, %dma_start3A_215] : memref<10000x128xf32, #tpu.memory_space<hbm>> -> memref<10000x128xf32, #tpu.memory_space<hbm>>
      tpu.enqueue_indirect_dma source(%dma_start3A_216 : memref<10000x128xf32, #tpu.memory_space<hbm>>) target(%arg11 : memref<80x128xf32, #tpu.memory_space<vmem>>) offsets(%dma_start3A_213 : memref<80xi32, #tpu.memory_space<vmem>>) semaphore(%arg15 : memref<!tpu.dma_semaphore, #tpu.memory_space<semaphore_mem>>)
    }
    %scan3A_98 = arith.constant 41 : i32
    %dma_wait3A_99 = arith.constant 124 : i32
    %dma_wait3A_100 = arith.constant 0 : i32
    %dma_wait3A_101 = tpu.memref_slice %arg7[%dma_wait3A_99, %dma_wait3A_100] : memref<125x80xi32, #tpu.memory_space<vmem>> -> memref<1x80xi32, #tpu.memory_space<vmem>>
    %dma_wait3A_102 = tpu.memref_squeeze %dma_wait3A_101 : memref<1x80xi32, #tpu.memory_space<vmem>> -> memref<80xi32, #tpu.memory_space<vmem>>
    %dma_wait3A_103 = arith.constant 0 : i32
    %dma_wait3A_104 = arith.constant 0 : i32
    %dma_wait3A_105 = tpu.memref_slice %arg2[%dma_wait3A_103, %dma_wait3A_104] : memref<10000x128xf32, #tpu.memory_space<hbm>> -> memref<10000x128xf32, #tpu.memory_space<hbm>>
    tpu.wait_indirect_dma semaphore(%arg15 : memref<!tpu.dma_semaphore, #tpu.memory_space<semaphore_mem>>) src(%dma_wait3A_105 : memref<10000x128xf32, #tpu.memory_space<hbm>>) dst(%arg11 : memref<80x128xf32, #tpu.memory_space<vmem>>)
    %dma_wait3A_106 = arith.constant 0 : i32
    %dma_wait3A_107 = arith.constant 0 : i32
    %dma_wait3A_108 = tpu.memref_slice %arg8[%dma_wait3A_106, %dma_wait3A_107] : memref<125x80xi32, #tpu.memory_space<vmem>> -> memref<1x80xi32, #tpu.memory_space<vmem>>
    %dma_wait3A_109 = tpu.memref_squeeze %dma_wait3A_108 : memref<1x80xi32, #tpu.memory_space<vmem>> -> memref<80xi32, #tpu.memory_space<vmem>>
    %dma_wait3A_110 = arith.constant 0 : i32
    %dma_wait3A_111 = arith.constant 0 : i32
    %dma_wait3A_112 = tpu.memref_slice %arg12[%dma_wait3A_110, %dma_wait3A_111] : memref<10000x128xf32, #tpu.memory_space<vmem_shared>> -> memref<10000x128xf32, #tpu.memory_space<vmem_shared>>
    tpu.wait_indirect_dma semaphore(%arg16 : memref<!tpu.dma_semaphore, #tpu.memory_space<semaphore_mem>>) src(%arg9 : memref<80x128xf32, #tpu.memory_space<vmem>>) dst(%dma_wait3A_112 : memref<10000x128xf32, #tpu.memory_space<vmem_shared>>)
    %dma_wait3A_113 = arith.constant 0 : i32
    %dma_wait3A_114 = arith.constant 0 : i32
    %dma_wait3A_115 = tpu.memref_slice %arg8[%dma_wait3A_113, %dma_wait3A_114] : memref<125x80xi32, #tpu.memory_space<vmem>> -> memref<1x80xi32, #tpu.memory_space<vmem>>
    %dma_wait3A_116 = tpu.memref_squeeze %dma_wait3A_115 : memref<1x80xi32, #tpu.memory_space<vmem>> -> memref<80xi32, #tpu.memory_space<vmem>>
    %dma_wait3A_117 = arith.constant 0 : i32
    %dma_wait3A_118 = arith.constant 0 : i32
    %dma_wait3A_119 = tpu.memref_slice %arg12[%dma_wait3A_117, %dma_wait3A_118] : memref<10000x128xf32, #tpu.memory_space<vmem_shared>> -> memref<10000x128xf32, #tpu.memory_space<vmem_shared>>
    tpu.wait_indirect_dma semaphore(%arg17 : memref<!tpu.dma_semaphore, #tpu.memory_space<semaphore_mem>>) src(%arg10 : memref<80x128xf32, #tpu.memory_space<vmem>>) dst(%dma_wait3A_119 : memref<10000x128xf32, #tpu.memory_space<vmem_shared>>)
    %barrier3A_120 = arith.constant 0 : index
    tpu.barrier barrier_id(%barrier3A_120)
    "tpu.region"() ({
      %run_scoped3A = tpu.sem_alloc : memref<!tpu.dma_semaphore, #tpu.memory_space<semaphore_mem>>
      %dma_start3A_121 = arith.constant 0 : i32
      %dma_start3A_122 = tpu.memref_slice %arg6[%arg0, %multiple_of3A, %dma_start3A_121] : memref<2x10000x128xf32, #tpu.memory_space<hbm>> -> memref<1x632x128xf32, #tpu.memory_space<hbm>>
      %dma_start3A_123 = tpu.memref_squeeze %dma_start3A_122 : memref<1x632x128xf32, #tpu.memory_space<hbm>> -> memref<632x128xf32, #tpu.memory_space<hbm>>
      %dma_start3A_124 = arith.constant 0 : i32
      %dma_start3A_125 = tpu.memref_slice %arg12[%multiple_of3A, %dma_start3A_124] : memref<10000x128xf32, #tpu.memory_space<vmem_shared>> -> memref<632x128xf32, #tpu.memory_space<vmem_shared>>
      tpu.enqueue_dma source(%dma_start3A_125 : memref<632x128xf32, #tpu.memory_space<vmem_shared>>) target(%dma_start3A_123 : memref<632x128xf32, #tpu.memory_space<hbm>>) target_semaphore(%run_scoped3A : memref<!tpu.dma_semaphore, #tpu.memory_space<semaphore_mem>>)
      %dma_wait3A_126 = arith.constant 0 : i32
      %dma_wait3A_127 = tpu.memref_slice %arg6[%arg0, %multiple_of3A, %dma_wait3A_126] : memref<2x10000x128xf32, #tpu.memory_space<hbm>> -> memref<1x632x128xf32, #tpu.memory_space<hbm>>
      %dma_wait3A_128 = tpu.memref_squeeze %dma_wait3A_127 : memref<1x632x128xf32, #tpu.memory_space<hbm>> -> memref<632x128xf32, #tpu.memory_space<hbm>>
      %dma_wait3A_129 = arith.constant 0 : i32
      %dma_wait3A_130 = tpu.memref_slice %arg12[%multiple_of3A, %dma_wait3A_129] : memref<10000x128xf32, #tpu.memory_space<vmem_shared>> -> memref<632x128xf32, #tpu.memory_space<vmem_shared>>
      tpu.wait_dma2 semaphore(%run_scoped3A : memref<!tpu.dma_semaphore, #tpu.memory_space<semaphore_mem>>) src(%dma_wait3A_130 : memref<632x128xf32, #tpu.memory_space<vmem_shared>>) dst(%dma_wait3A_128 : memref<632x128xf32, #tpu.memory_space<hbm>>)
      tpu.yield
    }) : () -> ()
    return
  }
}

#map = affine_map<(d0, d1) -> (0, 0, 0)>
#map1 = affine_map<(d0, d1) -> (0, 0)>
module attributes {stable_mosaic.version = 14 : i64} {
  func.func @deg_kernel(%arg0: i32, %arg1: i32, %arg2: memref<32x125x80xi32, #tpu.memory_space<hbm>>, %arg3: memref<10000x16xf32, #tpu.memory_space<hbm>>, %arg4: memref<80x16xf32, #tpu.memory_space<hbm>>, %arg5: memref<2x10000x16xf32, #tpu.memory_space<hbm>>, %arg6: memref<125x80xi32, #tpu.memory_space<vmem>>, %arg7: memref<80x16xf32, #tpu.memory_space<vmem>>, %arg8: memref<10000x16xf32, #tpu.memory_space<vmem_shared>>, %arg9: memref<!tpu.dma_semaphore, #tpu.memory_space<semaphore_mem>>, %arg10: memref<!tpu.dma_semaphore, #tpu.memory_space<semaphore_mem>>, %arg11: memref<!tpu.dma_semaphore, #tpu.memory_space<semaphore_mem>>) attributes {dimension_semantics = [#tpu.dimension_semantics<core_parallel>, #tpu.dimension_semantics<subcore_parallel>], iteration_bounds = array<i64: 2, 16>, scalar_prefetch = 0 : i64, scratch_operands = 6 : i64, tpu.core_type = #tpu.core_type<sc_vector_subcore>, window_params = [{transform_indices = #map}, {transform_indices = #map1}, {transform_indices = #map1}, {transform_indices = #map}]} {
    %mul3A = arith.constant 2 : i32
    %mul3A_0 = arith.muli %arg1, %mul3A : i32
    %add3A = arith.addi %mul3A_0, %arg0 : i32
    %mul3A_1 = arith.constant 632 : i32
    %mul3A_2 = arith.muli %arg1, %mul3A_1 : i32
    %min3A = arith.constant 9368 : i32
    %min3A_3 = arith.minsi %mul3A_2, %min3A : i32
    %multiple_of3A = tpu.assume_multiple %min3A_3, 8 : i32
    %dma_start3A = arith.constant 0 : i32
    %dma_start3A_4 = arith.constant 0 : i32
    %dma_start3A_5 = tpu.memref_slice %arg2[%add3A, %dma_start3A, %dma_start3A_4] : memref<32x125x80xi32, #tpu.memory_space<hbm>> -> memref<1x125x80xi32, #tpu.memory_space<hbm>>
    %dma_start3A_6 = tpu.memref_squeeze %dma_start3A_5 : memref<1x125x80xi32, #tpu.memory_space<hbm>> -> memref<125x80xi32, #tpu.memory_space<hbm>>
    %dma_start3A_7 = arith.constant 0 : i32
    %dma_start3A_8 = arith.constant 0 : i32
    %dma_start3A_9 = tpu.memref_slice %arg2[%add3A, %dma_start3A_7, %dma_start3A_8] : memref<32x125x80xi32, #tpu.memory_space<hbm>> -> memref<1x125x80xi32, #tpu.memory_space<hbm>>
    %dma_start3A_10 = tpu.memref_squeeze %dma_start3A_9 : memref<1x125x80xi32, #tpu.memory_space<hbm>> -> memref<125x80xi32, #tpu.memory_space<hbm>>
    tpu.enqueue_dma source(%dma_start3A_10 : memref<125x80xi32, #tpu.memory_space<hbm>>) target(%arg6 : memref<125x80xi32, #tpu.memory_space<vmem>>) target_semaphore(%arg9 : memref<!tpu.dma_semaphore, #tpu.memory_space<semaphore_mem>>)
    tpu.enqueue_dma source(%arg4 : memref<80x16xf32, #tpu.memory_space<hbm>>) target(%arg7 : memref<80x16xf32, #tpu.memory_space<vmem>>) target_semaphore(%arg10 : memref<!tpu.dma_semaphore, #tpu.memory_space<semaphore_mem>>)
    %dma_start3A_11 = arith.constant 0 : i32
    %dma_start3A_12 = tpu.memref_slice %arg8[%multiple_of3A, %dma_start3A_11] : memref<10000x16xf32, #tpu.memory_space<vmem_shared>> -> memref<632x16xf32, #tpu.memory_space<vmem_shared>>
    %dma_start3A_13 = arith.constant 0 : i32
    %dma_start3A_14 = tpu.memref_slice %arg3[%multiple_of3A, %dma_start3A_13] : memref<10000x16xf32, #tpu.memory_space<hbm>> -> memref<632x16xf32, #tpu.memory_space<hbm>>
    tpu.enqueue_dma source(%dma_start3A_14 : memref<632x16xf32, #tpu.memory_space<hbm>>) target(%dma_start3A_12 : memref<632x16xf32, #tpu.memory_space<vmem_shared>>) target_semaphore(%arg11 : memref<!tpu.dma_semaphore, #tpu.memory_space<semaphore_mem>>)
    %dma_wait3A = arith.constant 0 : i32
    %dma_wait3A_15 = arith.constant 0 : i32
    %dma_wait3A_16 = tpu.memref_slice %arg2[%add3A, %dma_wait3A, %dma_wait3A_15] : memref<32x125x80xi32, #tpu.memory_space<hbm>> -> memref<1x125x80xi32, #tpu.memory_space<hbm>>
    %dma_wait3A_17 = tpu.memref_squeeze %dma_wait3A_16 : memref<1x125x80xi32, #tpu.memory_space<hbm>> -> memref<125x80xi32, #tpu.memory_space<hbm>>
    %dma_wait3A_18 = arith.constant 0 : i32
    %dma_wait3A_19 = arith.constant 0 : i32
    %dma_wait3A_20 = tpu.memref_slice %arg2[%add3A, %dma_wait3A_18, %dma_wait3A_19] : memref<32x125x80xi32, #tpu.memory_space<hbm>> -> memref<1x125x80xi32, #tpu.memory_space<hbm>>
    %dma_wait3A_21 = tpu.memref_squeeze %dma_wait3A_20 : memref<1x125x80xi32, #tpu.memory_space<hbm>> -> memref<125x80xi32, #tpu.memory_space<hbm>>
    tpu.wait_dma2 semaphore(%arg9 : memref<!tpu.dma_semaphore, #tpu.memory_space<semaphore_mem>>) src(%dma_wait3A_21 : memref<125x80xi32, #tpu.memory_space<hbm>>) dst(%arg6 : memref<125x80xi32, #tpu.memory_space<vmem>>)
    tpu.wait_dma2 semaphore(%arg10 : memref<!tpu.dma_semaphore, #tpu.memory_space<semaphore_mem>>) src(%arg4 : memref<80x16xf32, #tpu.memory_space<hbm>>) dst(%arg7 : memref<80x16xf32, #tpu.memory_space<vmem>>)
    %dma_wait3A_22 = arith.constant 0 : i32
    %dma_wait3A_23 = tpu.memref_slice %arg8[%multiple_of3A, %dma_wait3A_22] : memref<10000x16xf32, #tpu.memory_space<vmem_shared>> -> memref<632x16xf32, #tpu.memory_space<vmem_shared>>
    %dma_wait3A_24 = arith.constant 0 : i32
    %dma_wait3A_25 = tpu.memref_slice %arg3[%multiple_of3A, %dma_wait3A_24] : memref<10000x16xf32, #tpu.memory_space<hbm>> -> memref<632x16xf32, #tpu.memory_space<hbm>>
    tpu.wait_dma2 semaphore(%arg11 : memref<!tpu.dma_semaphore, #tpu.memory_space<semaphore_mem>>) src(%dma_wait3A_25 : memref<632x16xf32, #tpu.memory_space<hbm>>) dst(%dma_wait3A_23 : memref<632x16xf32, #tpu.memory_space<vmem_shared>>)
    %barrier3A = arith.constant 0 : index
    tpu.barrier barrier_id(%barrier3A)
    %scan3A = arith.constant 0 : i32
    %scan3A_26 = arith.constant 0 : i32
    %scan3A_27 = arith.constant 125 : i32
    %scan3A_28 = arith.addi %scan3A_26, %scan3A_27 : i32
    %scan3A_29 = arith.constant 1 : i32
    scf.for %scan3A_38 = %scan3A_26 to %scan3A_28 step %scan3A_29  : i32 {
      %dma_start3A_39 = arith.constant 0 : i32
      %dma_start3A_40 = tpu.memref_slice %arg6[%scan3A_38, %dma_start3A_39] : memref<125x80xi32, #tpu.memory_space<vmem>> -> memref<1x80xi32, #tpu.memory_space<vmem>>
      %dma_start3A_41 = tpu.memref_squeeze %dma_start3A_40 : memref<1x80xi32, #tpu.memory_space<vmem>> -> memref<80xi32, #tpu.memory_space<vmem>>
      %dma_start3A_42 = arith.constant 0 : i32
      %dma_start3A_43 = arith.constant 0 : i32
      %dma_start3A_44 = tpu.memref_slice %arg8[%dma_start3A_42, %dma_start3A_43] : memref<10000x16xf32, #tpu.memory_space<vmem_shared>> -> memref<10000x16xf32, #tpu.memory_space<vmem_shared>>
      tpu.enqueue_indirect_dma source(%arg7 : memref<80x16xf32, #tpu.memory_space<vmem>>) target(%dma_start3A_44 : memref<10000x16xf32, #tpu.memory_space<vmem_shared>>) offsets(%dma_start3A_41 : memref<80xi32, #tpu.memory_space<vmem>>) semaphore(%arg9 : memref<!tpu.dma_semaphore, #tpu.memory_space<semaphore_mem>>) {add = true}
    }
    %scan3A_30 = arith.constant 125 : i32
    %scan3A_31 = arith.constant 0 : i32
    %scan3A_32 = arith.constant 0 : i32
    %scan3A_33 = arith.constant 125 : i32
    %scan3A_34 = arith.addi %scan3A_32, %scan3A_33 : i32
    %scan3A_35 = arith.constant 1 : i32
    scf.for %scan3A_38 = %scan3A_32 to %scan3A_34 step %scan3A_35  : i32 {
      %dma_wait3A_39 = arith.constant 0 : i32
      %dma_wait3A_40 = tpu.memref_slice %arg6[%scan3A_38, %dma_wait3A_39] : memref<125x80xi32, #tpu.memory_space<vmem>> -> memref<1x80xi32, #tpu.memory_space<vmem>>
      %dma_wait3A_41 = tpu.memref_squeeze %dma_wait3A_40 : memref<1x80xi32, #tpu.memory_space<vmem>> -> memref<80xi32, #tpu.memory_space<vmem>>
      %dma_wait3A_42 = arith.constant 0 : i32
      %dma_wait3A_43 = arith.constant 0 : i32
      %dma_wait3A_44 = tpu.memref_slice %arg8[%dma_wait3A_42, %dma_wait3A_43] : memref<10000x16xf32, #tpu.memory_space<vmem_shared>> -> memref<10000x16xf32, #tpu.memory_space<vmem_shared>>
      tpu.wait_indirect_dma semaphore(%arg9 : memref<!tpu.dma_semaphore, #tpu.memory_space<semaphore_mem>>) src(%arg7 : memref<80x16xf32, #tpu.memory_space<vmem>>) dst(%dma_wait3A_44 : memref<10000x16xf32, #tpu.memory_space<vmem_shared>>)
    }
    %scan3A_36 = arith.constant 125 : i32
    %barrier3A_37 = arith.constant 0 : index
    tpu.barrier barrier_id(%barrier3A_37)
    "tpu.region"() ({
      %run_scoped3A = tpu.sem_alloc : memref<!tpu.dma_semaphore, #tpu.memory_space<semaphore_mem>>
      %dma_start3A_38 = arith.constant 0 : i32
      %dma_start3A_39 = tpu.memref_slice %arg5[%arg0, %multiple_of3A, %dma_start3A_38] : memref<2x10000x16xf32, #tpu.memory_space<hbm>> -> memref<1x632x16xf32, #tpu.memory_space<hbm>>
      %dma_start3A_40 = tpu.memref_squeeze %dma_start3A_39 : memref<1x632x16xf32, #tpu.memory_space<hbm>> -> memref<632x16xf32, #tpu.memory_space<hbm>>
      %dma_start3A_41 = arith.constant 0 : i32
      %dma_start3A_42 = tpu.memref_slice %arg8[%multiple_of3A, %dma_start3A_41] : memref<10000x16xf32, #tpu.memory_space<vmem_shared>> -> memref<632x16xf32, #tpu.memory_space<vmem_shared>>
      tpu.enqueue_dma source(%dma_start3A_42 : memref<632x16xf32, #tpu.memory_space<vmem_shared>>) target(%dma_start3A_40 : memref<632x16xf32, #tpu.memory_space<hbm>>) target_semaphore(%run_scoped3A : memref<!tpu.dma_semaphore, #tpu.memory_space<semaphore_mem>>)
      %dma_wait3A_43 = arith.constant 0 : i32
      %dma_wait3A_44 = tpu.memref_slice %arg5[%arg0, %multiple_of3A, %dma_wait3A_43] : memref<2x10000x16xf32, #tpu.memory_space<hbm>> -> memref<1x632x16xf32, #tpu.memory_space<hbm>>
      %dma_wait3A_45 = tpu.memref_squeeze %dma_wait3A_44 : memref<1x632x16xf32, #tpu.memory_space<hbm>> -> memref<632x16xf32, #tpu.memory_space<hbm>>
      %dma_wait3A_46 = arith.constant 0 : i32
      %dma_wait3A_47 = tpu.memref_slice %arg8[%multiple_of3A, %dma_wait3A_46] : memref<10000x16xf32, #tpu.memory_space<vmem_shared>> -> memref<632x16xf32, #tpu.memory_space<vmem_shared>>
      tpu.wait_dma2 semaphore(%run_scoped3A : memref<!tpu.dma_semaphore, #tpu.memory_space<semaphore_mem>>) src(%dma_wait3A_47 : memref<632x16xf32, #tpu.memory_space<vmem_shared>>) dst(%dma_wait3A_45 : memref<632x16xf32, #tpu.memory_space<hbm>>)
      tpu.yield
    }) : () -> ()
    return
  }
}

#map = affine_map<(d0, d1) -> (0, 0)>
#map1 = affine_map<(d0, d1) -> (0, 0, 0)>
module attributes {stable_mosaic.version = 14 : i64} {
  func.func @spmm_kernel(%arg0: i32, %arg1: i32, %arg2: memref<10000x128xf32, #tpu.memory_space<hbm>>, %arg3: memref<10000x128xf32, #tpu.memory_space<hbm>>, %arg4: memref<32x125x80xi32, #tpu.memory_space<hbm>>, %arg5: memref<32x125x80xi32, #tpu.memory_space<hbm>>, %arg6: memref<2x10000x128xf32, #tpu.memory_space<hbm>>, %arg7: memref<125x80xi32, #tpu.memory_space<vmem>>, %arg8: memref<125x80xi32, #tpu.memory_space<vmem>>, %arg9: memref<80x128xf32, #tpu.memory_space<vmem>>, %arg10: memref<80x128xf32, #tpu.memory_space<vmem>>, %arg11: memref<80x128xf32, #tpu.memory_space<vmem>>, %arg12: memref<10000x128xf32, #tpu.memory_space<vmem_shared>>, %arg13: memref<!tpu.dma_semaphore, #tpu.memory_space<semaphore_mem>>, %arg14: memref<!tpu.dma_semaphore, #tpu.memory_space<semaphore_mem>>, %arg15: memref<!tpu.dma_semaphore, #tpu.memory_space<semaphore_mem>>, %arg16: memref<!tpu.dma_semaphore, #tpu.memory_space<semaphore_mem>>, %arg17: memref<!tpu.dma_semaphore, #tpu.memory_space<semaphore_mem>>, %arg18: memref<!tpu.dma_semaphore, #tpu.memory_space<semaphore_mem>>) attributes {dimension_semantics = [#tpu.dimension_semantics<core_parallel>, #tpu.dimension_semantics<subcore_parallel>], iteration_bounds = array<i64: 2, 16>, scalar_prefetch = 0 : i64, scratch_operands = 12 : i64, tpu.core_type = #tpu.core_type<sc_vector_subcore>, window_params = [{transform_indices = #map}, {transform_indices = #map}, {transform_indices = #map1}, {transform_indices = #map1}, {transform_indices = #map1}]} {
    %mul3A = arith.constant 2 : i32
    %mul3A_0 = arith.muli %arg1, %mul3A : i32
    %add3A = arith.addi %mul3A_0, %arg0 : i32
    %mul3A_1 = arith.constant 632 : i32
    %mul3A_2 = arith.muli %arg1, %mul3A_1 : i32
    %min3A = arith.constant 9368 : i32
    %min3A_3 = arith.minsi %mul3A_2, %min3A : i32
    %multiple_of3A = tpu.assume_multiple %min3A_3, 8 : i32
    %dma_start3A = arith.constant 0 : i32
    %dma_start3A_4 = arith.constant 0 : i32
    %dma_start3A_5 = tpu.memref_slice %arg4[%add3A, %dma_start3A, %dma_start3A_4] : memref<32x125x80xi32, #tpu.memory_space<hbm>> -> memref<1x125x80xi32, #tpu.memory_space<hbm>>
    %dma_start3A_6 = tpu.memref_squeeze %dma_start3A_5 : memref<1x125x80xi32, #tpu.memory_space<hbm>> -> memref<125x80xi32, #tpu.memory_space<hbm>>
    %dma_start3A_7 = arith.constant 0 : i32
    %dma_start3A_8 = arith.constant 0 : i32
    %dma_start3A_9 = tpu.memref_slice %arg4[%add3A, %dma_start3A_7, %dma_start3A_8] : memref<32x125x80xi32, #tpu.memory_space<hbm>> -> memref<1x125x80xi32, #tpu.memory_space<hbm>>
    %dma_start3A_10 = tpu.memref_squeeze %dma_start3A_9 : memref<1x125x80xi32, #tpu.memory_space<hbm>> -> memref<125x80xi32, #tpu.memory_space<hbm>>
    tpu.enqueue_dma source(%dma_start3A_10 : memref<125x80xi32, #tpu.memory_space<hbm>>) target(%arg7 : memref<125x80xi32, #tpu.memory_space<vmem>>) target_semaphore(%arg13 : memref<!tpu.dma_semaphore, #tpu.memory_space<semaphore_mem>>)
    %dma_start3A_11 = arith.constant 0 : i32
    %dma_start3A_12 = arith.constant 0 : i32
    %dma_start3A_13 = tpu.memref_slice %arg5[%add3A, %dma_start3A_11, %dma_start3A_12] : memref<32x125x80xi32, #tpu.memory_space<hbm>> -> memref<1x125x80xi32, #tpu.memory_space<hbm>>
    %dma_start3A_14 = tpu.memref_squeeze %dma_start3A_13 : memref<1x125x80xi32, #tpu.memory_space<hbm>> -> memref<125x80xi32, #tpu.memory_space<hbm>>
    %dma_start3A_15 = arith.constant 0 : i32
    %dma_start3A_16 = arith.constant 0 : i32
    %dma_start3A_17 = tpu.memref_slice %arg5[%add3A, %dma_start3A_15, %dma_start3A_16] : memref<32x125x80xi32, #tpu.memory_space<hbm>> -> memref<1x125x80xi32, #tpu.memory_space<hbm>>
    %dma_start3A_18 = tpu.memref_squeeze %dma_start3A_17 : memref<1x125x80xi32, #tpu.memory_space<hbm>> -> memref<125x80xi32, #tpu.memory_space<hbm>>
    tpu.enqueue_dma source(%dma_start3A_18 : memref<125x80xi32, #tpu.memory_space<hbm>>) target(%arg8 : memref<125x80xi32, #tpu.memory_space<vmem>>) target_semaphore(%arg14 : memref<!tpu.dma_semaphore, #tpu.memory_space<semaphore_mem>>)
    %eq3A = arith.constant 0 : i32
    %eq3A_19 = arith.cmpi eq, %arg0, %eq3A : i32
    %convert_element_type3A = arith.extui %eq3A_19 : i1 to i32
    %cond3A = arith.constant 0 : i32
    %cond3A_20 = arith.cmpi ne, %convert_element_type3A, %cond3A : i32
    scf.if %cond3A_20 {
      %dma_start3A_121 = arith.constant 0 : i32
      %dma_start3A_122 = tpu.memref_slice %arg12[%multiple_of3A, %dma_start3A_121] : memref<10000x128xf32, #tpu.memory_space<vmem_shared>> -> memref<632x128xf32, #tpu.memory_space<vmem_shared>>
      %dma_start3A_123 = arith.constant 0 : i32
      %dma_start3A_124 = tpu.memref_slice %arg2[%multiple_of3A, %dma_start3A_123] : memref<10000x128xf32, #tpu.memory_space<hbm>> -> memref<632x128xf32, #tpu.memory_space<hbm>>
      tpu.enqueue_dma source(%dma_start3A_124 : memref<632x128xf32, #tpu.memory_space<hbm>>) target(%dma_start3A_122 : memref<632x128xf32, #tpu.memory_space<vmem_shared>>) target_semaphore(%arg15 : memref<!tpu.dma_semaphore, #tpu.memory_space<semaphore_mem>>)
    } else {
    }
    %eq3A_21 = arith.constant 1 : i32
    %eq3A_22 = arith.cmpi eq, %arg0, %eq3A_21 : i32
    %convert_element_type3A_23 = arith.extui %eq3A_22 : i1 to i32
    %cond3A_24 = arith.constant 0 : i32
    %cond3A_25 = arith.cmpi ne, %convert_element_type3A_23, %cond3A_24 : i32
    scf.if %cond3A_25 {
      %dma_start3A_121 = arith.constant 0 : i32
      %dma_start3A_122 = tpu.memref_slice %arg12[%multiple_of3A, %dma_start3A_121] : memref<10000x128xf32, #tpu.memory_space<vmem_shared>> -> memref<632x128xf32, #tpu.memory_space<vmem_shared>>
      %dma_start3A_123 = arith.constant 0 : i32
      %dma_start3A_124 = tpu.memref_slice %arg3[%multiple_of3A, %dma_start3A_123] : memref<10000x128xf32, #tpu.memory_space<hbm>> -> memref<632x128xf32, #tpu.memory_space<hbm>>
      tpu.enqueue_dma source(%dma_start3A_124 : memref<632x128xf32, #tpu.memory_space<hbm>>) target(%dma_start3A_122 : memref<632x128xf32, #tpu.memory_space<vmem_shared>>) target_semaphore(%arg15 : memref<!tpu.dma_semaphore, #tpu.memory_space<semaphore_mem>>)
    } else {
    }
    %dma_wait3A = arith.constant 0 : i32
    %dma_wait3A_26 = arith.constant 0 : i32
    %dma_wait3A_27 = tpu.memref_slice %arg4[%add3A, %dma_wait3A, %dma_wait3A_26] : memref<32x125x80xi32, #tpu.memory_space<hbm>> -> memref<1x125x80xi32, #tpu.memory_space<hbm>>
    %dma_wait3A_28 = tpu.memref_squeeze %dma_wait3A_27 : memref<1x125x80xi32, #tpu.memory_space<hbm>> -> memref<125x80xi32, #tpu.memory_space<hbm>>
    %dma_wait3A_29 = arith.constant 0 : i32
    %dma_wait3A_30 = arith.constant 0 : i32
    %dma_wait3A_31 = tpu.memref_slice %arg4[%add3A, %dma_wait3A_29, %dma_wait3A_30] : memref<32x125x80xi32, #tpu.memory_space<hbm>> -> memref<1x125x80xi32, #tpu.memory_space<hbm>>
    %dma_wait3A_32 = tpu.memref_squeeze %dma_wait3A_31 : memref<1x125x80xi32, #tpu.memory_space<hbm>> -> memref<125x80xi32, #tpu.memory_space<hbm>>
    tpu.wait_dma2 semaphore(%arg13 : memref<!tpu.dma_semaphore, #tpu.memory_space<semaphore_mem>>) src(%dma_wait3A_32 : memref<125x80xi32, #tpu.memory_space<hbm>>) dst(%arg7 : memref<125x80xi32, #tpu.memory_space<vmem>>)
    %dma_wait3A_33 = arith.constant 0 : i32
    %dma_wait3A_34 = arith.constant 0 : i32
    %dma_wait3A_35 = tpu.memref_slice %arg5[%add3A, %dma_wait3A_33, %dma_wait3A_34] : memref<32x125x80xi32, #tpu.memory_space<hbm>> -> memref<1x125x80xi32, #tpu.memory_space<hbm>>
    %dma_wait3A_36 = tpu.memref_squeeze %dma_wait3A_35 : memref<1x125x80xi32, #tpu.memory_space<hbm>> -> memref<125x80xi32, #tpu.memory_space<hbm>>
    %dma_wait3A_37 = arith.constant 0 : i32
    %dma_wait3A_38 = arith.constant 0 : i32
    %dma_wait3A_39 = tpu.memref_slice %arg5[%add3A, %dma_wait3A_37, %dma_wait3A_38] : memref<32x125x80xi32, #tpu.memory_space<hbm>> -> memref<1x125x80xi32, #tpu.memory_space<hbm>>
    %dma_wait3A_40 = tpu.memref_squeeze %dma_wait3A_39 : memref<1x125x80xi32, #tpu.memory_space<hbm>> -> memref<125x80xi32, #tpu.memory_space<hbm>>
    tpu.wait_dma2 semaphore(%arg14 : memref<!tpu.dma_semaphore, #tpu.memory_space<semaphore_mem>>) src(%dma_wait3A_40 : memref<125x80xi32, #tpu.memory_space<hbm>>) dst(%arg8 : memref<125x80xi32, #tpu.memory_space<vmem>>)
    %dma_wait3A_41 = arith.constant 0 : i32
    %dma_wait3A_42 = tpu.memref_slice %arg12[%multiple_of3A, %dma_wait3A_41] : memref<10000x128xf32, #tpu.memory_space<vmem_shared>> -> memref<632x128xf32, #tpu.memory_space<vmem_shared>>
    %dma_wait3A_43 = arith.constant 0 : i32
    %dma_wait3A_44 = tpu.memref_slice %arg2[%multiple_of3A, %dma_wait3A_43] : memref<10000x128xf32, #tpu.memory_space<hbm>> -> memref<632x128xf32, #tpu.memory_space<hbm>>
    tpu.wait_dma2 semaphore(%arg15 : memref<!tpu.dma_semaphore, #tpu.memory_space<semaphore_mem>>) src(%dma_wait3A_44 : memref<632x128xf32, #tpu.memory_space<hbm>>) dst(%dma_wait3A_42 : memref<632x128xf32, #tpu.memory_space<vmem_shared>>)
    %barrier3A = arith.constant 0 : index
    tpu.barrier barrier_id(%barrier3A)
    %dma_start3A_45 = arith.constant 0 : i32
    %dma_start3A_46 = arith.constant 0 : i32
    %dma_start3A_47 = tpu.memref_slice %arg7[%dma_start3A_45, %dma_start3A_46] : memref<125x80xi32, #tpu.memory_space<vmem>> -> memref<1x80xi32, #tpu.memory_space<vmem>>
    %dma_start3A_48 = tpu.memref_squeeze %dma_start3A_47 : memref<1x80xi32, #tpu.memory_space<vmem>> -> memref<80xi32, #tpu.memory_space<vmem>>
    %dma_start3A_49 = arith.constant 0 : i32
    %dma_start3A_50 = arith.constant 0 : i32
    %dma_start3A_51 = tpu.memref_slice %arg2[%dma_start3A_49, %dma_start3A_50] : memref<10000x128xf32, #tpu.memory_space<hbm>> -> memref<10000x128xf32, #tpu.memory_space<hbm>>
    tpu.enqueue_indirect_dma source(%dma_start3A_51 : memref<10000x128xf32, #tpu.memory_space<hbm>>) target(%arg9 : memref<80x128xf32, #tpu.memory_space<vmem>>) offsets(%dma_start3A_48 : memref<80xi32, #tpu.memory_space<vmem>>) semaphore(%arg13 : memref<!tpu.dma_semaphore, #tpu.memory_space<semaphore_mem>>)
    %dma_start3A_52 = arith.constant 1 : i32
    %dma_start3A_53 = arith.constant 0 : i32
    %dma_start3A_54 = tpu.memref_slice %arg7[%dma_start3A_52, %dma_start3A_53] : memref<125x80xi32, #tpu.memory_space<vmem>> -> memref<1x80xi32, #tpu.memory_space<vmem>>
    %dma_start3A_55 = tpu.memref_squeeze %dma_start3A_54 : memref<1x80xi32, #tpu.memory_space<vmem>> -> memref<80xi32, #tpu.memory_space<vmem>>
    %dma_start3A_56 = arith.constant 0 : i32
    %dma_start3A_57 = arith.constant 0 : i32
    %dma_start3A_58 = tpu.memref_slice %arg2[%dma_start3A_56, %dma_start3A_57] : memref<10000x128xf32, #tpu.memory_space<hbm>> -> memref<10000x128xf32, #tpu.memory_space<hbm>>
    tpu.enqueue_indirect_dma source(%dma_start3A_58 : memref<10000x128xf32, #tpu.memory_space<hbm>>) target(%arg10 : memref<80x128xf32, #tpu.memory_space<vmem>>) offsets(%dma_start3A_55 : memref<80xi32, #tpu.memory_space<vmem>>) semaphore(%arg14 : memref<!tpu.dma_semaphore, #tpu.memory_space<semaphore_mem>>)
    %dma_start3A_59 = arith.constant 2 : i32
    %dma_start3A_60 = arith.constant 0 : i32
    %dma_start3A_61 = tpu.memref_slice %arg7[%dma_start3A_59, %dma_start3A_60] : memref<125x80xi32, #tpu.memory_space<vmem>> -> memref<1x80xi32, #tpu.memory_space<vmem>>
    %dma_start3A_62 = tpu.memref_squeeze %dma_start3A_61 : memref<1x80xi32, #tpu.memory_space<vmem>> -> memref<80xi32, #tpu.memory_space<vmem>>
    %dma_start3A_63 = arith.constant 0 : i32
    %dma_start3A_64 = arith.constant 0 : i32
    %dma_start3A_65 = tpu.memref_slice %arg2[%dma_start3A_63, %dma_start3A_64] : memref<10000x128xf32, #tpu.memory_space<hbm>> -> memref<10000x128xf32, #tpu.memory_space<hbm>>
    tpu.enqueue_indirect_dma source(%dma_start3A_65 : memref<10000x128xf32, #tpu.memory_space<hbm>>) target(%arg11 : memref<80x128xf32, #tpu.memory_space<vmem>>) offsets(%dma_start3A_62 : memref<80xi32, #tpu.memory_space<vmem>>) semaphore(%arg15 : memref<!tpu.dma_semaphore, #tpu.memory_space<semaphore_mem>>)
    %dma_wait3A_66 = arith.constant 0 : i32
    %dma_wait3A_67 = arith.constant 0 : i32
    %dma_wait3A_68 = tpu.memref_slice %arg7[%dma_wait3A_66, %dma_wait3A_67] : memref<125x80xi32, #tpu.memory_space<vmem>> -> memref<1x80xi32, #tpu.memory_space<vmem>>
    %dma_wait3A_69 = tpu.memref_squeeze %dma_wait3A_68 : memref<1x80xi32, #tpu.memory_space<vmem>> -> memref<80xi32, #tpu.memory_space<vmem>>
    %dma_wait3A_70 = arith.constant 0 : i32
    %dma_wait3A_71 = arith.constant 0 : i32
    %dma_wait3A_72 = tpu.memref_slice %arg2[%dma_wait3A_70, %dma_wait3A_71] : memref<10000x128xf32, #tpu.memory_space<hbm>> -> memref<10000x128xf32, #tpu.memory_space<hbm>>
    tpu.wait_indirect_dma semaphore(%arg13 : memref<!tpu.dma_semaphore, #tpu.memory_space<semaphore_mem>>) src(%dma_wait3A_72 : memref<10000x128xf32, #tpu.memory_space<hbm>>) dst(%arg9 : memref<80x128xf32, #tpu.memory_space<vmem>>)
    %dma_start3A_73 = arith.constant 0 : i32
    %dma_start3A_74 = arith.constant 0 : i32
    %dma_start3A_75 = tpu.memref_slice %arg8[%dma_start3A_73, %dma_start3A_74] : memref<125x80xi32, #tpu.memory_space<vmem>> -> memref<1x80xi32, #tpu.memory_space<vmem>>
    %dma_start3A_76 = tpu.memref_squeeze %dma_start3A_75 : memref<1x80xi32, #tpu.memory_space<vmem>> -> memref<80xi32, #tpu.memory_space<vmem>>
    %dma_start3A_77 = arith.constant 0 : i32
    %dma_start3A_78 = arith.constant 0 : i32
    %dma_start3A_79 = tpu.memref_slice %arg12[%dma_start3A_77, %dma_start3A_78] : memref<10000x128xf32, #tpu.memory_space<vmem_shared>> -> memref<10000x128xf32, #tpu.memory_space<vmem_shared>>
    tpu.enqueue_indirect_dma source(%arg9 : memref<80x128xf32, #tpu.memory_space<vmem>>) target(%dma_start3A_79 : memref<10000x128xf32, #tpu.memory_space<vmem_shared>>) offsets(%dma_start3A_76 : memref<80xi32, #tpu.memory_space<vmem>>) semaphore(%arg16 : memref<!tpu.dma_semaphore, #tpu.memory_space<semaphore_mem>>) {add = true}
    %dma_wait3A_80 = arith.constant 1 : i32
    %dma_wait3A_81 = arith.constant 0 : i32
    %dma_wait3A_82 = tpu.memref_slice %arg7[%dma_wait3A_80, %dma_wait3A_81] : memref<125x80xi32, #tpu.memory_space<vmem>> -> memref<1x80xi32, #tpu.memory_space<vmem>>
    %dma_wait3A_83 = tpu.memref_squeeze %dma_wait3A_82 : memref<1x80xi32, #tpu.memory_space<vmem>> -> memref<80xi32, #tpu.memory_space<vmem>>
    %dma_wait3A_84 = arith.constant 0 : i32
    %dma_wait3A_85 = arith.constant 0 : i32
    %dma_wait3A_86 = tpu.memref_slice %arg2[%dma_wait3A_84, %dma_wait3A_85] : memref<10000x128xf32, #tpu.memory_space<hbm>> -> memref<10000x128xf32, #tpu.memory_space<hbm>>
    tpu.wait_indirect_dma semaphore(%arg14 : memref<!tpu.dma_semaphore, #tpu.memory_space<semaphore_mem>>) src(%dma_wait3A_86 : memref<10000x128xf32, #tpu.memory_space<hbm>>) dst(%arg10 : memref<80x128xf32, #tpu.memory_space<vmem>>)
    %dma_start3A_87 = arith.constant 1 : i32
    %dma_start3A_88 = arith.constant 0 : i32
    %dma_start3A_89 = tpu.memref_slice %arg8[%dma_start3A_87, %dma_start3A_88] : memref<125x80xi32, #tpu.memory_space<vmem>> -> memref<1x80xi32, #tpu.memory_space<vmem>>
    %dma_start3A_90 = tpu.memref_squeeze %dma_start3A_89 : memref<1x80xi32, #tpu.memory_space<vmem>> -> memref<80xi32, #tpu.memory_space<vmem>>
    %dma_start3A_91 = arith.constant 0 : i32
    %dma_start3A_92 = arith.constant 0 : i32
    %dma_start3A_93 = tpu.memref_slice %arg12[%dma_start3A_91, %dma_start3A_92] : memref<10000x128xf32, #tpu.memory_space<vmem_shared>> -> memref<10000x128xf32, #tpu.memory_space<vmem_shared>>
    tpu.enqueue_indirect_dma source(%arg10 : memref<80x128xf32, #tpu.memory_space<vmem>>) target(%dma_start3A_93 : memref<10000x128xf32, #tpu.memory_space<vmem_shared>>) offsets(%dma_start3A_90 : memref<80xi32, #tpu.memory_space<vmem>>) semaphore(%arg17 : memref<!tpu.dma_semaphore, #tpu.memory_space<semaphore_mem>>) {add = true}
    %scan3A = arith.constant 0 : i32
    %scan3A_94 = arith.constant 0 : i32
    %scan3A_95 = arith.constant 41 : i32
    %scan3A_96 = arith.addi %scan3A_94, %scan3A_95 : i32
    %scan3A_97 = arith.constant 1 : i32
    scf.for %scan3A_121 = %scan3A_94 to %scan3A_96 step %scan3A_97  : i32 {
      %mul3A_122 = arith.constant 3 : i32
      %mul3A_123 = arith.muli %mul3A_122, %scan3A_121 : i32
      %add3A_124 = arith.constant 2 : i32
      %add3A_125 = arith.addi %mul3A_123, %add3A_124 : i32
      %dma_wait3A_126 = arith.constant 0 : i32
      %dma_wait3A_127 = tpu.memref_slice %arg7[%add3A_125, %dma_wait3A_126] : memref<125x80xi32, #tpu.memory_space<vmem>> -> memref<1x80xi32, #tpu.memory_space<vmem>>
      %dma_wait3A_128 = tpu.memref_squeeze %dma_wait3A_127 : memref<1x80xi32, #tpu.memory_space<vmem>> -> memref<80xi32, #tpu.memory_space<vmem>>
      %dma_wait3A_129 = arith.constant 0 : i32
      %dma_wait3A_130 = arith.constant 0 : i32
      %dma_wait3A_131 = tpu.memref_slice %arg2[%dma_wait3A_129, %dma_wait3A_130] : memref<10000x128xf32, #tpu.memory_space<hbm>> -> memref<10000x128xf32, #tpu.memory_space<hbm>>
      tpu.wait_indirect_dma semaphore(%arg15 : memref<!tpu.dma_semaphore, #tpu.memory_space<semaphore_mem>>) src(%dma_wait3A_131 : memref<10000x128xf32, #tpu.memory_space<hbm>>) dst(%arg11 : memref<80x128xf32, #tpu.memory_space<vmem>>)
      %dma_start3A_132 = arith.constant 0 : i32
      %dma_start3A_133 = tpu.memref_slice %arg8[%add3A_125, %dma_start3A_132] : memref<125x80xi32, #tpu.memory_space<vmem>> -> memref<1x80xi32, #tpu.memory_space<vmem>>
      %dma_start3A_134 = tpu.memref_squeeze %dma_start3A_133 : memref<1x80xi32, #tpu.memory_space<vmem>> -> memref<80xi32, #tpu.memory_space<vmem>>
      %dma_start3A_135 = arith.constant 0 : i32
      %dma_start3A_136 = arith.constant 0 : i32
      %dma_start3A_137 = tpu.memref_slice %arg12[%dma_start3A_135, %dma_start3A_136] : memref<10000x128xf32, #tpu.memory_space<vmem_shared>> -> memref<10000x128xf32, #tpu.memory_space<vmem_shared>>
      tpu.enqueue_indirect_dma source(%arg11 : memref<80x128xf32, #tpu.memory_space<vmem>>) target(%dma_start3A_137 : memref<10000x128xf32, #tpu.memory_space<vmem_shared>>) offsets(%dma_start3A_134 : memref<80xi32, #tpu.memory_space<vmem>>) semaphore(%arg18 : memref<!tpu.dma_semaphore, #tpu.memory_space<semaphore_mem>>) {add = true}
      %dma_wait3A_138 = arith.constant 0 : i32
      %dma_wait3A_139 = arith.constant 0 : i32
      %dma_wait3A_140 = tpu.memref_slice %arg8[%dma_wait3A_138, %dma_wait3A_139] : memref<125x80xi32, #tpu.memory_space<vmem>> -> memref<1x80xi32, #tpu.memory_space<vmem>>
      %dma_wait3A_141 = tpu.memref_squeeze %dma_wait3A_140 : memref<1x80xi32, #tpu.memory_space<vmem>> -> memref<80xi32, #tpu.memory_space<vmem>>
      %dma_wait3A_142 = arith.constant 0 : i32
      %dma_wait3A_143 = arith.constant 0 : i32
      %dma_wait3A_144 = tpu.memref_slice %arg12[%dma_wait3A_142, %dma_wait3A_143] : memref<10000x128xf32, #tpu.memory_space<vmem_shared>> -> memref<10000x128xf32, #tpu.memory_space<vmem_shared>>
      tpu.wait_indirect_dma semaphore(%arg16 : memref<!tpu.dma_semaphore, #tpu.memory_space<semaphore_mem>>) src(%arg9 : memref<80x128xf32, #tpu.memory_space<vmem>>) dst(%dma_wait3A_144 : memref<10000x128xf32, #tpu.memory_space<vmem_shared>>)
      %add3A_145 = arith.constant 1 : i32
      %add3A_146 = arith.addi %add3A_125, %add3A_145 : i32
      %dma_start3A_147 = arith.constant 0 : i32
      %dma_start3A_148 = tpu.memref_slice %arg7[%add3A_146, %dma_start3A_147] : memref<125x80xi32, #tpu.memory_space<vmem>> -> memref<1x80xi32, #tpu.memory_space<vmem>>
      %dma_start3A_149 = tpu.memref_squeeze %dma_start3A_148 : memref<1x80xi32, #tpu.memory_space<vmem>> -> memref<80xi32, #tpu.memory_space<vmem>>
      %dma_start3A_150 = arith.constant 0 : i32
      %dma_start3A_151 = arith.constant 0 : i32
      %dma_start3A_152 = tpu.memref_slice %arg2[%dma_start3A_150, %dma_start3A_151] : memref<10000x128xf32, #tpu.memory_space<hbm>> -> memref<10000x128xf32, #tpu.memory_space<hbm>>
      tpu.enqueue_indirect_dma source(%dma_start3A_152 : memref<10000x128xf32, #tpu.memory_space<hbm>>) target(%arg9 : memref<80x128xf32, #tpu.memory_space<vmem>>) offsets(%dma_start3A_149 : memref<80xi32, #tpu.memory_space<vmem>>) semaphore(%arg13 : memref<!tpu.dma_semaphore, #tpu.memory_space<semaphore_mem>>)
      %add3A_153 = arith.constant 1 : i32
      %add3A_154 = arith.addi %add3A_125, %add3A_153 : i32
      %dma_wait3A_155 = arith.constant 0 : i32
      %dma_wait3A_156 = tpu.memref_slice %arg7[%add3A_154, %dma_wait3A_155] : memref<125x80xi32, #tpu.memory_space<vmem>> -> memref<1x80xi32, #tpu.memory_space<vmem>>
      %dma_wait3A_157 = tpu.memref_squeeze %dma_wait3A_156 : memref<1x80xi32, #tpu.memory_space<vmem>> -> memref<80xi32, #tpu.memory_space<vmem>>
      %dma_wait3A_158 = arith.constant 0 : i32
      %dma_wait3A_159 = arith.constant 0 : i32
      %dma_wait3A_160 = tpu.memref_slice %arg2[%dma_wait3A_158, %dma_wait3A_159] : memref<10000x128xf32, #tpu.memory_space<hbm>> -> memref<10000x128xf32, #tpu.memory_space<hbm>>
      tpu.wait_indirect_dma semaphore(%arg13 : memref<!tpu.dma_semaphore, #tpu.memory_space<semaphore_mem>>) src(%dma_wait3A_160 : memref<10000x128xf32, #tpu.memory_space<hbm>>) dst(%arg9 : memref<80x128xf32, #tpu.memory_space<vmem>>)
      %add3A_161 = arith.constant 1 : i32
      %add3A_162 = arith.addi %add3A_125, %add3A_161 : i32
      %dma_start3A_163 = arith.constant 0 : i32
      %dma_start3A_164 = tpu.memref_slice %arg8[%add3A_162, %dma_start3A_163] : memref<125x80xi32, #tpu.memory_space<vmem>> -> memref<1x80xi32, #tpu.memory_space<vmem>>
      %dma_start3A_165 = tpu.memref_squeeze %dma_start3A_164 : memref<1x80xi32, #tpu.memory_space<vmem>> -> memref<80xi32, #tpu.memory_space<vmem>>
      %dma_start3A_166 = arith.constant 0 : i32
      %dma_start3A_167 = arith.constant 0 : i32
      %dma_start3A_168 = tpu.memref_slice %arg12[%dma_start3A_166, %dma_start3A_167] : memref<10000x128xf32, #tpu.memory_space<vmem_shared>> -> memref<10000x128xf32, #tpu.memory_space<vmem_shared>>
      tpu.enqueue_indirect_dma source(%arg9 : memref<80x128xf32, #tpu.memory_space<vmem>>) target(%dma_start3A_168 : memref<10000x128xf32, #tpu.memory_space<vmem_shared>>) offsets(%dma_start3A_165 : memref<80xi32, #tpu.memory_space<vmem>>) semaphore(%arg16 : memref<!tpu.dma_semaphore, #tpu.memory_space<semaphore_mem>>) {add = true}
      %dma_wait3A_169 = arith.constant 0 : i32
      %dma_wait3A_170 = arith.constant 0 : i32
      %dma_wait3A_171 = tpu.memref_slice %arg8[%dma_wait3A_169, %dma_wait3A_170] : memref<125x80xi32, #tpu.memory_space<vmem>> -> memref<1x80xi32, #tpu.memory_space<vmem>>
      %dma_wait3A_172 = tpu.memref_squeeze %dma_wait3A_171 : memref<1x80xi32, #tpu.memory_space<vmem>> -> memref<80xi32, #tpu.memory_space<vmem>>
      %dma_wait3A_173 = arith.constant 0 : i32
      %dma_wait3A_174 = arith.constant 0 : i32
      %dma_wait3A_175 = tpu.memref_slice %arg12[%dma_wait3A_173, %dma_wait3A_174] : memref<10000x128xf32, #tpu.memory_space<vmem_shared>> -> memref<10000x128xf32, #tpu.memory_space<vmem_shared>>
      tpu.wait_indirect_dma semaphore(%arg17 : memref<!tpu.dma_semaphore, #tpu.memory_space<semaphore_mem>>) src(%arg10 : memref<80x128xf32, #tpu.memory_space<vmem>>) dst(%dma_wait3A_175 : memref<10000x128xf32, #tpu.memory_space<vmem_shared>>)
      %add3A_176 = arith.constant 2 : i32
      %add3A_177 = arith.addi %add3A_125, %add3A_176 : i32
      %dma_start3A_178 = arith.constant 0 : i32
      %dma_start3A_179 = tpu.memref_slice %arg7[%add3A_177, %dma_start3A_178] : memref<125x80xi32, #tpu.memory_space<vmem>> -> memref<1x80xi32, #tpu.memory_space<vmem>>
      %dma_start3A_180 = tpu.memref_squeeze %dma_start3A_179 : memref<1x80xi32, #tpu.memory_space<vmem>> -> memref<80xi32, #tpu.memory_space<vmem>>
      %dma_start3A_181 = arith.constant 0 : i32
      %dma_start3A_182 = arith.constant 0 : i32
      %dma_start3A_183 = tpu.memref_slice %arg2[%dma_start3A_181, %dma_start3A_182] : memref<10000x128xf32, #tpu.memory_space<hbm>> -> memref<10000x128xf32, #tpu.memory_space<hbm>>
      tpu.enqueue_indirect_dma source(%dma_start3A_183 : memref<10000x128xf32, #tpu.memory_space<hbm>>) target(%arg10 : memref<80x128xf32, #tpu.memory_space<vmem>>) offsets(%dma_start3A_180 : memref<80xi32, #tpu.memory_space<vmem>>) semaphore(%arg14 : memref<!tpu.dma_semaphore, #tpu.memory_space<semaphore_mem>>)
      %add3A_184 = arith.constant 2 : i32
      %add3A_185 = arith.addi %add3A_125, %add3A_184 : i32
      %dma_wait3A_186 = arith.constant 0 : i32
      %dma_wait3A_187 = tpu.memref_slice %arg7[%add3A_185, %dma_wait3A_186] : memref<125x80xi32, #tpu.memory_space<vmem>> -> memref<1x80xi32, #tpu.memory_space<vmem>>
      %dma_wait3A_188 = tpu.memref_squeeze %dma_wait3A_187 : memref<1x80xi32, #tpu.memory_space<vmem>> -> memref<80xi32, #tpu.memory_space<vmem>>
      %dma_wait3A_189 = arith.constant 0 : i32
      %dma_wait3A_190 = arith.constant 0 : i32
      %dma_wait3A_191 = tpu.memref_slice %arg2[%dma_wait3A_189, %dma_wait3A_190] : memref<10000x128xf32, #tpu.memory_space<hbm>> -> memref<10000x128xf32, #tpu.memory_space<hbm>>
      tpu.wait_indirect_dma semaphore(%arg14 : memref<!tpu.dma_semaphore, #tpu.memory_space<semaphore_mem>>) src(%dma_wait3A_191 : memref<10000x128xf32, #tpu.memory_space<hbm>>) dst(%arg10 : memref<80x128xf32, #tpu.memory_space<vmem>>)
      %add3A_192 = arith.constant 2 : i32
      %add3A_193 = arith.addi %add3A_125, %add3A_192 : i32
      %dma_start3A_194 = arith.constant 0 : i32
      %dma_start3A_195 = tpu.memref_slice %arg8[%add3A_193, %dma_start3A_194] : memref<125x80xi32, #tpu.memory_space<vmem>> -> memref<1x80xi32, #tpu.memory_space<vmem>>
      %dma_start3A_196 = tpu.memref_squeeze %dma_start3A_195 : memref<1x80xi32, #tpu.memory_space<vmem>> -> memref<80xi32, #tpu.memory_space<vmem>>
      %dma_start3A_197 = arith.constant 0 : i32
      %dma_start3A_198 = arith.constant 0 : i32
      %dma_start3A_199 = tpu.memref_slice %arg12[%dma_start3A_197, %dma_start3A_198] : memref<10000x128xf32, #tpu.memory_space<vmem_shared>> -> memref<10000x128xf32, #tpu.memory_space<vmem_shared>>
      tpu.enqueue_indirect_dma source(%arg10 : memref<80x128xf32, #tpu.memory_space<vmem>>) target(%dma_start3A_199 : memref<10000x128xf32, #tpu.memory_space<vmem_shared>>) offsets(%dma_start3A_196 : memref<80xi32, #tpu.memory_space<vmem>>) semaphore(%arg17 : memref<!tpu.dma_semaphore, #tpu.memory_space<semaphore_mem>>) {add = true}
      %dma_wait3A_200 = arith.constant 0 : i32
      %dma_wait3A_201 = arith.constant 0 : i32
      %dma_wait3A_202 = tpu.memref_slice %arg8[%dma_wait3A_200, %dma_wait3A_201] : memref<125x80xi32, #tpu.memory_space<vmem>> -> memref<1x80xi32, #tpu.memory_space<vmem>>
      %dma_wait3A_203 = tpu.memref_squeeze %dma_wait3A_202 : memref<1x80xi32, #tpu.memory_space<vmem>> -> memref<80xi32, #tpu.memory_space<vmem>>
      %dma_wait3A_204 = arith.constant 0 : i32
      %dma_wait3A_205 = arith.constant 0 : i32
      %dma_wait3A_206 = tpu.memref_slice %arg12[%dma_wait3A_204, %dma_wait3A_205] : memref<10000x128xf32, #tpu.memory_space<vmem_shared>> -> memref<10000x128xf32, #tpu.memory_space<vmem_shared>>
      tpu.wait_indirect_dma semaphore(%arg18 : memref<!tpu.dma_semaphore, #tpu.memory_space<semaphore_mem>>) src(%arg11 : memref<80x128xf32, #tpu.memory_space<vmem>>) dst(%dma_wait3A_206 : memref<10000x128xf32, #tpu.memory_space<vmem_shared>>)
      %add3A_207 = arith.constant 3 : i32
      %add3A_208 = arith.addi %add3A_125, %add3A_207 : i32
      %min3A_209 = arith.constant 124 : i32
      %min3A_210 = arith.minsi %add3A_208, %min3A_209 : i32
      %dma_start3A_211 = arith.constant 0 : i32
      %dma_start3A_212 = tpu.memref_slice %arg7[%min3A_210, %dma_start3A_211] : memref<125x80xi32, #tpu.memory_space<vmem>> -> memref<1x80xi32, #tpu.memory_space<vmem>>
      %dma_start3A_213 = tpu.memref_squeeze %dma_start3A_212 : memref<1x80xi32, #tpu.memory_space<vmem>> -> memref<80xi32, #tpu.memory_space<vmem>>
      %dma_start3A_214 = arith.constant 0 : i32
      %dma_start3A_215 = arith.constant 0 : i32
      %dma_start3A_216 = tpu.memref_slice %arg2[%dma_start3A_214, %dma_start3A_215] : memref<10000x128xf32, #tpu.memory_space<hbm>> -> memref<10000x128xf32, #tpu.memory_space<hbm>>
      tpu.enqueue_indirect_dma source(%dma_start3A_216 : memref<10000x128xf32, #tpu.memory_space<hbm>>) target(%arg11 : memref<80x128xf32, #tpu.memory_space<vmem>>) offsets(%dma_start3A_213 : memref<80xi32, #tpu.memory_space<vmem>>) semaphore(%arg15 : memref<!tpu.dma_semaphore, #tpu.memory_space<semaphore_mem>>)
    }
    %scan3A_98 = arith.constant 41 : i32
    %dma_wait3A_99 = arith.constant 124 : i32
    %dma_wait3A_100 = arith.constant 0 : i32
    %dma_wait3A_101 = tpu.memref_slice %arg7[%dma_wait3A_99, %dma_wait3A_100] : memref<125x80xi32, #tpu.memory_space<vmem>> -> memref<1x80xi32, #tpu.memory_space<vmem>>
    %dma_wait3A_102 = tpu.memref_squeeze %dma_wait3A_101 : memref<1x80xi32, #tpu.memory_space<vmem>> -> memref<80xi32, #tpu.memory_space<vmem>>
    %dma_wait3A_103 = arith.constant 0 : i32
    %dma_wait3A_104 = arith.constant 0 : i32
    %dma_wait3A_105 = tpu.memref_slice %arg2[%dma_wait3A_103, %dma_wait3A_104] : memref<10000x128xf32, #tpu.memory_space<hbm>> -> memref<10000x128xf32, #tpu.memory_space<hbm>>
    tpu.wait_indirect_dma semaphore(%arg15 : memref<!tpu.dma_semaphore, #tpu.memory_space<semaphore_mem>>) src(%dma_wait3A_105 : memref<10000x128xf32, #tpu.memory_space<hbm>>) dst(%arg11 : memref<80x128xf32, #tpu.memory_space<vmem>>)
    %dma_wait3A_106 = arith.constant 0 : i32
    %dma_wait3A_107 = arith.constant 0 : i32
    %dma_wait3A_108 = tpu.memref_slice %arg8[%dma_wait3A_106, %dma_wait3A_107] : memref<125x80xi32, #tpu.memory_space<vmem>> -> memref<1x80xi32, #tpu.memory_space<vmem>>
    %dma_wait3A_109 = tpu.memref_squeeze %dma_wait3A_108 : memref<1x80xi32, #tpu.memory_space<vmem>> -> memref<80xi32, #tpu.memory_space<vmem>>
    %dma_wait3A_110 = arith.constant 0 : i32
    %dma_wait3A_111 = arith.constant 0 : i32
    %dma_wait3A_112 = tpu.memref_slice %arg12[%dma_wait3A_110, %dma_wait3A_111] : memref<10000x128xf32, #tpu.memory_space<vmem_shared>> -> memref<10000x128xf32, #tpu.memory_space<vmem_shared>>
    tpu.wait_indirect_dma semaphore(%arg16 : memref<!tpu.dma_semaphore, #tpu.memory_space<semaphore_mem>>) src(%arg9 : memref<80x128xf32, #tpu.memory_space<vmem>>) dst(%dma_wait3A_112 : memref<10000x128xf32, #tpu.memory_space<vmem_shared>>)
    %dma_wait3A_113 = arith.constant 0 : i32
    %dma_wait3A_114 = arith.constant 0 : i32
    %dma_wait3A_115 = tpu.memref_slice %arg8[%dma_wait3A_113, %dma_wait3A_114] : memref<125x80xi32, #tpu.memory_space<vmem>> -> memref<1x80xi32, #tpu.memory_space<vmem>>
    %dma_wait3A_116 = tpu.memref_squeeze %dma_wait3A_115 : memref<1x80xi32, #tpu.memory_space<vmem>> -> memref<80xi32, #tpu.memory_space<vmem>>
    %dma_wait3A_117 = arith.constant 0 : i32
    %dma_wait3A_118 = arith.constant 0 : i32
    %dma_wait3A_119 = tpu.memref_slice %arg12[%dma_wait3A_117, %dma_wait3A_118] : memref<10000x128xf32, #tpu.memory_space<vmem_shared>> -> memref<10000x128xf32, #tpu.memory_space<vmem_shared>>
    tpu.wait_indirect_dma semaphore(%arg17 : memref<!tpu.dma_semaphore, #tpu.memory_space<semaphore_mem>>) src(%arg10 : memref<80x128xf32, #tpu.memory_space<vmem>>) dst(%dma_wait3A_119 : memref<10000x128xf32, #tpu.memory_space<vmem_shared>>)
    %barrier3A_120 = arith.constant 0 : index
    tpu.barrier barrier_id(%barrier3A_120)
    "tpu.region"() ({
      %run_scoped3A = tpu.sem_alloc : memref<!tpu.dma_semaphore, #tpu.memory_space<semaphore_mem>>
      %dma_start3A_121 = arith.constant 0 : i32
      %dma_start3A_122 = tpu.memref_slice %arg6[%arg0, %multiple_of3A, %dma_start3A_121] : memref<2x10000x128xf32, #tpu.memory_space<hbm>> -> memref<1x632x128xf32, #tpu.memory_space<hbm>>
      %dma_start3A_123 = tpu.memref_squeeze %dma_start3A_122 : memref<1x632x128xf32, #tpu.memory_space<hbm>> -> memref<632x128xf32, #tpu.memory_space<hbm>>
      %dma_start3A_124 = arith.constant 0 : i32
      %dma_start3A_125 = tpu.memref_slice %arg12[%multiple_of3A, %dma_start3A_124] : memref<10000x128xf32, #tpu.memory_space<vmem_shared>> -> memref<632x128xf32, #tpu.memory_space<vmem_shared>>
      tpu.enqueue_dma source(%dma_start3A_125 : memref<632x128xf32, #tpu.memory_space<vmem_shared>>) target(%dma_start3A_123 : memref<632x128xf32, #tpu.memory_space<hbm>>) target_semaphore(%run_scoped3A : memref<!tpu.dma_semaphore, #tpu.memory_space<semaphore_mem>>)
      %dma_wait3A_126 = arith.constant 0 : i32
      %dma_wait3A_127 = tpu.memref_slice %arg6[%arg0, %multiple_of3A, %dma_wait3A_126] : memref<2x10000x128xf32, #tpu.memory_space<hbm>> -> memref<1x632x128xf32, #tpu.memory_space<hbm>>
      %dma_wait3A_128 = tpu.memref_squeeze %dma_wait3A_127 : memref<1x632x128xf32, #tpu.memory_space<hbm>> -> memref<632x128xf32, #tpu.memory_space<hbm>>
      %dma_wait3A_129 = arith.constant 0 : i32
      %dma_wait3A_130 = tpu.memref_slice %arg12[%multiple_of3A, %dma_wait3A_129] : memref<10000x128xf32, #tpu.memory_space<vmem_shared>> -> memref<632x128xf32, #tpu.memory_space<vmem_shared>>
      tpu.wait_dma2 semaphore(%run_scoped3A : memref<!tpu.dma_semaphore, #tpu.memory_space<semaphore_mem>>) src(%dma_wait3A_130 : memref<632x128xf32, #tpu.memory_space<vmem_shared>>) dst(%dma_wait3A_128 : memref<632x128xf32, #tpu.memory_space<hbm>>)
      tpu.yield
    }) : () -> ()
    return
  }
}

#map = affine_map<(d0, d1) -> (0, 0)>
#map1 = affine_map<(d0, d1) -> (0, 0, 0)>
module attributes {stable_mosaic.version = 14 : i64} {
  func.func @spmm_kernel(%arg0: i32, %arg1: i32, %arg2: memref<10000x128xf32, #tpu.memory_space<hbm>>, %arg3: memref<10000x128xf32, #tpu.memory_space<hbm>>, %arg4: memref<32x125x80xi32, #tpu.memory_space<hbm>>, %arg5: memref<32x125x80xi32, #tpu.memory_space<hbm>>, %arg6: memref<2x10000x128xf32, #tpu.memory_space<hbm>>, %arg7: memref<125x80xi32, #tpu.memory_space<vmem>>, %arg8: memref<125x80xi32, #tpu.memory_space<vmem>>, %arg9: memref<80x128xf32, #tpu.memory_space<vmem>>, %arg10: memref<80x128xf32, #tpu.memory_space<vmem>>, %arg11: memref<80x128xf32, #tpu.memory_space<vmem>>, %arg12: memref<10000x128xf32, #tpu.memory_space<vmem_shared>>, %arg13: memref<!tpu.dma_semaphore, #tpu.memory_space<semaphore_mem>>, %arg14: memref<!tpu.dma_semaphore, #tpu.memory_space<semaphore_mem>>, %arg15: memref<!tpu.dma_semaphore, #tpu.memory_space<semaphore_mem>>, %arg16: memref<!tpu.dma_semaphore, #tpu.memory_space<semaphore_mem>>, %arg17: memref<!tpu.dma_semaphore, #tpu.memory_space<semaphore_mem>>, %arg18: memref<!tpu.dma_semaphore, #tpu.memory_space<semaphore_mem>>) attributes {dimension_semantics = [#tpu.dimension_semantics<core_parallel>, #tpu.dimension_semantics<subcore_parallel>], iteration_bounds = array<i64: 2, 16>, scalar_prefetch = 0 : i64, scratch_operands = 12 : i64, tpu.core_type = #tpu.core_type<sc_vector_subcore>, window_params = [{transform_indices = #map}, {transform_indices = #map}, {transform_indices = #map1}, {transform_indices = #map1}, {transform_indices = #map1}]} {
    %mul3A = arith.constant 2 : i32
    %mul3A_0 = arith.muli %arg1, %mul3A : i32
    %add3A = arith.addi %mul3A_0, %arg0 : i32
    %mul3A_1 = arith.constant 632 : i32
    %mul3A_2 = arith.muli %arg1, %mul3A_1 : i32
    %min3A = arith.constant 9368 : i32
    %min3A_3 = arith.minsi %mul3A_2, %min3A : i32
    %multiple_of3A = tpu.assume_multiple %min3A_3, 8 : i32
    %dma_start3A = arith.constant 0 : i32
    %dma_start3A_4 = arith.constant 0 : i32
    %dma_start3A_5 = tpu.memref_slice %arg4[%add3A, %dma_start3A, %dma_start3A_4] : memref<32x125x80xi32, #tpu.memory_space<hbm>> -> memref<1x125x80xi32, #tpu.memory_space<hbm>>
    %dma_start3A_6 = tpu.memref_squeeze %dma_start3A_5 : memref<1x125x80xi32, #tpu.memory_space<hbm>> -> memref<125x80xi32, #tpu.memory_space<hbm>>
    %dma_start3A_7 = arith.constant 0 : i32
    %dma_start3A_8 = arith.constant 0 : i32
    %dma_start3A_9 = tpu.memref_slice %arg4[%add3A, %dma_start3A_7, %dma_start3A_8] : memref<32x125x80xi32, #tpu.memory_space<hbm>> -> memref<1x125x80xi32, #tpu.memory_space<hbm>>
    %dma_start3A_10 = tpu.memref_squeeze %dma_start3A_9 : memref<1x125x80xi32, #tpu.memory_space<hbm>> -> memref<125x80xi32, #tpu.memory_space<hbm>>
    tpu.enqueue_dma source(%dma_start3A_10 : memref<125x80xi32, #tpu.memory_space<hbm>>) target(%arg7 : memref<125x80xi32, #tpu.memory_space<vmem>>) target_semaphore(%arg13 : memref<!tpu.dma_semaphore, #tpu.memory_space<semaphore_mem>>)
    %dma_start3A_11 = arith.constant 0 : i32
    %dma_start3A_12 = arith.constant 0 : i32
    %dma_start3A_13 = tpu.memref_slice %arg5[%add3A, %dma_start3A_11, %dma_start3A_12] : memref<32x125x80xi32, #tpu.memory_space<hbm>> -> memref<1x125x80xi32, #tpu.memory_space<hbm>>
    %dma_start3A_14 = tpu.memref_squeeze %dma_start3A_13 : memref<1x125x80xi32, #tpu.memory_space<hbm>> -> memref<125x80xi32, #tpu.memory_space<hbm>>
    %dma_start3A_15 = arith.constant 0 : i32
    %dma_start3A_16 = arith.constant 0 : i32
    %dma_start3A_17 = tpu.memref_slice %arg5[%add3A, %dma_start3A_15, %dma_start3A_16] : memref<32x125x80xi32, #tpu.memory_space<hbm>> -> memref<1x125x80xi32, #tpu.memory_space<hbm>>
    %dma_start3A_18 = tpu.memref_squeeze %dma_start3A_17 : memref<1x125x80xi32, #tpu.memory_space<hbm>> -> memref<125x80xi32, #tpu.memory_space<hbm>>
    tpu.enqueue_dma source(%dma_start3A_18 : memref<125x80xi32, #tpu.memory_space<hbm>>) target(%arg8 : memref<125x80xi32, #tpu.memory_space<vmem>>) target_semaphore(%arg14 : memref<!tpu.dma_semaphore, #tpu.memory_space<semaphore_mem>>)
    %eq3A = arith.constant 0 : i32
    %eq3A_19 = arith.cmpi eq, %arg0, %eq3A : i32
    %convert_element_type3A = arith.extui %eq3A_19 : i1 to i32
    %cond3A = arith.constant 0 : i32
    %cond3A_20 = arith.cmpi ne, %convert_element_type3A, %cond3A : i32
    scf.if %cond3A_20 {
      %dma_start3A_121 = arith.constant 0 : i32
      %dma_start3A_122 = tpu.memref_slice %arg12[%multiple_of3A, %dma_start3A_121] : memref<10000x128xf32, #tpu.memory_space<vmem_shared>> -> memref<632x128xf32, #tpu.memory_space<vmem_shared>>
      %dma_start3A_123 = arith.constant 0 : i32
      %dma_start3A_124 = tpu.memref_slice %arg2[%multiple_of3A, %dma_start3A_123] : memref<10000x128xf32, #tpu.memory_space<hbm>> -> memref<632x128xf32, #tpu.memory_space<hbm>>
      tpu.enqueue_dma source(%dma_start3A_124 : memref<632x128xf32, #tpu.memory_space<hbm>>) target(%dma_start3A_122 : memref<632x128xf32, #tpu.memory_space<vmem_shared>>) target_semaphore(%arg15 : memref<!tpu.dma_semaphore, #tpu.memory_space<semaphore_mem>>)
    } else {
    }
    %eq3A_21 = arith.constant 1 : i32
    %eq3A_22 = arith.cmpi eq, %arg0, %eq3A_21 : i32
    %convert_element_type3A_23 = arith.extui %eq3A_22 : i1 to i32
    %cond3A_24 = arith.constant 0 : i32
    %cond3A_25 = arith.cmpi ne, %convert_element_type3A_23, %cond3A_24 : i32
    scf.if %cond3A_25 {
      %dma_start3A_121 = arith.constant 0 : i32
      %dma_start3A_122 = tpu.memref_slice %arg12[%multiple_of3A, %dma_start3A_121] : memref<10000x128xf32, #tpu.memory_space<vmem_shared>> -> memref<632x128xf32, #tpu.memory_space<vmem_shared>>
      %dma_start3A_123 = arith.constant 0 : i32
      %dma_start3A_124 = tpu.memref_slice %arg3[%multiple_of3A, %dma_start3A_123] : memref<10000x128xf32, #tpu.memory_space<hbm>> -> memref<632x128xf32, #tpu.memory_space<hbm>>
      tpu.enqueue_dma source(%dma_start3A_124 : memref<632x128xf32, #tpu.memory_space<hbm>>) target(%dma_start3A_122 : memref<632x128xf32, #tpu.memory_space<vmem_shared>>) target_semaphore(%arg15 : memref<!tpu.dma_semaphore, #tpu.memory_space<semaphore_mem>>)
    } else {
    }
    %dma_wait3A = arith.constant 0 : i32
    %dma_wait3A_26 = arith.constant 0 : i32
    %dma_wait3A_27 = tpu.memref_slice %arg4[%add3A, %dma_wait3A, %dma_wait3A_26] : memref<32x125x80xi32, #tpu.memory_space<hbm>> -> memref<1x125x80xi32, #tpu.memory_space<hbm>>
    %dma_wait3A_28 = tpu.memref_squeeze %dma_wait3A_27 : memref<1x125x80xi32, #tpu.memory_space<hbm>> -> memref<125x80xi32, #tpu.memory_space<hbm>>
    %dma_wait3A_29 = arith.constant 0 : i32
    %dma_wait3A_30 = arith.constant 0 : i32
    %dma_wait3A_31 = tpu.memref_slice %arg4[%add3A, %dma_wait3A_29, %dma_wait3A_30] : memref<32x125x80xi32, #tpu.memory_space<hbm>> -> memref<1x125x80xi32, #tpu.memory_space<hbm>>
    %dma_wait3A_32 = tpu.memref_squeeze %dma_wait3A_31 : memref<1x125x80xi32, #tpu.memory_space<hbm>> -> memref<125x80xi32, #tpu.memory_space<hbm>>
    tpu.wait_dma2 semaphore(%arg13 : memref<!tpu.dma_semaphore, #tpu.memory_space<semaphore_mem>>) src(%dma_wait3A_32 : memref<125x80xi32, #tpu.memory_space<hbm>>) dst(%arg7 : memref<125x80xi32, #tpu.memory_space<vmem>>)
    %dma_wait3A_33 = arith.constant 0 : i32
    %dma_wait3A_34 = arith.constant 0 : i32
    %dma_wait3A_35 = tpu.memref_slice %arg5[%add3A, %dma_wait3A_33, %dma_wait3A_34] : memref<32x125x80xi32, #tpu.memory_space<hbm>> -> memref<1x125x80xi32, #tpu.memory_space<hbm>>
    %dma_wait3A_36 = tpu.memref_squeeze %dma_wait3A_35 : memref<1x125x80xi32, #tpu.memory_space<hbm>> -> memref<125x80xi32, #tpu.memory_space<hbm>>
    %dma_wait3A_37 = arith.constant 0 : i32
    %dma_wait3A_38 = arith.constant 0 : i32
    %dma_wait3A_39 = tpu.memref_slice %arg5[%add3A, %dma_wait3A_37, %dma_wait3A_38] : memref<32x125x80xi32, #tpu.memory_space<hbm>> -> memref<1x125x80xi32, #tpu.memory_space<hbm>>
    %dma_wait3A_40 = tpu.memref_squeeze %dma_wait3A_39 : memref<1x125x80xi32, #tpu.memory_space<hbm>> -> memref<125x80xi32, #tpu.memory_space<hbm>>
    tpu.wait_dma2 semaphore(%arg14 : memref<!tpu.dma_semaphore, #tpu.memory_space<semaphore_mem>>) src(%dma_wait3A_40 : memref<125x80xi32, #tpu.memory_space<hbm>>) dst(%arg8 : memref<125x80xi32, #tpu.memory_space<vmem>>)
    %dma_wait3A_41 = arith.constant 0 : i32
    %dma_wait3A_42 = tpu.memref_slice %arg12[%multiple_of3A, %dma_wait3A_41] : memref<10000x128xf32, #tpu.memory_space<vmem_shared>> -> memref<632x128xf32, #tpu.memory_space<vmem_shared>>
    %dma_wait3A_43 = arith.constant 0 : i32
    %dma_wait3A_44 = tpu.memref_slice %arg2[%multiple_of3A, %dma_wait3A_43] : memref<10000x128xf32, #tpu.memory_space<hbm>> -> memref<632x128xf32, #tpu.memory_space<hbm>>
    tpu.wait_dma2 semaphore(%arg15 : memref<!tpu.dma_semaphore, #tpu.memory_space<semaphore_mem>>) src(%dma_wait3A_44 : memref<632x128xf32, #tpu.memory_space<hbm>>) dst(%dma_wait3A_42 : memref<632x128xf32, #tpu.memory_space<vmem_shared>>)
    %barrier3A = arith.constant 0 : index
    tpu.barrier barrier_id(%barrier3A)
    %dma_start3A_45 = arith.constant 0 : i32
    %dma_start3A_46 = arith.constant 0 : i32
    %dma_start3A_47 = tpu.memref_slice %arg7[%dma_start3A_45, %dma_start3A_46] : memref<125x80xi32, #tpu.memory_space<vmem>> -> memref<1x80xi32, #tpu.memory_space<vmem>>
    %dma_start3A_48 = tpu.memref_squeeze %dma_start3A_47 : memref<1x80xi32, #tpu.memory_space<vmem>> -> memref<80xi32, #tpu.memory_space<vmem>>
    %dma_start3A_49 = arith.constant 0 : i32
    %dma_start3A_50 = arith.constant 0 : i32
    %dma_start3A_51 = tpu.memref_slice %arg2[%dma_start3A_49, %dma_start3A_50] : memref<10000x128xf32, #tpu.memory_space<hbm>> -> memref<10000x128xf32, #tpu.memory_space<hbm>>
    tpu.enqueue_indirect_dma source(%dma_start3A_51 : memref<10000x128xf32, #tpu.memory_space<hbm>>) target(%arg9 : memref<80x128xf32, #tpu.memory_space<vmem>>) offsets(%dma_start3A_48 : memref<80xi32, #tpu.memory_space<vmem>>) semaphore(%arg13 : memref<!tpu.dma_semaphore, #tpu.memory_space<semaphore_mem>>)
    %dma_start3A_52 = arith.constant 1 : i32
    %dma_start3A_53 = arith.constant 0 : i32
    %dma_start3A_54 = tpu.memref_slice %arg7[%dma_start3A_52, %dma_start3A_53] : memref<125x80xi32, #tpu.memory_space<vmem>> -> memref<1x80xi32, #tpu.memory_space<vmem>>
    %dma_start3A_55 = tpu.memref_squeeze %dma_start3A_54 : memref<1x80xi32, #tpu.memory_space<vmem>> -> memref<80xi32, #tpu.memory_space<vmem>>
    %dma_start3A_56 = arith.constant 0 : i32
    %dma_start3A_57 = arith.constant 0 : i32
    %dma_start3A_58 = tpu.memref_slice %arg2[%dma_start3A_56, %dma_start3A_57] : memref<10000x128xf32, #tpu.memory_space<hbm>> -> memref<10000x128xf32, #tpu.memory_space<hbm>>
    tpu.enqueue_indirect_dma source(%dma_start3A_58 : memref<10000x128xf32, #tpu.memory_space<hbm>>) target(%arg10 : memref<80x128xf32, #tpu.memory_space<vmem>>) offsets(%dma_start3A_55 : memref<80xi32, #tpu.memory_space<vmem>>) semaphore(%arg14 : memref<!tpu.dma_semaphore, #tpu.memory_space<semaphore_mem>>)
    %dma_start3A_59 = arith.constant 2 : i32
    %dma_start3A_60 = arith.constant 0 : i32
    %dma_start3A_61 = tpu.memref_slice %arg7[%dma_start3A_59, %dma_start3A_60] : memref<125x80xi32, #tpu.memory_space<vmem>> -> memref<1x80xi32, #tpu.memory_space<vmem>>
    %dma_start3A_62 = tpu.memref_squeeze %dma_start3A_61 : memref<1x80xi32, #tpu.memory_space<vmem>> -> memref<80xi32, #tpu.memory_space<vmem>>
    %dma_start3A_63 = arith.constant 0 : i32
    %dma_start3A_64 = arith.constant 0 : i32
    %dma_start3A_65 = tpu.memref_slice %arg2[%dma_start3A_63, %dma_start3A_64] : memref<10000x128xf32, #tpu.memory_space<hbm>> -> memref<10000x128xf32, #tpu.memory_space<hbm>>
    tpu.enqueue_indirect_dma source(%dma_start3A_65 : memref<10000x128xf32, #tpu.memory_space<hbm>>) target(%arg11 : memref<80x128xf32, #tpu.memory_space<vmem>>) offsets(%dma_start3A_62 : memref<80xi32, #tpu.memory_space<vmem>>) semaphore(%arg15 : memref<!tpu.dma_semaphore, #tpu.memory_space<semaphore_mem>>)
    %dma_wait3A_66 = arith.constant 0 : i32
    %dma_wait3A_67 = arith.constant 0 : i32
    %dma_wait3A_68 = tpu.memref_slice %arg7[%dma_wait3A_66, %dma_wait3A_67] : memref<125x80xi32, #tpu.memory_space<vmem>> -> memref<1x80xi32, #tpu.memory_space<vmem>>
    %dma_wait3A_69 = tpu.memref_squeeze %dma_wait3A_68 : memref<1x80xi32, #tpu.memory_space<vmem>> -> memref<80xi32, #tpu.memory_space<vmem>>
    %dma_wait3A_70 = arith.constant 0 : i32
    %dma_wait3A_71 = arith.constant 0 : i32
    %dma_wait3A_72 = tpu.memref_slice %arg2[%dma_wait3A_70, %dma_wait3A_71] : memref<10000x128xf32, #tpu.memory_space<hbm>> -> memref<10000x128xf32, #tpu.memory_space<hbm>>
    tpu.wait_indirect_dma semaphore(%arg13 : memref<!tpu.dma_semaphore, #tpu.memory_space<semaphore_mem>>) src(%dma_wait3A_72 : memref<10000x128xf32, #tpu.memory_space<hbm>>) dst(%arg9 : memref<80x128xf32, #tpu.memory_space<vmem>>)
    %dma_start3A_73 = arith.constant 0 : i32
    %dma_start3A_74 = arith.constant 0 : i32
    %dma_start3A_75 = tpu.memref_slice %arg8[%dma_start3A_73, %dma_start3A_74] : memref<125x80xi32, #tpu.memory_space<vmem>> -> memref<1x80xi32, #tpu.memory_space<vmem>>
    %dma_start3A_76 = tpu.memref_squeeze %dma_start3A_75 : memref<1x80xi32, #tpu.memory_space<vmem>> -> memref<80xi32, #tpu.memory_space<vmem>>
    %dma_start3A_77 = arith.constant 0 : i32
    %dma_start3A_78 = arith.constant 0 : i32
    %dma_start3A_79 = tpu.memref_slice %arg12[%dma_start3A_77, %dma_start3A_78] : memref<10000x128xf32, #tpu.memory_space<vmem_shared>> -> memref<10000x128xf32, #tpu.memory_space<vmem_shared>>
    tpu.enqueue_indirect_dma source(%arg9 : memref<80x128xf32, #tpu.memory_space<vmem>>) target(%dma_start3A_79 : memref<10000x128xf32, #tpu.memory_space<vmem_shared>>) offsets(%dma_start3A_76 : memref<80xi32, #tpu.memory_space<vmem>>) semaphore(%arg16 : memref<!tpu.dma_semaphore, #tpu.memory_space<semaphore_mem>>) {add = true}
    %dma_wait3A_80 = arith.constant 1 : i32
    %dma_wait3A_81 = arith.constant 0 : i32
    %dma_wait3A_82 = tpu.memref_slice %arg7[%dma_wait3A_80, %dma_wait3A_81] : memref<125x80xi32, #tpu.memory_space<vmem>> -> memref<1x80xi32, #tpu.memory_space<vmem>>
    %dma_wait3A_83 = tpu.memref_squeeze %dma_wait3A_82 : memref<1x80xi32, #tpu.memory_space<vmem>> -> memref<80xi32, #tpu.memory_space<vmem>>
    %dma_wait3A_84 = arith.constant 0 : i32
    %dma_wait3A_85 = arith.constant 0 : i32
    %dma_wait3A_86 = tpu.memref_slice %arg2[%dma_wait3A_84, %dma_wait3A_85] : memref<10000x128xf32, #tpu.memory_space<hbm>> -> memref<10000x128xf32, #tpu.memory_space<hbm>>
    tpu.wait_indirect_dma semaphore(%arg14 : memref<!tpu.dma_semaphore, #tpu.memory_space<semaphore_mem>>) src(%dma_wait3A_86 : memref<10000x128xf32, #tpu.memory_space<hbm>>) dst(%arg10 : memref<80x128xf32, #tpu.memory_space<vmem>>)
    %dma_start3A_87 = arith.constant 1 : i32
    %dma_start3A_88 = arith.constant 0 : i32
    %dma_start3A_89 = tpu.memref_slice %arg8[%dma_start3A_87, %dma_start3A_88] : memref<125x80xi32, #tpu.memory_space<vmem>> -> memref<1x80xi32, #tpu.memory_space<vmem>>
    %dma_start3A_90 = tpu.memref_squeeze %dma_start3A_89 : memref<1x80xi32, #tpu.memory_space<vmem>> -> memref<80xi32, #tpu.memory_space<vmem>>
    %dma_start3A_91 = arith.constant 0 : i32
    %dma_start3A_92 = arith.constant 0 : i32
    %dma_start3A_93 = tpu.memref_slice %arg12[%dma_start3A_91, %dma_start3A_92] : memref<10000x128xf32, #tpu.memory_space<vmem_shared>> -> memref<10000x128xf32, #tpu.memory_space<vmem_shared>>
    tpu.enqueue_indirect_dma source(%arg10 : memref<80x128xf32, #tpu.memory_space<vmem>>) target(%dma_start3A_93 : memref<10000x128xf32, #tpu.memory_space<vmem_shared>>) offsets(%dma_start3A_90 : memref<80xi32, #tpu.memory_space<vmem>>) semaphore(%arg17 : memref<!tpu.dma_semaphore, #tpu.memory_space<semaphore_mem>>) {add = true}
    %scan3A = arith.constant 0 : i32
    %scan3A_94 = arith.constant 0 : i32
    %scan3A_95 = arith.constant 41 : i32
    %scan3A_96 = arith.addi %scan3A_94, %scan3A_95 : i32
    %scan3A_97 = arith.constant 1 : i32
    scf.for %scan3A_121 = %scan3A_94 to %scan3A_96 step %scan3A_97  : i32 {
      %mul3A_122 = arith.constant 3 : i32
      %mul3A_123 = arith.muli %mul3A_122, %scan3A_121 : i32
      %add3A_124 = arith.constant 2 : i32
      %add3A_125 = arith.addi %mul3A_123, %add3A_124 : i32
      %dma_wait3A_126 = arith.constant 0 : i32
      %dma_wait3A_127 = tpu.memref_slice %arg7[%add3A_125, %dma_wait3A_126] : memref<125x80xi32, #tpu.memory_space<vmem>> -> memref<1x80xi32, #tpu.memory_space<vmem>>
      %dma_wait3A_128 = tpu.memref_squeeze %dma_wait3A_127 : memref<1x80xi32, #tpu.memory_space<vmem>> -> memref<80xi32, #tpu.memory_space<vmem>>
      %dma_wait3A_129 = arith.constant 0 : i32
      %dma_wait3A_130 = arith.constant 0 : i32
      %dma_wait3A_131 = tpu.memref_slice %arg2[%dma_wait3A_129, %dma_wait3A_130] : memref<10000x128xf32, #tpu.memory_space<hbm>> -> memref<10000x128xf32, #tpu.memory_space<hbm>>
      tpu.wait_indirect_dma semaphore(%arg15 : memref<!tpu.dma_semaphore, #tpu.memory_space<semaphore_mem>>) src(%dma_wait3A_131 : memref<10000x128xf32, #tpu.memory_space<hbm>>) dst(%arg11 : memref<80x128xf32, #tpu.memory_space<vmem>>)
      %dma_start3A_132 = arith.constant 0 : i32
      %dma_start3A_133 = tpu.memref_slice %arg8[%add3A_125, %dma_start3A_132] : memref<125x80xi32, #tpu.memory_space<vmem>> -> memref<1x80xi32, #tpu.memory_space<vmem>>
      %dma_start3A_134 = tpu.memref_squeeze %dma_start3A_133 : memref<1x80xi32, #tpu.memory_space<vmem>> -> memref<80xi32, #tpu.memory_space<vmem>>
      %dma_start3A_135 = arith.constant 0 : i32
      %dma_start3A_136 = arith.constant 0 : i32
      %dma_start3A_137 = tpu.memref_slice %arg12[%dma_start3A_135, %dma_start3A_136] : memref<10000x128xf32, #tpu.memory_space<vmem_shared>> -> memref<10000x128xf32, #tpu.memory_space<vmem_shared>>
      tpu.enqueue_indirect_dma source(%arg11 : memref<80x128xf32, #tpu.memory_space<vmem>>) target(%dma_start3A_137 : memref<10000x128xf32, #tpu.memory_space<vmem_shared>>) offsets(%dma_start3A_134 : memref<80xi32, #tpu.memory_space<vmem>>) semaphore(%arg18 : memref<!tpu.dma_semaphore, #tpu.memory_space<semaphore_mem>>) {add = true}
      %dma_wait3A_138 = arith.constant 0 : i32
      %dma_wait3A_139 = arith.constant 0 : i32
      %dma_wait3A_140 = tpu.memref_slice %arg8[%dma_wait3A_138, %dma_wait3A_139] : memref<125x80xi32, #tpu.memory_space<vmem>> -> memref<1x80xi32, #tpu.memory_space<vmem>>
      %dma_wait3A_141 = tpu.memref_squeeze %dma_wait3A_140 : memref<1x80xi32, #tpu.memory_space<vmem>> -> memref<80xi32, #tpu.memory_space<vmem>>
      %dma_wait3A_142 = arith.constant 0 : i32
      %dma_wait3A_143 = arith.constant 0 : i32
      %dma_wait3A_144 = tpu.memref_slice %arg12[%dma_wait3A_142, %dma_wait3A_143] : memref<10000x128xf32, #tpu.memory_space<vmem_shared>> -> memref<10000x128xf32, #tpu.memory_space<vmem_shared>>
      tpu.wait_indirect_dma semaphore(%arg16 : memref<!tpu.dma_semaphore, #tpu.memory_space<semaphore_mem>>) src(%arg9 : memref<80x128xf32, #tpu.memory_space<vmem>>) dst(%dma_wait3A_144 : memref<10000x128xf32, #tpu.memory_space<vmem_shared>>)
      %add3A_145 = arith.constant 1 : i32
      %add3A_146 = arith.addi %add3A_125, %add3A_145 : i32
      %dma_start3A_147 = arith.constant 0 : i32
      %dma_start3A_148 = tpu.memref_slice %arg7[%add3A_146, %dma_start3A_147] : memref<125x80xi32, #tpu.memory_space<vmem>> -> memref<1x80xi32, #tpu.memory_space<vmem>>
      %dma_start3A_149 = tpu.memref_squeeze %dma_start3A_148 : memref<1x80xi32, #tpu.memory_space<vmem>> -> memref<80xi32, #tpu.memory_space<vmem>>
      %dma_start3A_150 = arith.constant 0 : i32
      %dma_start3A_151 = arith.constant 0 : i32
      %dma_start3A_152 = tpu.memref_slice %arg2[%dma_start3A_150, %dma_start3A_151] : memref<10000x128xf32, #tpu.memory_space<hbm>> -> memref<10000x128xf32, #tpu.memory_space<hbm>>
      tpu.enqueue_indirect_dma source(%dma_start3A_152 : memref<10000x128xf32, #tpu.memory_space<hbm>>) target(%arg9 : memref<80x128xf32, #tpu.memory_space<vmem>>) offsets(%dma_start3A_149 : memref<80xi32, #tpu.memory_space<vmem>>) semaphore(%arg13 : memref<!tpu.dma_semaphore, #tpu.memory_space<semaphore_mem>>)
      %add3A_153 = arith.constant 1 : i32
      %add3A_154 = arith.addi %add3A_125, %add3A_153 : i32
      %dma_wait3A_155 = arith.constant 0 : i32
      %dma_wait3A_156 = tpu.memref_slice %arg7[%add3A_154, %dma_wait3A_155] : memref<125x80xi32, #tpu.memory_space<vmem>> -> memref<1x80xi32, #tpu.memory_space<vmem>>
      %dma_wait3A_157 = tpu.memref_squeeze %dma_wait3A_156 : memref<1x80xi32, #tpu.memory_space<vmem>> -> memref<80xi32, #tpu.memory_space<vmem>>
      %dma_wait3A_158 = arith.constant 0 : i32
      %dma_wait3A_159 = arith.constant 0 : i32
      %dma_wait3A_160 = tpu.memref_slice %arg2[%dma_wait3A_158, %dma_wait3A_159] : memref<10000x128xf32, #tpu.memory_space<hbm>> -> memref<10000x128xf32, #tpu.memory_space<hbm>>
      tpu.wait_indirect_dma semaphore(%arg13 : memref<!tpu.dma_semaphore, #tpu.memory_space<semaphore_mem>>) src(%dma_wait3A_160 : memref<10000x128xf32, #tpu.memory_space<hbm>>) dst(%arg9 : memref<80x128xf32, #tpu.memory_space<vmem>>)
      %add3A_161 = arith.constant 1 : i32
      %add3A_162 = arith.addi %add3A_125, %add3A_161 : i32
      %dma_start3A_163 = arith.constant 0 : i32
      %dma_start3A_164 = tpu.memref_slice %arg8[%add3A_162, %dma_start3A_163] : memref<125x80xi32, #tpu.memory_space<vmem>> -> memref<1x80xi32, #tpu.memory_space<vmem>>
      %dma_start3A_165 = tpu.memref_squeeze %dma_start3A_164 : memref<1x80xi32, #tpu.memory_space<vmem>> -> memref<80xi32, #tpu.memory_space<vmem>>
      %dma_start3A_166 = arith.constant 0 : i32
      %dma_start3A_167 = arith.constant 0 : i32
      %dma_start3A_168 = tpu.memref_slice %arg12[%dma_start3A_166, %dma_start3A_167] : memref<10000x128xf32, #tpu.memory_space<vmem_shared>> -> memref<10000x128xf32, #tpu.memory_space<vmem_shared>>
      tpu.enqueue_indirect_dma source(%arg9 : memref<80x128xf32, #tpu.memory_space<vmem>>) target(%dma_start3A_168 : memref<10000x128xf32, #tpu.memory_space<vmem_shared>>) offsets(%dma_start3A_165 : memref<80xi32, #tpu.memory_space<vmem>>) semaphore(%arg16 : memref<!tpu.dma_semaphore, #tpu.memory_space<semaphore_mem>>) {add = true}
      %dma_wait3A_169 = arith.constant 0 : i32
      %dma_wait3A_170 = arith.constant 0 : i32
      %dma_wait3A_171 = tpu.memref_slice %arg8[%dma_wait3A_169, %dma_wait3A_170] : memref<125x80xi32, #tpu.memory_space<vmem>> -> memref<1x80xi32, #tpu.memory_space<vmem>>
      %dma_wait3A_172 = tpu.memref_squeeze %dma_wait3A_171 : memref<1x80xi32, #tpu.memory_space<vmem>> -> memref<80xi32, #tpu.memory_space<vmem>>
      %dma_wait3A_173 = arith.constant 0 : i32
      %dma_wait3A_174 = arith.constant 0 : i32
      %dma_wait3A_175 = tpu.memref_slice %arg12[%dma_wait3A_173, %dma_wait3A_174] : memref<10000x128xf32, #tpu.memory_space<vmem_shared>> -> memref<10000x128xf32, #tpu.memory_space<vmem_shared>>
      tpu.wait_indirect_dma semaphore(%arg17 : memref<!tpu.dma_semaphore, #tpu.memory_space<semaphore_mem>>) src(%arg10 : memref<80x128xf32, #tpu.memory_space<vmem>>) dst(%dma_wait3A_175 : memref<10000x128xf32, #tpu.memory_space<vmem_shared>>)
      %add3A_176 = arith.constant 2 : i32
      %add3A_177 = arith.addi %add3A_125, %add3A_176 : i32
      %dma_start3A_178 = arith.constant 0 : i32
      %dma_start3A_179 = tpu.memref_slice %arg7[%add3A_177, %dma_start3A_178] : memref<125x80xi32, #tpu.memory_space<vmem>> -> memref<1x80xi32, #tpu.memory_space<vmem>>
      %dma_start3A_180 = tpu.memref_squeeze %dma_start3A_179 : memref<1x80xi32, #tpu.memory_space<vmem>> -> memref<80xi32, #tpu.memory_space<vmem>>
      %dma_start3A_181 = arith.constant 0 : i32
      %dma_start3A_182 = arith.constant 0 : i32
      %dma_start3A_183 = tpu.memref_slice %arg2[%dma_start3A_181, %dma_start3A_182] : memref<10000x128xf32, #tpu.memory_space<hbm>> -> memref<10000x128xf32, #tpu.memory_space<hbm>>
      tpu.enqueue_indirect_dma source(%dma_start3A_183 : memref<10000x128xf32, #tpu.memory_space<hbm>>) target(%arg10 : memref<80x128xf32, #tpu.memory_space<vmem>>) offsets(%dma_start3A_180 : memref<80xi32, #tpu.memory_space<vmem>>) semaphore(%arg14 : memref<!tpu.dma_semaphore, #tpu.memory_space<semaphore_mem>>)
      %add3A_184 = arith.constant 2 : i32
      %add3A_185 = arith.addi %add3A_125, %add3A_184 : i32
      %dma_wait3A_186 = arith.constant 0 : i32
      %dma_wait3A_187 = tpu.memref_slice %arg7[%add3A_185, %dma_wait3A_186] : memref<125x80xi32, #tpu.memory_space<vmem>> -> memref<1x80xi32, #tpu.memory_space<vmem>>
      %dma_wait3A_188 = tpu.memref_squeeze %dma_wait3A_187 : memref<1x80xi32, #tpu.memory_space<vmem>> -> memref<80xi32, #tpu.memory_space<vmem>>
      %dma_wait3A_189 = arith.constant 0 : i32
      %dma_wait3A_190 = arith.constant 0 : i32
      %dma_wait3A_191 = tpu.memref_slice %arg2[%dma_wait3A_189, %dma_wait3A_190] : memref<10000x128xf32, #tpu.memory_space<hbm>> -> memref<10000x128xf32, #tpu.memory_space<hbm>>
      tpu.wait_indirect_dma semaphore(%arg14 : memref<!tpu.dma_semaphore, #tpu.memory_space<semaphore_mem>>) src(%dma_wait3A_191 : memref<10000x128xf32, #tpu.memory_space<hbm>>) dst(%arg10 : memref<80x128xf32, #tpu.memory_space<vmem>>)
      %add3A_192 = arith.constant 2 : i32
      %add3A_193 = arith.addi %add3A_125, %add3A_192 : i32
      %dma_start3A_194 = arith.constant 0 : i32
      %dma_start3A_195 = tpu.memref_slice %arg8[%add3A_193, %dma_start3A_194] : memref<125x80xi32, #tpu.memory_space<vmem>> -> memref<1x80xi32, #tpu.memory_space<vmem>>
      %dma_start3A_196 = tpu.memref_squeeze %dma_start3A_195 : memref<1x80xi32, #tpu.memory_space<vmem>> -> memref<80xi32, #tpu.memory_space<vmem>>
      %dma_start3A_197 = arith.constant 0 : i32
      %dma_start3A_198 = arith.constant 0 : i32
      %dma_start3A_199 = tpu.memref_slice %arg12[%dma_start3A_197, %dma_start3A_198] : memref<10000x128xf32, #tpu.memory_space<vmem_shared>> -> memref<10000x128xf32, #tpu.memory_space<vmem_shared>>
      tpu.enqueue_indirect_dma source(%arg10 : memref<80x128xf32, #tpu.memory_space<vmem>>) target(%dma_start3A_199 : memref<10000x128xf32, #tpu.memory_space<vmem_shared>>) offsets(%dma_start3A_196 : memref<80xi32, #tpu.memory_space<vmem>>) semaphore(%arg17 : memref<!tpu.dma_semaphore, #tpu.memory_space<semaphore_mem>>) {add = true}
      %dma_wait3A_200 = arith.constant 0 : i32
      %dma_wait3A_201 = arith.constant 0 : i32
      %dma_wait3A_202 = tpu.memref_slice %arg8[%dma_wait3A_200, %dma_wait3A_201] : memref<125x80xi32, #tpu.memory_space<vmem>> -> memref<1x80xi32, #tpu.memory_space<vmem>>
      %dma_wait3A_203 = tpu.memref_squeeze %dma_wait3A_202 : memref<1x80xi32, #tpu.memory_space<vmem>> -> memref<80xi32, #tpu.memory_space<vmem>>
      %dma_wait3A_204 = arith.constant 0 : i32
      %dma_wait3A_205 = arith.constant 0 : i32
      %dma_wait3A_206 = tpu.memref_slice %arg12[%dma_wait3A_204, %dma_wait3A_205] : memref<10000x128xf32, #tpu.memory_space<vmem_shared>> -> memref<10000x128xf32, #tpu.memory_space<vmem_shared>>
      tpu.wait_indirect_dma semaphore(%arg18 : memref<!tpu.dma_semaphore, #tpu.memory_space<semaphore_mem>>) src(%arg11 : memref<80x128xf32, #tpu.memory_space<vmem>>) dst(%dma_wait3A_206 : memref<10000x128xf32, #tpu.memory_space<vmem_shared>>)
      %add3A_207 = arith.constant 3 : i32
      %add3A_208 = arith.addi %add3A_125, %add3A_207 : i32
      %min3A_209 = arith.constant 124 : i32
      %min3A_210 = arith.minsi %add3A_208, %min3A_209 : i32
      %dma_start3A_211 = arith.constant 0 : i32
      %dma_start3A_212 = tpu.memref_slice %arg7[%min3A_210, %dma_start3A_211] : memref<125x80xi32, #tpu.memory_space<vmem>> -> memref<1x80xi32, #tpu.memory_space<vmem>>
      %dma_start3A_213 = tpu.memref_squeeze %dma_start3A_212 : memref<1x80xi32, #tpu.memory_space<vmem>> -> memref<80xi32, #tpu.memory_space<vmem>>
      %dma_start3A_214 = arith.constant 0 : i32
      %dma_start3A_215 = arith.constant 0 : i32
      %dma_start3A_216 = tpu.memref_slice %arg2[%dma_start3A_214, %dma_start3A_215] : memref<10000x128xf32, #tpu.memory_space<hbm>> -> memref<10000x128xf32, #tpu.memory_space<hbm>>
      tpu.enqueue_indirect_dma source(%dma_start3A_216 : memref<10000x128xf32, #tpu.memory_space<hbm>>) target(%arg11 : memref<80x128xf32, #tpu.memory_space<vmem>>) offsets(%dma_start3A_213 : memref<80xi32, #tpu.memory_space<vmem>>) semaphore(%arg15 : memref<!tpu.dma_semaphore, #tpu.memory_space<semaphore_mem>>)
    }
    %scan3A_98 = arith.constant 41 : i32
    %dma_wait3A_99 = arith.constant 124 : i32
    %dma_wait3A_100 = arith.constant 0 : i32
    %dma_wait3A_101 = tpu.memref_slice %arg7[%dma_wait3A_99, %dma_wait3A_100] : memref<125x80xi32, #tpu.memory_space<vmem>> -> memref<1x80xi32, #tpu.memory_space<vmem>>
    %dma_wait3A_102 = tpu.memref_squeeze %dma_wait3A_101 : memref<1x80xi32, #tpu.memory_space<vmem>> -> memref<80xi32, #tpu.memory_space<vmem>>
    %dma_wait3A_103 = arith.constant 0 : i32
    %dma_wait3A_104 = arith.constant 0 : i32
    %dma_wait3A_105 = tpu.memref_slice %arg2[%dma_wait3A_103, %dma_wait3A_104] : memref<10000x128xf32, #tpu.memory_space<hbm>> -> memref<10000x128xf32, #tpu.memory_space<hbm>>
    tpu.wait_indirect_dma semaphore(%arg15 : memref<!tpu.dma_semaphore, #tpu.memory_space<semaphore_mem>>) src(%dma_wait3A_105 : memref<10000x128xf32, #tpu.memory_space<hbm>>) dst(%arg11 : memref<80x128xf32, #tpu.memory_space<vmem>>)
    %dma_wait3A_106 = arith.constant 0 : i32
    %dma_wait3A_107 = arith.constant 0 : i32
    %dma_wait3A_108 = tpu.memref_slice %arg8[%dma_wait3A_106, %dma_wait3A_107] : memref<125x80xi32, #tpu.memory_space<vmem>> -> memref<1x80xi32, #tpu.memory_space<vmem>>
    %dma_wait3A_109 = tpu.memref_squeeze %dma_wait3A_108 : memref<1x80xi32, #tpu.memory_space<vmem>> -> memref<80xi32, #tpu.memory_space<vmem>>
    %dma_wait3A_110 = arith.constant 0 : i32
    %dma_wait3A_111 = arith.constant 0 : i32
    %dma_wait3A_112 = tpu.memref_slice %arg12[%dma_wait3A_110, %dma_wait3A_111] : memref<10000x128xf32, #tpu.memory_space<vmem_shared>> -> memref<10000x128xf32, #tpu.memory_space<vmem_shared>>
    tpu.wait_indirect_dma semaphore(%arg16 : memref<!tpu.dma_semaphore, #tpu.memory_space<semaphore_mem>>) src(%arg9 : memref<80x128xf32, #tpu.memory_space<vmem>>) dst(%dma_wait3A_112 : memref<10000x128xf32, #tpu.memory_space<vmem_shared>>)
    %dma_wait3A_113 = arith.constant 0 : i32
    %dma_wait3A_114 = arith.constant 0 : i32
    %dma_wait3A_115 = tpu.memref_slice %arg8[%dma_wait3A_113, %dma_wait3A_114] : memref<125x80xi32, #tpu.memory_space<vmem>> -> memref<1x80xi32, #tpu.memory_space<vmem>>
    %dma_wait3A_116 = tpu.memref_squeeze %dma_wait3A_115 : memref<1x80xi32, #tpu.memory_space<vmem>> -> memref<80xi32, #tpu.memory_space<vmem>>
    %dma_wait3A_117 = arith.constant 0 : i32
    %dma_wait3A_118 = arith.constant 0 : i32
    %dma_wait3A_119 = tpu.memref_slice %arg12[%dma_wait3A_117, %dma_wait3A_118] : memref<10000x128xf32, #tpu.memory_space<vmem_shared>> -> memref<10000x128xf32, #tpu.memory_space<vmem_shared>>
    tpu.wait_indirect_dma semaphore(%arg17 : memref<!tpu.dma_semaphore, #tpu.memory_space<semaphore_mem>>) src(%arg10 : memref<80x128xf32, #tpu.memory_space<vmem>>) dst(%dma_wait3A_119 : memref<10000x128xf32, #tpu.memory_space<vmem_shared>>)
    %barrier3A_120 = arith.constant 0 : index
    tpu.barrier barrier_id(%barrier3A_120)
    "tpu.region"() ({
      %run_scoped3A = tpu.sem_alloc : memref<!tpu.dma_semaphore, #tpu.memory_space<semaphore_mem>>
      %dma_start3A_121 = arith.constant 0 : i32
      %dma_start3A_122 = tpu.memref_slice %arg6[%arg0, %multiple_of3A, %dma_start3A_121] : memref<2x10000x128xf32, #tpu.memory_space<hbm>> -> memref<1x632x128xf32, #tpu.memory_space<hbm>>
      %dma_start3A_123 = tpu.memref_squeeze %dma_start3A_122 : memref<1x632x128xf32, #tpu.memory_space<hbm>> -> memref<632x128xf32, #tpu.memory_space<hbm>>
      %dma_start3A_124 = arith.constant 0 : i32
      %dma_start3A_125 = tpu.memref_slice %arg12[%multiple_of3A, %dma_start3A_124] : memref<10000x128xf32, #tpu.memory_space<vmem_shared>> -> memref<632x128xf32, #tpu.memory_space<vmem_shared>>
      tpu.enqueue_dma source(%dma_start3A_125 : memref<632x128xf32, #tpu.memory_space<vmem_shared>>) target(%dma_start3A_123 : memref<632x128xf32, #tpu.memory_space<hbm>>) target_semaphore(%run_scoped3A : memref<!tpu.dma_semaphore, #tpu.memory_space<semaphore_mem>>)
      %dma_wait3A_126 = arith.constant 0 : i32
      %dma_wait3A_127 = tpu.memref_slice %arg6[%arg0, %multiple_of3A, %dma_wait3A_126] : memref<2x10000x128xf32, #tpu.memory_space<hbm>> -> memref<1x632x128xf32, #tpu.memory_space<hbm>>
      %dma_wait3A_128 = tpu.memref_squeeze %dma_wait3A_127 : memref<1x632x128xf32, #tpu.memory_space<hbm>> -> memref<632x128xf32, #tpu.memory_space<hbm>>
      %dma_wait3A_129 = arith.constant 0 : i32
      %dma_wait3A_130 = tpu.memref_slice %arg12[%multiple_of3A, %dma_wait3A_129] : memref<10000x128xf32, #tpu.memory_space<vmem_shared>> -> memref<632x128xf32, #tpu.memory_space<vmem_shared>>
      tpu.wait_dma2 semaphore(%run_scoped3A : memref<!tpu.dma_semaphore, #tpu.memory_space<semaphore_mem>>) src(%dma_wait3A_130 : memref<632x128xf32, #tpu.memory_space<vmem_shared>>) dst(%dma_wait3A_128 : memref<632x128xf32, #tpu.memory_space<hbm>>)
      tpu.yield
    }) : () -> ()
    return
  }
}

module attributes {stable_mosaic.version = 14 : i64} {
  func.func @body(%arg0: memref<10000x128xf32, #tpu.memory_space<vmem>>, %arg1: memref<128x128xf32, #tpu.memory_space<vmem>>, %arg2: memref<2x10000x16xf32, #tpu.memory_space<vmem>>, %arg3: memref<10000x128xf32, #tpu.memory_space<vmem>>, %arg4: memref<10000x8xf32, #tpu.memory_space<vmem>>) attributes {dimension_semantics = [], scalar_prefetch = 0 : i64, scratch_operands = 0 : i64, tpu.core_type = #tpu.core_type<tc>} {
    %get3A = arith.constant 0 : index
    %get3A_0 = arith.constant 0 : index
    %get3A_1 = arith.constant 0 : index
    %get3A_2 = vector.load %arg2[%get3A, %get3A_0, %get3A_1] : memref<2x10000x16xf32, #tpu.memory_space<vmem>>, vector<1x10000x1xf32>
    %get3A_3 = vector.shape_cast %get3A_2 : vector<1x10000x1xf32> to vector<10000x1xf32>
    %get3A_4 = arith.constant 1 : index
    %get3A_5 = arith.constant 0 : index
    %get3A_6 = arith.constant 0 : index
    %get3A_7 = vector.load %arg2[%get3A_4, %get3A_5, %get3A_6] : memref<2x10000x16xf32, #tpu.memory_space<vmem>>, vector<1x10000x1xf32>
    %get3A_8 = vector.shape_cast %get3A_7 : vector<1x10000x1xf32> to vector<10000x1xf32>
    %add3A = arith.addf %get3A_3, %get3A_8 : vector<10000x1xf32>
    %add3A_9 = arith.constant 1.000000e+00 : f32
    %add3A_10 = vector.broadcast %add3A_9 : f32 to vector<10000x1xf32>
    %add3A_11 = arith.addf %add3A, %add3A_10 : vector<10000x1xf32>
    %rsqrt3A = math.rsqrt %add3A_11 : vector<10000x1xf32>
    %broadcast_in_dim3A = vector.shape_cast %rsqrt3A : vector<10000x1xf32> to vector<10000x1xf32>
    %broadcast_in_dim3A_12 = vector.broadcast %broadcast_in_dim3A : vector<10000x1xf32> to vector<10000x8xf32>
    %swap3A = arith.constant 0 : index
    %swap3A_13 = arith.constant 0 : index
    %swap3A_14 = vector.load %arg4[%swap3A, %swap3A_13] : memref<10000x8xf32, #tpu.memory_space<vmem>>, vector<10000x8xf32>
    tpu.vector_store %arg4[%swap3A, %swap3A_13], %broadcast_in_dim3A_12 {strides = array<i32>} : memref<10000x8xf32, #tpu.memory_space<vmem>>, vector<10000x8xf32>,
    %get3A_15 = arith.constant 0 : index
    %get3A_16 = arith.constant 0 : index
    %get3A_17 = vector.load %arg0[%get3A_15, %get3A_16] : memref<10000x128xf32, #tpu.memory_space<vmem>>, vector<10000x128xf32>
    %get3A_18 = arith.constant 0 : index
    %get3A_19 = arith.constant 0 : index
    %get3A_20 = vector.load %arg1[%get3A_18, %get3A_19] : memref<128x128xf32, #tpu.memory_space<vmem>>, vector<128x128xf32>
    %dot_general3A = arith.constant dense<0.000000e+00> : vector<10000x128xf32>
    %dot_general3A_21 = tpu.matmul %get3A_17, %get3A_20, %dot_general3A {dimension_numbers = #tpu.dot_dimension_numbers<[1], [0], [0], [1], [0, 0, 1, 1], [], []>, transpose_lhs_hint = false} : vector<10000x128xf32>, vector<128x128xf32>, vector<10000x128xf32> -> vector<10000x128xf32>
    %broadcast_in_dim3A_22 = vector.shape_cast %rsqrt3A : vector<10000x1xf32> to vector<10000x1xf32>
    %broadcast_in_dim3A_23 = vector.broadcast %broadcast_in_dim3A_22 : vector<10000x1xf32> to vector<10000x128xf32>
    %mul3A = arith.mulf %dot_general3A_21, %broadcast_in_dim3A_23 : vector<10000x128xf32>
    %swap3A_24 = arith.constant 0 : index
    %swap3A_25 = arith.constant 0 : index
    %swap3A_26 = vector.load %arg3[%swap3A_24, %swap3A_25] : memref<10000x128xf32, #tpu.memory_space<vmem>>, vector<10000x128xf32>
    tpu.vector_store %arg3[%swap3A_24, %swap3A_25], %mul3A {strides = array<i32>} : memref<10000x128xf32, #tpu.memory_space<vmem>>, vector<10000x128xf32>,
    return
  }
}

module attributes {stable_mosaic.version = 14 : i64} {
  func.func @body(%arg0: memref<2x10000x128xf32, #tpu.memory_space<vmem>>, %arg1: memref<10000x8xf32, #tpu.memory_space<vmem>>, %arg2: memref<1x128xf32, #tpu.memory_space<vmem>>, %arg3: memref<1x128xf32, #tpu.memory_space<vmem>>, %arg4: memref<1x128xf32, #tpu.memory_space<vmem>>, %arg5: memref<128x128xf32, #tpu.memory_space<vmem>>, %arg6: memref<10000x128xf32, #tpu.memory_space<vmem>>) attributes {dimension_semantics = [], scalar_prefetch = 0 : i64, scratch_operands = 0 : i64, tpu.core_type = #tpu.core_type<tc>} {
    %get3A = arith.constant 0 : index
    %get3A_0 = arith.constant 0 : index
    %get3A_1 = vector.load %arg1[%get3A, %get3A_0] : memref<10000x8xf32, #tpu.memory_space<vmem>>, vector<10000x1xf32>
    %broadcast_in_dim3A = vector.shape_cast %get3A_1 : vector<10000x1xf32> to vector<10000x1xf32>
    %broadcast_in_dim3A_2 = vector.broadcast %broadcast_in_dim3A : vector<10000x1xf32> to vector<10000x128xf32>
    %get3A_3 = arith.constant 0 : index
    %get3A_4 = arith.constant 0 : index
    %get3A_5 = arith.constant 0 : index
    %get3A_6 = vector.load %arg0[%get3A_3, %get3A_4, %get3A_5] : memref<2x10000x128xf32, #tpu.memory_space<vmem>>, vector<1x10000x128xf32>
    %get3A_7 = vector.shape_cast %get3A_6 : vector<1x10000x128xf32> to vector<10000x128xf32>
    %get3A_8 = arith.constant 1 : index
    %get3A_9 = arith.constant 0 : index
    %get3A_10 = arith.constant 0 : index
    %get3A_11 = vector.load %arg0[%get3A_8, %get3A_9, %get3A_10] : memref<2x10000x128xf32, #tpu.memory_space<vmem>>, vector<1x10000x128xf32>
    %get3A_12 = vector.shape_cast %get3A_11 : vector<1x10000x128xf32> to vector<10000x128xf32>
    %add3A = arith.addf %get3A_7, %get3A_12 : vector<10000x128xf32>
    %mul3A = arith.mulf %add3A, %broadcast_in_dim3A_2 : vector<10000x128xf32>
    %get3A_13 = arith.constant 0 : index
    %get3A_14 = arith.constant 0 : index
    %get3A_15 = vector.load %arg2[%get3A_13, %get3A_14] : memref<1x128xf32, #tpu.memory_space<vmem>>, vector<1x128xf32>
    %add3A_16 = vector.broadcast %get3A_15 : vector<1x128xf32> to vector<10000x128xf32>
    %add3A_17 = arith.addf %mul3A, %add3A_16 : vector<10000x128xf32>
    %reduce_sum3A = arith.constant dense<0.000000e+00> : vector<128xf32>
    %reduce_sum3A_18 = vector.multi_reduction <add>, %add3A_17, %reduce_sum3A [0] : vector<10000x128xf32> to vector<128xf32>
    %broadcast_in_dim3A_19 = vector.shape_cast %reduce_sum3A_18 : vector<128xf32> to vector<1x128xf32>
    %div3A = arith.constant 1.000000e+04 : f32
    %div3A_20 = vector.broadcast %div3A : f32 to vector<1x128xf32>
    %div3A_21 = arith.divf %broadcast_in_dim3A_19, %div3A_20 : vector<1x128xf32>
    %sub3A = vector.broadcast %div3A_21 : vector<1x128xf32> to vector<10000x128xf32>
    %sub3A_22 = arith.subf %add3A_17, %sub3A : vector<10000x128xf32>
    %integer_pow3A = arith.mulf %sub3A_22, %sub3A_22 : vector<10000x128xf32>
    %reduce_sum3A_23 = arith.constant dense<0.000000e+00> : vector<128xf32>
    %reduce_sum3A_24 = vector.multi_reduction <add>, %integer_pow3A, %reduce_sum3A_23 [0] : vector<10000x128xf32> to vector<128xf32>
    %broadcast_in_dim3A_25 = vector.shape_cast %reduce_sum3A_24 : vector<128xf32> to vector<1x128xf32>
    %div3A_26 = arith.constant 1.000000e+04 : f32
    %div3A_27 = vector.broadcast %div3A_26 : f32 to vector<1x128xf32>
    %div3A_28 = arith.divf %broadcast_in_dim3A_25, %div3A_27 : vector<1x128xf32>
    %get3A_29 = arith.constant 0 : index
    %get3A_30 = arith.constant 0 : index
    %get3A_31 = vector.load %arg3[%get3A_29, %get3A_30] : memref<1x128xf32, #tpu.memory_space<vmem>>, vector<1x128xf32>
    %sub3A_32 = vector.broadcast %div3A_21 : vector<1x128xf32> to vector<10000x128xf32>
    %sub3A_33 = arith.subf %add3A_17, %sub3A_32 : vector<10000x128xf32>
    %mul3A_34 = vector.broadcast %get3A_31 : vector<1x128xf32> to vector<10000x128xf32>
    %mul3A_35 = arith.mulf %mul3A_34, %sub3A_33 : vector<10000x128xf32>
    %add3A_36 = arith.constant 9.99999974E-6 : f32
    %add3A_37 = vector.broadcast %add3A_36 : f32 to vector<1x128xf32>
    %add3A_38 = arith.addf %div3A_28, %add3A_37 : vector<1x128xf32>
    %rsqrt3A = math.rsqrt %add3A_38 : vector<1x128xf32>
    %mul3A_39 = vector.broadcast %rsqrt3A : vector<1x128xf32> to vector<10000x128xf32>
    %mul3A_40 = arith.mulf %mul3A_35, %mul3A_39 : vector<10000x128xf32>
    %get3A_41 = arith.constant 0 : index
    %get3A_42 = arith.constant 0 : index
    %get3A_43 = vector.load %arg4[%get3A_41, %get3A_42] : memref<1x128xf32, #tpu.memory_space<vmem>>, vector<1x128xf32>
    %add3A_44 = vector.broadcast %get3A_43 : vector<1x128xf32> to vector<10000x128xf32>
    %add3A_45 = arith.addf %mul3A_40, %add3A_44 : vector<10000x128xf32>
    %max3A = arith.constant 0.000000e+00 : f32
    %max3A_46 = vector.broadcast %max3A : f32 to vector<10000x128xf32>
    %max3A_47 = arith.maximumf %add3A_45, %max3A_46 : vector<10000x128xf32>
    %get3A_48 = arith.constant 0 : index
    %get3A_49 = arith.constant 0 : index
    %get3A_50 = vector.load %arg5[%get3A_48, %get3A_49] : memref<128x128xf32, #tpu.memory_space<vmem>>, vector<128x128xf32>
    %dot_general3A = arith.constant dense<0.000000e+00> : vector<10000x128xf32>
    %dot_general3A_51 = tpu.matmul %max3A_47, %get3A_50, %dot_general3A {dimension_numbers = #tpu.dot_dimension_numbers<[1], [0], [0], [1], [0, 0, 1, 1], [], []>, transpose_lhs_hint = false} : vector<10000x128xf32>, vector<128x128xf32>, vector<10000x128xf32> -> vector<10000x128xf32>
    %mul3A_52 = arith.mulf %dot_general3A_51, %broadcast_in_dim3A_2 : vector<10000x128xf32>
    %swap3A = arith.constant 0 : index
    %swap3A_53 = arith.constant 0 : index
    %swap3A_54 = vector.load %arg6[%swap3A, %swap3A_53] : memref<10000x128xf32, #tpu.memory_space<vmem>>, vector<10000x128xf32>
    tpu.vector_store %arg6[%swap3A, %swap3A_53], %mul3A_52 {strides = array<i32>} : memref<10000x128xf32, #tpu.memory_space<vmem>>, vector<10000x128xf32>,
    return
  }
}

module attributes {stable_mosaic.version = 14 : i64} {
  func.func @body(%arg0: memref<2x10000x128xf32, #tpu.memory_space<vmem>>, %arg1: memref<10000x8xf32, #tpu.memory_space<vmem>>, %arg2: memref<1x128xf32, #tpu.memory_space<vmem>>, %arg3: memref<10000x128xf32, #tpu.memory_space<vmem>>) attributes {dimension_semantics = [], scalar_prefetch = 0 : i64, scratch_operands = 0 : i64, tpu.core_type = #tpu.core_type<tc>} {
    %get3A = arith.constant 0 : index
    %get3A_0 = arith.constant 0 : index
    %get3A_1 = vector.load %arg1[%get3A, %get3A_0] : memref<10000x8xf32, #tpu.memory_space<vmem>>, vector<10000x1xf32>
    %broadcast_in_dim3A = vector.shape_cast %get3A_1 : vector<10000x1xf32> to vector<10000x1xf32>
    %broadcast_in_dim3A_2 = vector.broadcast %broadcast_in_dim3A : vector<10000x1xf32> to vector<10000x128xf32>
    %get3A_3 = arith.constant 0 : index
    %get3A_4 = arith.constant 0 : index
    %get3A_5 = arith.constant 0 : index
    %get3A_6 = vector.load %arg0[%get3A_3, %get3A_4, %get3A_5] : memref<2x10000x128xf32, #tpu.memory_space<vmem>>, vector<1x10000x128xf32>
    %get3A_7 = vector.shape_cast %get3A_6 : vector<1x10000x128xf32> to vector<10000x128xf32>
    %get3A_8 = arith.constant 1 : index
    %get3A_9 = arith.constant 0 : index
    %get3A_10 = arith.constant 0 : index
    %get3A_11 = vector.load %arg0[%get3A_8, %get3A_9, %get3A_10] : memref<2x10000x128xf32, #tpu.memory_space<vmem>>, vector<1x10000x128xf32>
    %get3A_12 = vector.shape_cast %get3A_11 : vector<1x10000x128xf32> to vector<10000x128xf32>
    %add3A = arith.addf %get3A_7, %get3A_12 : vector<10000x128xf32>
    %mul3A = arith.mulf %add3A, %broadcast_in_dim3A_2 : vector<10000x128xf32>
    %get3A_13 = arith.constant 0 : index
    %get3A_14 = arith.constant 0 : index
    %get3A_15 = vector.load %arg2[%get3A_13, %get3A_14] : memref<1x128xf32, #tpu.memory_space<vmem>>, vector<1x128xf32>
    %add3A_16 = vector.broadcast %get3A_15 : vector<1x128xf32> to vector<10000x128xf32>
    %add3A_17 = arith.addf %mul3A, %add3A_16 : vector<10000x128xf32>
    %swap3A = arith.constant 0 : index
    %swap3A_18 = arith.constant 0 : index
    %swap3A_19 = vector.load %arg3[%swap3A, %swap3A_18] : memref<10000x128xf32, #tpu.memory_space<vmem>>, vector<10000x128xf32>
    tpu.vector_store %arg3[%swap3A, %swap3A_18], %add3A_17 {strides = array<i32>} : memref<10000x128xf32, #tpu.memory_space<vmem>>, vector<10000x128xf32>,
    return
  }
}

</mosaic_0001>

<sc_bundles>
// kernel: kernel.10.cloned.1.call-start
scs
__scs_entry_jumppad:
0x0: {  	(pc) =	sbr.rel $0x88, $3  }
0x1: {  	(tag) =	ssettag $0x0;
	lr =	simm.s32 $0x1  }
0x2: {  	[smem:$0x3F95] =	sst lr;
	_ =	strace $0xD0000000  }
0x3: {  	_ = 	snop  }
0x4: {  	_ = 	snop  }
0x5: {  	_ = 	snop  }
0x6: {  	_ = 	snop  }
0x7: {  	_ = 	snop  }
__scs_overlays_trampoline_lowered:
0x8: {  	[smem:$0x3FA4] =	sst s0  }
0x9: {  	[smem:$0x3FA5] =	sst s1  }
0xa: {  	[smem:$0x3FA6] =	sst s2  }
0xb: {  	[smem:$0x3FA7] =	sst s3  }
0xc: {  	[smem:$0x3FA8] =	sst s4  }
0xd: {  	[smem:$0x3FA9] =	sst s5  }
0xe: {  	[smem:$0x3FAA] =	sst s6  }
0xf: {  	[smem:$0x3FAB] =	sst s7  }
0x10: {  	[smem:$0x3FAC] =	sst s8  }
0x11: {  	[smem:$0x3FAD] =	sst s9;
	s0 =	simm.s32 @!p0 $0x0  }
0x12: {  	s1 =	sld [smem:$0x3F93];
	s0 =	simm.s32 @p0 $0x1  }
0x13: {  	[smem:$0x3FAE] =	sst s0;
	s0 =	simm.s32 @!p1 $0x0  }
0x14: {  	s2 =	sld [smem:$0x3F92];
	s0 =	simm.s32 @p1 $0x1  }
0x15: {  	[smem:$0x3FAF] =	sst s0;
	s0 =	simm.s32 @!p2 $0x0  }
0x16: {  	s3 =	sld [smem:$0x3FDB];
	s0 =	simm.s32 @p2 $0x1  }
0x17: {  	s4 =	simm.s32 $0x1BF5;
	[smem:$0x3FB1] =	sst s0  }
0x18: {  	s0 =	sld [smem:$0x3F94];
	_ =	swait.ge [sflag:s4], $0x0  }
0x19: {  	s7 =	sld [smem:$0x3F95]  }
0x1a: {  	s8 =	sadd.s32 $0xFFFFE003, lr  }
0x1b: {  	s9 =	sadd.s32 $0xFFFFFEF7, lr;
	s5 =	simm.s32 $0xFFFFFFFF;
	p2 =	slt.u32 s8, $0xFFFFF086  }
0x1c: {  	p1 =	slt.u32 s9, $0xF7A;
	s5 =	simm.s32 @!p2 $0x0  }
0x1d: {  	s5 =	simm.s32 @p1 $0x1;
	p0 =	seq.s32 s7, s2  }
0x1e: {  	s7 =	smul.u32 @!p0 $0xF7A, s2;
	p2 =	seq.s32 @!p0 s5, $0x0  }
0x1f: {  	s9 =	smul.u32 $0xF7A, s1;
	s8 =	simm.s32 @!p0 $0x1BF5;
	p2 =	por !p2, p0  }
0x20: {  	[sflag:s8] =	ssyncset.s32 @!p0 $0xFFFFF086;
	s6 =	sadd.s32 @!p0 s3, s7;
	s7 =	simm.s32 @!p0 $0x108  }
0x21: {  	s3 =	sadd.s32 s3, s9;
	s6 =	sadd.s32 @!p0 $0x88, s6;
	s7 =	simm.s32 @p2 $0x1082  }
0x22: {  	[simem:s7], [sflag:s8] =	dma.local @!p0 [hbm:s6], $0xF7A  }
0x23: {  	s9 =	sor.u32 $0xD0000000, s2;
	s6 =	simm.s32 $0x108;
	_ =	swait.ge @!p0 [sflag:s8], $0x0  }
0x24: {  	s3 =	sadd.s32 $0x88, s3;
	s6 =	simm.s32 @!p1 $0x1082;
	[sflag:s4] =	ssyncset.s32 $0xFFFFF086  }
0x25: {  	[simem:s6], [sflag:s4] =	dma.local [hbm:s3], $0xF7A  }
0x26: {  	[smem:$0x3F95] =	sst s1;
	(tag) =	ssettag s2;
	_ =	strace s9  }
0x27: {  	s1 =	sld [smem:$0x3FA5]  }
0x28: {  	s2 =	sld [smem:$0x3FA6]  }
0x29: {  	s4 =	sld [smem:$0x3FA8]  }
0x2a: {  	p0 =	seq.s32 s5, $0x0;
	s5 =	sld [smem:$0x3FA9]  }
0x2b: {  	s6 =	sld [smem:$0x3FAA]  }
0x2c: {  	s7 =	sld [smem:$0x3FAB]  }
0x2d: {  	s3 =	simm.s32 $0x108;
	s8 =	sld [smem:$0x3FAC]  }
0x2e: {  	s3 =	simm.s32 @!p0 $0x1082;
	s9 =	sld [smem:$0x3FAD]  }
0x2f: {  	lr =	sadd.s32 s0, s3;
	s0 =	sld [smem:$0x3FA4]  }
0x30: {  	s3 =	sld [smem:$0x3FA7]  }
0x31: {  	[smem:$0x3FB0] =	sst s10  }
0x32: {  	s10 =	sld [smem:$0x3FAE];
	_ =	sdelay $0x3  }
0x33: {  	p0 =	seq.s32 s10, $0x1;
	s10 =	sld [smem:$0x3FB0];
	_ =	sdelay $0x3  }
0x34: {  	[smem:$0x3FB0] =	sst s10  }
0x35: {  	s10 =	sld [smem:$0x3FAF];
	_ =	sdelay $0x3  }
0x36: {  	p1 =	seq.s32 s10, $0x1;
	s10 =	sld [smem:$0x3FB0];
	_ =	sdelay $0x3  }
0x37: {  	[smem:$0x3FB0] =	sst s10  }
0x38: {  	s10 =	sld [smem:$0x3FB1]  }
0x39: {  	_ = 	snop;
	(pc) =	sbr.ind lr, $3  }
0x3a: {  	_ = 	snop  }
0x3b: {  	_ = 	snop  }
0x3c: {  	p2 =	seq.s32 s10, $0x1;
	s10 =	sld [smem:$0x3FB0]  }
0x3d: {  	_ =	shalt  }
0x3e: {  	_ =	shalt  }
0x3f: {  	_ =	shalt  }
0x40: {  	_ =	shalt  }
0x41: {  	_ =	shalt  }
0x42: {  	_ =	shalt  }
0x43: {  	_ =	shalt  }
0x44: {  	_ =	shalt  }
0x45: {  	_ =	shalt  }
0x46: {  	_ =	shalt  }
0x47: {  	_ =	shalt  }
0x48: {  	_ =	shalt  }
0x49: {  	_ =	shalt  }
0x4a: {  	_ =	shalt  }
0x4b: {  	_ =	shalt  }
0x4c: {  	_ =	shalt  }
0x4d: {  	_ =	shalt  }
0x4e: {  	_ =	shalt  }
0x4f: {  	_ =	shalt  }
0x50: {  	_ =	shalt  }
0x51: {  	_ =	shalt  }
0x52: {  	_ =	shalt  }
0x53: {  	_ =	shalt  }
0x54: {  	_ =	shalt  }
0x55: {  	_ =	shalt  }
0x56: {  	_ =	shalt  }
0x57: {  	_ =	shalt  }
0x58: {  	_ =	shalt  }
0x59: {  	_ =	shalt  }
0x5a: {  	_ =	shalt  }
0x5b: {  	_ =	shalt  }
0x5c: {  	_ =	shalt  }
0x5d: {  	_ =	shalt  }
0x5e: {  	_ =	shalt  }
0x5f: {  	_ =	shalt  }
0x60: {  	_ =	shalt  }
0x61: {  	_ =	shalt  }
0x62: {  	_ =	shalt  }
0x63: {  	_ =	shalt  }
0x64: {  	_ =	shalt  }
0x65: {  	_ =	shalt  }
0x66: {  	_ =	shalt  }
0x67: {  	_ =	shalt  }
0x68: {  	_ =	shalt  }
0x69: {  	_ =	shalt  }
0x6a: {  	_ =	shalt  }
0x6b: {  	_ =	shalt  }
0x6c: {  	_ =	shalt  }
0x6d: {  	_ =	shalt  }
0x6e: {  	_ =	shalt  }
0x6f: {  	_ =	shalt  }
0x70: {  	_ =	shalt  }
0x71: {  	_ =	shalt  }
0x72: {  	_ =	shalt  }
0x73: {  	_ =	shalt  }
0x74: {  	_ =	shalt  }
0x75: {  	_ =	shalt  }
0x76: {  	_ =	shalt  }
0x77: {  	_ =	shalt  }
0x78: {  	_ =	shalt  }
0x79: {  	_ =	shalt  }
0x7a: {  	_ =	shalt  }
0x7b: {  	_ =	shalt  }
0x7c: {  	_ =	shalt  }
0x7d: {  	_ =	shalt  }
0x7e: {  	_ =	shalt  }
0x7f: {  	_ =	shalt  }
0x80: {  	_ =	shalt  }
0x81: {  	_ =	shalt  }
0x82: {  	_ =	shalt  }
0x83: {  	_ =	shalt  }
0x84: {  	_ =	shalt  }
0x85: {  	_ =	shalt  }
0x86: {  	_ =	shalt  }
0x87: {  	_ =	shalt  }
.Lfunc_end0:
.L_simem_size_0:
called_computation_lowered:
.L_overlay_start_0:
0x88: {  	s2 =	sld [smem:$0x3FD9]  }
0x89: {  	s3 =	sld [smem:$0x3FFE];
	_ =	sdelay $0x1  }
0x8a: {  	s1 =	srdreg.scid  }
0x8b: {  	s0 =	sand.u32 $0x1, s1  }
0x8c: {  	s17 =	sshll.u32 s0, $0xA;
	s2 =	sadd.s32 s3, s2  }
0x8d: {  	s2 =	sadd.s32 s2, s17  }
0x8e: {  	[smem:$0x3FBC] =	sst s2  }
0x8f: {  	_ = 	snop  }
0x90: {  	s2 =	sld [smem:$0x3FD0];
	(tm) =	ssettm $0x1  }
0x91: {  	s18 =	sld [smem:$0x3FFB];
	_ =	sdelay $0x3  }
0x92: {  	_ =	strace s18  }
0x93: {  	s3 =	sld [smem:$0x3FFC];
	_ =	sdelay $0x3  }
0x94: {  	_ =	strace s3  }
0x95: {  	s3 =	sld [smem:$0x3FFD];
	_ =	sdelay $0x3  }
0x96: {  	_ =	strace s3  }
0x97: {  	_ =	strace $0x8FFFFFFF  }
0x98: {  	s19 =	sld [smem:$0x3FDB];
	_ =	sdelay $0x1  }
0x99: {  	s4 =	simm.s32 $_scs_section_size  }
0x9a: {  	s5 =	simm.s32 $_size__tile_overlayer_lowered;
	s6 =	simm.s32 $_tile_overlayer_lowered  }
0x9b: {  	s22 =	simm.s32 $0x1BFF;
	s21 =	sshll.u32 s6, $0x1;
	s3 =	sadd.s32 s4, s19  }
0x9c: {  	s7 =	simm.s32 $0x0;
	s20 =	sshll.u32 s5, $0x1;
	s5 =	sadd.s32 s21, s3  }
0x9d: {  	[timem:s7], [sflag:s22] =	dma.local [hbm:s5], s20  }
0x9e: {  	_ =	swait.ge [sflag:s22], s20  }
0x9f: {  	s4 =	ssub.s32 $0x0, s20;
	[sflag:s22] =	ssyncset.done $0x0  }
0xa0: {  	[sflag:s22] =	ssyncadd.s32 s4;
	_ =	sdelay $0x1  }
0xa1: {  	s23 =	simm.s32 $0x1B8B  }
0xa2: {  	_ =	swait.ge [sflag:s23], $0x1  }
0xa3: {  	[sflag:s23] =	ssyncset.done $0x0  }
0xa4: {  	s25 =	simm.s32 $0x1B8E;
	s24 =	sld [smem:$0x3FFE];
	[sflag:s23] =	ssyncadd.s32 $0xFFFFFFFF  }
0xa5: {  	s26 =	simm.s32 $execute0_lowered;
	[smem:$0x3FD2] =	sst s25  }
0xa6: {  	s5 =	sshll.u32 s26, $0x1;
	_ =	strace $0x80000046;
	[dreg:$0x1] =	wrdreg $0xFFFFFFFF  }
0xa7: {  	s28 =	simm.s32 $_size_execute0_lowered;
	s3 =	sadd.s32 s3, s5;
	[dreg:$0x0] =	wrdreg $0x0  }
0xa8: {  	s5 =	sshll.u32 s28, $0x1;
	[dreg:$0x2] =	wrdreg s3  }
0xa9: {  	[dreg:$0x3] =	wrdreg s5  }
0xaa: {  	[dreg:$0x4] =	wrdreg $0xC0  }
0xab: {  	_ =	task [dreg:s7], $0x5FFFF  }
0xac: {  	[dreg:$0x1] =	wrdreg $0xFFFFFFFF  }
0xad: {  	[dreg:$0x0] =	wrdreg $0x60  }
0xae: {  	[dreg:$0x2] =	wrdreg s24  }
0xaf: {  	[dreg:$0x3] =	wrdreg s2  }
0xb0: {  	[dreg:$0x4] =	wrdreg $0x2C100  }
0xb1: {  	[dreg:$0x5] =	wrdreg $0x9  }
0xb2: {  	_ =	task.clear_ibuf [dreg:s7], $0x6FFFF;
	_ =	strace $0x90000046  }
0xb3: {  	s29 =	simm.s32 $0x9;
	_ =	strace $0x80000048  }
0xb4: {  	_ =	swait.ge [sflag:s29], $0x1  }
0xb5: {  	[sflag:s29] =	ssyncadd.s32 $0xFFFFFFFF  }
0xb6: {  	_ =	strace $0x90000048  }
0xb7: {  	_ =	sfence  }
0xb8: {  	s30 =	sld [smem:$0x0];
	_ =	sdelay $0x2  }
0xb9: {  	s31 =	sshll.u32 s1, $0xD;
	s1 =	sshrl.u32 s1, $0x2  }
0xba: {  	s3 =	sand.u32 $0x4000, s31;
	s1 =	sadd.s32 s1, s30  }
0xbb: {  	s0 =	sor.u32 s3, s0;
	s1 =	sshll.u32 s1, $0x11  }
0xbc: {  	s0 =	sor.u32 s1, s0  }
0xbd: {  	s0 =	sadd.s32 $0x8F2B, s0  }
0xbe: {  	[sflag:s0] =	ssyncadd.remote.s32 $0x1  }
0xbf: {  	_ =	sfence.sel $0xFFFF  }
0xc0: {  	[dreg:$0x0] =	wrdreg $0xFFFFFFFF;
	(pc) =	sbr.abs _section_cstart, $3  }
0xc1: {  	[dreg:$0x1] =	wrdreg $0xFFFFFFFF  }
0xc2: {  	_ =	task.clear_ibuf [dreg:s7], $0x2FFFF;
	_ =	strace $0x9FFFFFFF  }
0xc3: {  	(tm) =	ssettm $0x7FFFFFFF  }
tec
execute0_lowered:
.L_overlay_start_1:
0x0: {  	(tag) =	ssettag $0x1  }
0x1: {  	s4 =	rddreg [dreg:$0x0]  }
0x2: {  	s8 =	rddreg [dreg:$0x1]  }
0x3: {  	s2 =	rddreg [dreg:$0x2];
	s3 =	srdreg.scid  }
0x4: {  	s1 =	stileid.u32;
	s0 =	rddreg [dreg:$0x3]  }
0x5: {  	s13 =	simm.s32 $0x2;
	s14 =	simm.s32 $0x3;
	s15 =	simm.s32 $0x50  }
0x6: {  	s17 =	simm.s32 $0x4;
	s18 =	simm.s32 $0x0;
	s5 =	sand.u32 $0x1, s3  }
0x7: {  	s6 =	sshll.u32 s1, $0x1;
	s3 =	simm.s32 $0x0;
	s7 =	smul.u32 $0x278, s1  }
0x8: {  	s16 =	sshll.u32 s1, $0x6;
	s6 =	sor.u32 s5, s6;
	s12 =	smul.u32 $0x27100, s5  }
0x9: {  	[smem:$0x7FF] =	sst s3;
	s10 =	ssub.s32 $0x2, s5;
	s6 =	smul.u32 $0x4E2, s6  }
0xa: {  	_ =	strace $0x80000047;
	s7 =	smin.u32 s7, $0x2498;
	s11 =	sshrl.u32 s10, $0x1  }
0xb: {  	s9 =	sshll.u32 s7, $0x1;
	s10 =	ssub.s32 s10, s11;
	s7 =	sshll.u32 s7, $0x4  }
0xc: {  	s6 =	sadd.s32 s6, s4;
	s9 =	sadd.s32 s9, s4;
	s4 =	sadd.s32 $0x16E00, s4  }
0xd: {  	s30 =	sadd.s32 s7, s2;
	s7 =	sadd.s32 s12, s7;
	s12 =	simm.s32 $0x1  }
0xe: {  	s5 =	sadd.s32 $0xD000, s6;
	s6 =	sadd.s32 $0x17000, s9;
	s31 =	sshrl.u32 s7, $0x3  }
0xf: {  	s7 =	sor.u32 $0x1C03, s16;
	s9 =	smax.u32 s10, $0x1;
	s10 =	simm.s32 $0x2710  }
0x10: {  	s11 =	sshrl.u32 s30, $0x3;
	s16 =	sor.u32 $0x1C04, s16;
	s8 =	sadd.s32 s8, s31  }
.LBB2_1:
0x11: {  	[tilespmem:s3], [sflag:$0x1] =	stream.linear.gather [hbm4b:s5+s3], $0x2710, $0x38;
	[tilespmem:$0x5320] =	vst v63  }
0x12: {  	_ = 	snop  }
0x13: {  	[tilespmem:s10], [sflag:$0x2] =	stream.linear.gather [hbm4b:s4+s3], $0x500, $0x38;
	[tilespmem:$0x5320] =	vst v63  }
0x14: {  	[spmem:s11], [sflag:s7] =	dma.local [hbm:s6], $0x4F0  }
0x15: {  	_ =	swait.ge [sflag:s12], $0x2710  }
0x16: {  	[sflag:s12] =	ssyncset.done $0x0  }
0x17: {  	[sflag:s12] =	ssyncadd.s32 $0xFFFFD8F0  }
0x18: {  	_ =	swait.ge [sflag:s13], $0x500  }
0x19: {  	[sflag:s13] =	ssyncset.done $0x0  }
0x1a: {  	[sflag:s13] =	ssyncadd.s32 $0xFFFFFB00  }
0x1b: {  	_ =	swait.ge [sflag:s14], $0x4F0  }
0x1c: {  	[sflag:s14] =	ssyncset.done $0x0  }
0x1d: {  	[sflag:s14] =	ssyncadd.s32 $0xFFFFFB10  }
0x1e: {  	s19 =	simm.s32 $0x0;
	[bflag:$0x0] =	sbarrier.arrive $0xFFFF  }
.LBB2_2:
0x1f: {  	p0 =	sne.s32 s19, $0x9B00  }
.Ltmp0:
0x20: {  	_ = 	snop;
	(pc) =	sbr.rel @p0 .LBB2_2-.Ltmp0, $3  }
0x21: {  	_ =	sdelay $0x1  }
0x22: {  	s20 =	sshra.s32 s19, $0x2;
	s19 =	sadd.s32 $0x140, s19  }
0x23: {  	[spmem:s2] =	stream.indirect.scatter.add.f32 [tilespmem:s10], [sflag:$0x1], $0x10, s20, s15, $0xb8;
	[tilespmem:$0x5320] =	vst v63  }
0x24: {  	_ =	swait.ge [sflag:s12], $0x500  }
0x25: {  	s19 =	simm.s32 $0x7C;
	[sflag:s12] =	ssyncset.done $0x0  }
.LBB2_4:
0x26: {  	p0 =	sne.s32 s19, $0x1;
	s19 =	sadd.s32 $0xFFFFFFFF, s19;
	[sflag:s12] =	ssyncadd.s32 $0xFFFFFB00  }
.Ltmp1:
0x27: {  	(pc) =	sbr.rel @p0 .LBB2_4-.Ltmp1, $3  }
0x28: {  	_ =	sdelay $0x1  }
0x29: {  	_ =	swait.ge [sflag:s12], $0x500  }
0x2a: {  	[sflag:s12] =	ssyncset.done $0x0  }
0x2b: {  	s18 =	sadd.s32 $0x1, s18  }
0x2c: {  	[sflag:s12] =	ssyncadd.s32 $0xFFFFFB00;
	p0 =	sne.s32 s18, s9  }
.Ltmp2:
0x2d: {  	[bflag:$0x0] =	sbarrier.arrive $0xFFFF;
	(pc) =	sbr.rel @p0 .LBB2_1-.Ltmp2, $4  }
0x2e: {  	[hbm:s8], [sflag:s16] =	dma.local [spmem:s11], $0x4F0  }
0x2f: {  	_ =	swait.ge [sflag:s17], $0x4F0  }
0x30: {  	[sflag:s17] =	ssyncset.done $0x0  }
0x31: {  	[sflag:s17] =	ssyncadd.s32 $0xFFFFFB10  }
0x32: {  	_ =	sfence.sel $0x180000  }
0x33: {  	[bflag:$0x0] =	sbarrier.arrive $0xFFFF  }
0x34: {  	p0 =	sne.s32 s1, $0x0;
	_ =	strace $0x90000047  }
0x35: {  	s0 =	sadd.s32 @!p0 $0x100000, s0;
	[bflag:$0x2] =	sbarrier.arrive $0xFFFF  }
0x36: {  	[sflag:s0] =	ssyncadd.tile.s32 @!p0 $0x1;
	_ =	shalt  }
.Lfunc_end2:
_tile_overlayer_lowered:
.L_overlay_start_2:
0x37: {  	(tag) =	ssettag $0x2  }
0x38: {  	s0 =	rddreg [dreg:$0x0];
	s2 =	stileid.u32  }
0x39: {  	s1 =	rddreg [dreg:$0x1];
	p0 =	sne.s32 s2, $0x0  }
0x3a: {  	s3 =	rddreg [dreg:$0x2];
	[bflag:$0x3] =	sbarrier.arrive $0xFFFF;
	s2 =	simm.s32 @!p0 $0x1C04  }
0x3b: {  	[timem:s3], [sflag:s2] =	dma.local @!p0 [hbm:s0], s1  }
0x3c: {  	s0 =	simm.s32 @!p0 $0x4  }
0x3d: {  	_ =	swait.ge @!p0 [sflag:s0], s1  }
0x3e: {  	s1 =	ssub.s32 @!p0 $0x0, s1;
	[sflag:s0] =	ssyncset.done @!p0 $0x0  }
0x3f: {  	[sflag:s0] =	ssyncadd.s32 @!p0 s1  }
0x40: {  	[bflag:$0x3] =	sbarrier.arrive $0xFFFF  }
0x41: {  	_ =	shalt  }

// kernel: kernel.13.cloned.1.call-start
scs
__scs_entry_jumppad:
0x0: {  	(pc) =	sbr.rel $0x88, $3  }
0x1: {  	(tag) =	ssettag $0x0;
	lr =	simm.s32 $0x1  }
0x2: {  	[smem:$0x3F95] =	sst lr;
	_ =	strace $0xD0000000  }
0x3: {  	_ = 	snop  }
0x4: {  	_ = 	snop  }
0x5: {  	_ = 	snop  }
0x6: {  	_ = 	snop  }
0x7: {  	_ = 	snop  }
__scs_overlays_trampoline_lowered:
0x8: {  	[smem:$0x3FA4] =	sst s0  }
0x9: {  	[smem:$0x3FA5] =	sst s1  }
0xa: {  	[smem:$0x3FA6] =	sst s2  }
0xb: {  	[smem:$0x3FA7] =	sst s3  }
0xc: {  	[smem:$0x3FA8] =	sst s4  }
0xd: {  	[smem:$0x3FA9] =	sst s5  }
0xe: {  	[smem:$0x3FAA] =	sst s6  }
0xf: {  	[smem:$0x3FAB] =	sst s7  }
0x10: {  	[smem:$0x3FAC] =	sst s8  }
0x11: {  	[smem:$0x3FAD] =	sst s9;
	s0 =	simm.s32 @!p0 $0x0  }
0x12: {  	s1 =	sld [smem:$0x3F93];
	s0 =	simm.s32 @p0 $0x1  }
0x13: {  	[smem:$0x3FAE] =	sst s0;
	s0 =	simm.s32 @!p1 $0x0  }
0x14: {  	s2 =	sld [smem:$0x3F92];
	s0 =	simm.s32 @p1 $0x1  }
0x15: {  	[smem:$0x3FAF] =	sst s0;
	s0 =	simm.s32 @!p2 $0x0  }
0x16: {  	s3 =	sld [smem:$0x3FDB];
	s0 =	simm.s32 @p2 $0x1  }
0x17: {  	s4 =	simm.s32 $0x1BF5;
	[smem:$0x3FB1] =	sst s0  }
0x18: {  	s0 =	sld [smem:$0x3F94];
	_ =	swait.ge [sflag:s4], $0x0  }
0x19: {  	s7 =	sld [smem:$0x3F95]  }
0x1a: {  	s8 =	sadd.s32 $0xFFFFE003, lr  }
0x1b: {  	s9 =	sadd.s32 $0xFFFFFEF7, lr;
	s5 =	simm.s32 $0xFFFFFFFF;
	p2 =	slt.u32 s8, $0xFFFFF086  }
0x1c: {  	p1 =	slt.u32 s9, $0xF7A;
	s5 =	simm.s32 @!p2 $0x0  }
0x1d: {  	s5 =	simm.s32 @p1 $0x1;
	p0 =	seq.s32 s7, s2  }
0x1e: {  	s7 =	smul.u32 @!p0 $0xF7A, s2;
	p2 =	seq.s32 @!p0 s5, $0x0  }
0x1f: {  	s9 =	smul.u32 $0xF7A, s1;
	s8 =	simm.s32 @!p0 $0x1BF5;
	p2 =	por !p2, p0  }
0x20: {  	[sflag:s8] =	ssyncset.s32 @!p0 $0xFFFFF086;
	s6 =	sadd.s32 @!p0 s3, s7;
	s7 =	simm.s32 @!p0 $0x108  }
0x21: {  	s3 =	sadd.s32 s3, s9;
	s6 =	sadd.s32 @!p0 $0x88, s6;
	s7 =	simm.s32 @p2 $0x1082  }
0x22: {  	[simem:s7], [sflag:s8] =	dma.local @!p0 [hbm:s6], $0xF7A  }
0x23: {  	s9 =	sor.u32 $0xD0000000, s2;
	s6 =	simm.s32 $0x108;
	_ =	swait.ge @!p0 [sflag:s8], $0x0  }
0x24: {  	s3 =	sadd.s32 $0x88, s3;
	s6 =	simm.s32 @!p1 $0x1082;
	[sflag:s4] =	ssyncset.s32 $0xFFFFF086  }
0x25: {  	[simem:s6], [sflag:s4] =	dma.local [hbm:s3], $0xF7A  }
0x26: {  	[smem:$0x3F95] =	sst s1;
	(tag) =	ssettag s2;
	_ =	strace s9  }
0x27: {  	s1 =	sld [smem:$0x3FA5]  }
0x28: {  	s2 =	sld [smem:$0x3FA6]  }
0x29: {  	s4 =	sld [smem:$0x3FA8]  }
0x2a: {  	p0 =	seq.s32 s5, $0x0;
	s5 =	sld [smem:$0x3FA9]  }
0x2b: {  	s6 =	sld [smem:$0x3FAA]  }
0x2c: {  	s7 =	sld [smem:$0x3FAB]  }
0x2d: {  	s3 =	simm.s32 $0x108;
	s8 =	sld [smem:$0x3FAC]  }
0x2e: {  	s3 =	simm.s32 @!p0 $0x1082;
	s9 =	sld [smem:$0x3FAD]  }
0x2f: {  	lr =	sadd.s32 s0, s3;
	s0 =	sld [smem:$0x3FA4]  }
0x30: {  	s3 =	sld [smem:$0x3FA7]  }
0x31: {  	[smem:$0x3FB0] =	sst s10  }
0x32: {  	s10 =	sld [smem:$0x3FAE];
	_ =	sdelay $0x3  }
0x33: {  	p0 =	seq.s32 s10, $0x1;
	s10 =	sld [smem:$0x3FB0];
	_ =	sdelay $0x3  }
0x34: {  	[smem:$0x3FB0] =	sst s10  }
0x35: {  	s10 =	sld [smem:$0x3FAF];
	_ =	sdelay $0x3  }
0x36: {  	p1 =	seq.s32 s10, $0x1;
	s10 =	sld [smem:$0x3FB0];
	_ =	sdelay $0x3  }
0x37: {  	[smem:$0x3FB0] =	sst s10  }
0x38: {  	s10 =	sld [smem:$0x3FB1]  }
0x39: {  	_ = 	snop;
	(pc) =	sbr.ind lr, $3  }
0x3a: {  	_ = 	snop  }
0x3b: {  	_ = 	snop  }
0x3c: {  	p2 =	seq.s32 s10, $0x1;
	s10 =	sld [smem:$0x3FB0]  }
0x3d: {  	_ =	shalt  }
0x3e: {  	_ =	shalt  }
0x3f: {  	_ =	shalt  }
0x40: {  	_ =	shalt  }
0x41: {  	_ =	shalt  }
0x42: {  	_ =	shalt  }
0x43: {  	_ =	shalt  }
0x44: {  	_ =	shalt  }
0x45: {  	_ =	shalt  }
0x46: {  	_ =	shalt  }
0x47: {  	_ =	shalt  }
0x48: {  	_ =	shalt  }
0x49: {  	_ =	shalt  }
0x4a: {  	_ =	shalt  }
0x4b: {  	_ =	shalt  }
0x4c: {  	_ =	shalt  }
0x4d: {  	_ =	shalt  }
0x4e: {  	_ =	shalt  }
0x4f: {  	_ =	shalt  }
0x50: {  	_ =	shalt  }
0x51: {  	_ =	shalt  }
0x52: {  	_ =	shalt  }
0x53: {  	_ =	shalt  }
0x54: {  	_ =	shalt  }
0x55: {  	_ =	shalt  }
0x56: {  	_ =	shalt  }
0x57: {  	_ =	shalt  }
0x58: {  	_ =	shalt  }
0x59: {  	_ =	shalt  }
0x5a: {  	_ =	shalt  }
0x5b: {  	_ =	shalt  }
0x5c: {  	_ =	shalt  }
0x5d: {  	_ =	shalt  }
0x5e: {  	_ =	shalt  }
0x5f: {  	_ =	shalt  }
0x60: {  	_ =	shalt  }
0x61: {  	_ =	shalt  }
0x62: {  	_ =	shalt  }
0x63: {  	_ =	shalt  }
0x64: {  	_ =	shalt  }
0x65: {  	_ =	shalt  }
0x66: {  	_ =	shalt  }
0x67: {  	_ =	shalt  }
0x68: {  	_ =	shalt  }
0x69: {  	_ =	shalt  }
0x6a: {  	_ =	shalt  }
0x6b: {  	_ =	shalt  }
0x6c: {  	_ =	shalt  }
0x6d: {  	_ =	shalt  }
0x6e: {  	_ =	shalt  }
0x6f: {  	_ =	shalt  }
0x70: {  	_ =	shalt  }
0x71: {  	_ =	shalt  }
0x72: {  	_ =	shalt  }
0x73: {  	_ =	shalt  }
0x74: {  	_ =	shalt  }
0x75: {  	_ =	shalt  }
0x76: {  	_ =	shalt  }
0x77: {  	_ =	shalt  }
0x78: {  	_ =	shalt  }
0x79: {  	_ =	shalt  }
0x7a: {  	_ =	shalt  }
0x7b: {  	_ =	shalt  }
0x7c: {  	_ =	shalt  }
0x7d: {  	_ =	shalt  }
0x7e: {  	_ =	shalt  }
0x7f: {  	_ =	shalt  }
0x80: {  	_ =	shalt  }
0x81: {  	_ =	shalt  }
0x82: {  	_ =	shalt  }
0x83: {  	_ =	shalt  }
0x84: {  	_ =	shalt  }
0x85: {  	_ =	shalt  }
0x86: {  	_ =	shalt  }
0x87: {  	_ =	shalt  }
.Lfunc_end0:
.L_simem_size_0:
called_computation.1_lowered:
.L_overlay_start_0:
0x88: {  	s2 =	sld [smem:$0x3FD9]  }
0x89: {  	s3 =	sld [smem:$0x3FFE];
	_ =	sdelay $0x1  }
0x8a: {  	s1 =	srdreg.scid  }
0x8b: {  	s0 =	sand.u32 $0x1, s1  }
0x8c: {  	s17 =	sshll.u32 s0, $0xA;
	s2 =	sadd.s32 s3, s2  }
0x8d: {  	s2 =	sadd.s32 s2, s17  }
0x8e: {  	[smem:$0x3FBC] =	sst s2  }
0x8f: {  	_ = 	snop  }
0x90: {  	s2 =	sld [smem:$0x3FD0];
	(tm) =	ssettm $0x1  }
0x91: {  	s18 =	sld [smem:$0x3FFB];
	_ =	sdelay $0x3  }
0x92: {  	_ =	strace s18  }
0x93: {  	s3 =	sld [smem:$0x3FFC];
	_ =	sdelay $0x3  }
0x94: {  	_ =	strace s3  }
0x95: {  	s3 =	sld [smem:$0x3FFD];
	_ =	sdelay $0x3  }
0x96: {  	_ =	strace s3  }
0x97: {  	_ =	strace $0x8FFFFFFF  }
0x98: {  	s19 =	sld [smem:$0x3FDB];
	_ =	sdelay $0x1  }
0x99: {  	s4 =	simm.s32 $_scs_section_size  }
0x9a: {  	s5 =	simm.s32 $_size__tile_overlayer_lowered;
	s6 =	simm.s32 $_tile_overlayer_lowered  }
0x9b: {  	s22 =	simm.s32 $0x1BFF;
	s21 =	sshll.u32 s6, $0x1;
	s3 =	sadd.s32 s4, s19  }
0x9c: {  	s7 =	simm.s32 $0x0;
	s20 =	sshll.u32 s5, $0x1;
	s5 =	sadd.s32 s21, s3  }
0x9d: {  	[timem:s7], [sflag:s22] =	dma.local [hbm:s5], s20  }
0x9e: {  	_ =	swait.ge [sflag:s22], s20  }
0x9f: {  	s4 =	ssub.s32 $0x0, s20;
	[sflag:s22] =	ssyncset.done $0x0  }
0xa0: {  	[sflag:s22] =	ssyncadd.s32 s4;
	_ =	sdelay $0x1  }
0xa1: {  	s23 =	simm.s32 $0x1B8B  }
0xa2: {  	_ =	swait.ge [sflag:s23], $0x1  }
0xa3: {  	[sflag:s23] =	ssyncset.done $0x0  }
0xa4: {  	s25 =	simm.s32 $0x1B8E;
	s24 =	sld [smem:$0x3FFE];
	[sflag:s23] =	ssyncadd.s32 $0xFFFFFFFF  }
0xa5: {  	s26 =	simm.s32 $execute0_lowered;
	[smem:$0x3FD2] =	sst s25  }
0xa6: {  	s5 =	sshll.u32 s26, $0x1;
	_ =	strace $0x80000049;
	[dreg:$0x1] =	wrdreg $0xFFFFFFFF  }
0xa7: {  	s28 =	simm.s32 $_size_execute0_lowered;
	s3 =	sadd.s32 s3, s5;
	[dreg:$0x0] =	wrdreg $0x0  }
0xa8: {  	s5 =	sshll.u32 s28, $0x1;
	[dreg:$0x2] =	wrdreg s3  }
0xa9: {  	[dreg:$0x3] =	wrdreg s5  }
0xaa: {  	[dreg:$0x4] =	wrdreg $0xC0  }
0xab: {  	_ =	task [dreg:s7], $0x5FFFF  }
0xac: {  	[dreg:$0x1] =	wrdreg $0xFFFFFFFF  }
0xad: {  	[dreg:$0x0] =	wrdreg $0x60  }
0xae: {  	[dreg:$0x2] =	wrdreg s2  }
0xaf: {  	[dreg:$0x3] =	wrdreg s24  }
0xb0: {  	[dreg:$0x4] =	wrdreg $0xC6200  }
0xb1: {  	[dreg:$0x5] =	wrdreg $0x9  }
0xb2: {  	_ =	task.clear_ibuf [dreg:s7], $0x6FFFF;
	_ =	strace $0x90000049  }
0xb3: {  	s29 =	simm.s32 $0x9;
	_ =	strace $0x8000004B  }
0xb4: {  	_ =	swait.ge [sflag:s29], $0x1  }
0xb5: {  	[sflag:s29] =	ssyncadd.s32 $0xFFFFFFFF  }
0xb6: {  	_ =	strace $0x9000004B  }
0xb7: {  	_ =	sfence  }
0xb8: {  	s30 =	sld [smem:$0x0];
	_ =	sdelay $0x2  }
0xb9: {  	s31 =	sshll.u32 s1, $0xD;
	s1 =	sshrl.u32 s1, $0x2  }
0xba: {  	s3 =	sand.u32 $0x4000, s31;
	s1 =	sadd.s32 s1, s30  }
0xbb: {  	s0 =	sor.u32 s3, s0;
	s1 =	sshll.u32 s1, $0x11  }
0xbc: {  	s0 =	sor.u32 s1, s0  }
0xbd: {  	s0 =	sadd.s32 $0x8F2B, s0  }
0xbe: {  	[sflag:s0] =	ssyncadd.remote.s32 $0x1  }
0xbf: {  	_ =	sfence.sel $0xFFFF  }
0xc0: {  	[dreg:$0x0] =	wrdreg $0xFFFFFFFF;
	(pc) =	sbr.abs _section_cstart, $3  }
0xc1: {  	[dreg:$0x1] =	wrdreg $0xFFFFFFFF  }
0xc2: {  	_ =	task.clear_ibuf [dreg:s7], $0x2FFFF;
	_ =	strace $0x9FFFFFFF  }
0xc3: {  	(tm) =	ssettm $0x7FFFFFFF  }
tec
execute0_lowered:
.L_overlay_start_1:
0x0: {  	(tag) =	ssettag $0x1  }
0x1: {  	s2 =	rddreg [dreg:$0x0]  }
0x2: {  	s0 =	rddreg [dreg:$0x1]  }
0x3: {  	s3 =	rddreg [dreg:$0x2]  }
0x4: {  	s13 =	stileid.u32;
	s1 =	srdreg.scid;
	s4 =	simm.s32 $0x0  }
0x5: {  	s14 =	simm.s32 $0x1;
	s15 =	simm.s32 $0x2;
	s16 =	simm.s32 $0x3  }
0x6: {  	s17 =	simm.s32 $0x50;
	s18 =	simm.s32 $0x4E20;
	s19 =	simm.s32 $0x7620  }
0x7: {  	s21 =	simm.s32 $0x9E20;
	s23 =	simm.s32 $0x4;
	s28 =	simm.s32 $0x2670  }
0x8: {  	s29 =	simm.s32 $0x4D80;
	s30 =	simm.s32 $0x26C0;
	s31 =	simm.s32 $0x4DD0  }
0x9: {  	s5 =	smul.u32 $0x278, s13;
	s1 =	sand.u32 $0x1, s1;
	s6 =	sshll.u32 s13, $0x1  }
0xa: {  	[smem:$0x7FF] =	sst s4;
	s9 =	sadd.s32 $0x16E00, s0;
	s12 =	smov.u32 s2  }
0xb: {  	s24 =	smul.u32 $0x138800, s1;
	s6 =	sor.u32 s1, s6;
	_ =	strace $0x8000004A  }
0xc: {  	s10 =	ssub.s32 $0x2, s1;
	p0 =	seq.s32 s1, $0x1;
	s1 =	simm.s32 $0x7  }
0xd: {  	s7 =	smin.u32 s5, $0x2498;
	s6 =	smul.u32 $0x4E2, s6;
	s25 =	sshrl.u32 s10, $0x1  }
0xe: {  	s12 =	smov.u32 @p0 s9;
	s8 =	sshll.u32 s7, $0x7;
	s10 =	ssub.s32 s10, s25  }
0xf: {  	s11 =	sshll.u32 s7, $0x4;
	s25 =	simm.s32 $0x6;
	s5 =	sadd.s32 s24, s8  }
0x10: {  	s6 =	sadd.s32 s6, s0;
	s26 =	sadd.s32 s8, s3;
	s8 =	sshll.u32 s13, $0x6  }
0x11: {  	s9 =	smax.u32 s10, $0x1;
	s10 =	sadd.s32 s12, s11;
	s12 =	simm.s32 $0x2710  }
0x12: {  	s24 =	simm.s32 $0x5;
	s5 =	sshrl.u32 s5, $0x3;
	s11 =	sor.u32 $0x1C03, s8  }
0x13: {  	s13 =	sshrl.u32 s26, $0x3;
	s0 =	sadd.s32 s5, s0;
	s5 =	sadd.s32 $0x3200, s6  }
0x14: {  	s6 =	sadd.s32 $0xD000, s6;
	s7 =	sadd.s32 $0x3E000, s0;
	s0 =	simm.s32 $0x0  }
.LBB2_1:
0x15: {  	[tilespmem:s4], [sflag:$0x1] =	stream.linear.gather [hbm4b:s5+s4], $0x2710, $0x38;
	[tilespmem:$0x1FEA0] =	vst v63  }
0x16: {  	_ = 	snop  }
0x17: {  	[tilespmem:s12], [sflag:$0x2] =	stream.linear.gather [hbm4b:s6+s4], $0x2710, $0x38;
	[tilespmem:$0x1FEA0] =	vst v63  }
0x18: {  	[spmem:s13], [sflag:s11] =	dma.local [hbm:s10], $0x2780  }
0x19: {  	_ =	swait.ge [sflag:s14], $0x2710  }
0x1a: {  	[sflag:s14] =	ssyncset.done $0x0  }
0x1b: {  	[sflag:s14] =	ssyncadd.s32 $0xFFFFD8F0  }
0x1c: {  	_ =	swait.ge [sflag:s15], $0x2710  }
0x1d: {  	[sflag:s15] =	ssyncset.done $0x0  }
0x1e: {  	[sflag:s15] =	ssyncadd.s32 $0xFFFFD8F0  }
0x1f: {  	_ =	swait.ge [sflag:s16], $0x2780  }
0x20: {  	[sflag:s16] =	ssyncset.done $0x0  }
0x21: {  	[sflag:s16] =	ssyncadd.s32 $0xFFFFD880  }
0x22: {  	[bflag:$0x0] =	sbarrier.arrive $0xFFFF  }
0x23: {  	[tilespmem:s18], [sflag:$0x1] =	stream.indirect.gather [hbm4b:s2+s17], $0x80, s4, s17, $0xb8;
	[tilespmem:$0x1FEA0] =	vst v63  }
0x24: {  	_ = 	snop  }
0x25: {  	[tilespmem:s19], [sflag:$0x2] =	stream.indirect.gather [hbm4b:s2+s17], $0x80, s17, s17, $0xb8;
	[tilespmem:$0x1FEA0] =	vst v63  }
0x26: {  	s20 =	simm.s32 $0xA0  }
0x27: {  	[tilespmem:s21], [sflag:$0x3] =	stream.indirect.gather [hbm4b:s2+s17], $0x80, s20, s17, $0xb8;
	[tilespmem:$0x1FEA0] =	vst v63  }
0x28: {  	_ =	swait.ge [sflag:s14], $0x2800  }
0x29: {  	[sflag:s14] =	ssyncset.done $0x0  }
0x2a: {  	[sflag:s14] =	ssyncadd.s32 $0xFFFFD800  }
0x2b: {  	[spmem:s3] =	stream.indirect.scatter.add.f32 [tilespmem:s18], [sflag:$0x4], $0x80, s12, s17, $0xb8;
	[tilespmem:$0x1FEA0] =	vst v63  }
0x2c: {  	_ =	swait.ge [sflag:s15], $0x2800  }
0x2d: {  	[sflag:s15] =	ssyncset.done $0x0  }
0x2e: {  	s22 =	simm.s32 $0x2760;
	[sflag:s15] =	ssyncadd.s32 $0xFFFFD800  }
0x2f: {  	[spmem:s3] =	stream.indirect.scatter.add.f32 [tilespmem:s19], [sflag:$0x5], $0x80, s22, s17, $0xb8;
	[tilespmem:$0x1FEA0] =	vst v63  }
0x30: {  	_ =	swait.ge [sflag:s16], $0x2800  }
0x31: {  	[sflag:s16] =	ssyncset.done $0x0  }
0x32: {  	s26 =	simm.s32 $0x27B0;
	[sflag:s16] =	ssyncadd.s32 $0xFFFFD800  }
0x33: {  	[spmem:s3] =	stream.indirect.scatter.add.f32 [tilespmem:s21], [sflag:$0x6], $0x80, s26, s17, $0xb8;
	[tilespmem:$0x1FEA0] =	vst v63  }
0x34: {  	_ =	swait.ge [sflag:s23], $0x2800  }
0x35: {  	[sflag:s23] =	ssyncset.done $0x0  }
0x36: {  	s22 =	simm.s32 $0xF0;
	[sflag:s23] =	ssyncadd.s32 $0xFFFFD800  }
0x37: {  	[tilespmem:s18], [sflag:$0x1] =	stream.indirect.gather [hbm4b:s2+s17], $0x80, s22, s17, $0xb8;
	[tilespmem:$0x1FEA0] =	vst v63  }
0x38: {  	_ =	swait.ge [sflag:s14], $0x2800  }
0x39: {  	[sflag:s14] =	ssyncset.done $0x0  }
0x3a: {  	s26 =	simm.s32 $0x2800;
	[sflag:s14] =	ssyncadd.s32 $0xFFFFD800  }
0x3b: {  	[spmem:s3] =	stream.indirect.scatter.add.f32 [tilespmem:s18], [sflag:$0x4], $0x80, s26, s17, $0xb8;
	[tilespmem:$0x1FEA0] =	vst v63  }
0x3c: {  	_ =	swait.ge [sflag:s24], $0x2800  }
0x3d: {  	[sflag:s24] =	ssyncset.done $0x0  }
0x3e: {  	s22 =	simm.s32 $0x140;
	[sflag:s24] =	ssyncadd.s32 $0xFFFFD800  }
0x3f: {  	[tilespmem:s19], [sflag:$0x2] =	stream.indirect.gather [hbm4b:s2+s17], $0x80, s22, s17, $0xb8;
	[tilespmem:$0x1FEA0] =	vst v63  }
0x40: {  	_ =	swait.ge [sflag:s15], $0x2800  }
0x41: {  	[sflag:s15] =	ssyncset.done $0x0  }
0x42: {  	s26 =	simm.s32 $0x2850;
	[sflag:s15] =	ssyncadd.s32 $0xFFFFD800  }
0x43: {  	[spmem:s3] =	stream.indirect.scatter.add.f32 [tilespmem:s19], [sflag:$0x5], $0x80, s26, s17, $0xb8;
	[tilespmem:$0x1FEA0] =	vst v63  }
0x44: {  	_ =	swait.ge [sflag:s25], $0x2800  }
0x45: {  	[sflag:s25] =	ssyncset.done $0x0  }
0x46: {  	s20 =	simm.s32 $0x3C0;
	s22 =	simm.s32 $0x190;
	[sflag:s25] =	ssyncadd.s32 $0xFFFFD800  }
.LBB2_2:
0x47: {  	[tilespmem:s21], [sflag:$0x3] =	stream.indirect.gather [hbm4b:s2+s17], $0x80, s22, s17, $0xb8;
	[tilespmem:$0x1FEA0] =	vst v63  }
0x48: {  	s22 =	smov.u32 s20  }
0x49: {  	p0 =	sne.s32 s20, $0x9240;
	s20 =	sadd.s32 $0x3C0, s20;
	_ =	swait.ge [sflag:s16], $0x2800  }
0x4a: {  	s22 =	sshra.s32 s22, $0x2;
	[sflag:s16] =	ssyncset.done $0x0  }
0x4b: {  	s26 =	sadd.s32 $0x27B0, s22;
	[sflag:s16] =	ssyncadd.s32 $0xFFFFD800  }
0x4c: {  	[spmem:s3] =	stream.indirect.scatter.add.f32 [tilespmem:s21], [sflag:$0x6], $0x80, s26, s17, $0xb8;
	[tilespmem:$0x1FEA0] =	vst v63  }
0x4d: {  	_ =	swait.ge [sflag:s23], $0x2800  }
0x4e: {  	[sflag:s23] =	ssyncset.done $0x0  }
0x4f: {  	s26 =	sadd.s32 $0xF0, s22;
	[sflag:s23] =	ssyncadd.s32 $0xFFFFD800  }
0x50: {  	[tilespmem:s18], [sflag:$0x1] =	stream.indirect.gather [hbm4b:s2+s17], $0x80, s26, s17, $0xb8;
	[tilespmem:$0x1FEA0] =	vst v63  }
0x51: {  	_ =	swait.ge [sflag:s14], $0x2800  }
0x52: {  	[sflag:s14] =	ssyncset.done $0x0  }
0x53: {  	s26 =	sadd.s32 $0x2800, s22;
	[sflag:s14] =	ssyncadd.s32 $0xFFFFD800  }
0x54: {  	[spmem:s3] =	stream.indirect.scatter.add.f32 [tilespmem:s18], [sflag:$0x4], $0x80, s26, s17, $0xb8;
	[tilespmem:$0x1FEA0] =	vst v63  }
0x55: {  	_ =	swait.ge [sflag:s24], $0x2800  }
0x56: {  	[sflag:s24] =	ssyncset.done $0x0  }
0x57: {  	s26 =	sadd.s32 $0x140, s22;
	[sflag:s24] =	ssyncadd.s32 $0xFFFFD800  }
0x58: {  	[tilespmem:s19], [sflag:$0x2] =	stream.indirect.gather [hbm4b:s2+s17], $0x80, s26, s17, $0xb8;
	[tilespmem:$0x1FEA0] =	vst v63  }
0x59: {  	_ =	swait.ge [sflag:s15], $0x2800  }
0x5a: {  	[sflag:s15] =	ssyncset.done $0x0  }
.Ltmp0:
0x5b: {  	s26 =	sadd.s32 $0x2850, s22;
	[sflag:s15] =	ssyncadd.s32 $0xFFFFD800;
	(pc) =	sbr.rel @p0 .LBB2_2-.Ltmp0, $4  }
0x5c: {  	[spmem:s3] =	stream.indirect.scatter.add.f32 [tilespmem:s19], [sflag:$0x5], $0x80, s26, s17, $0xb8;
	[tilespmem:$0x1FEA0] =	vst v63  }
0x5d: {  	_ =	swait.ge [sflag:s25], $0x2800  }
0x5e: {  	[sflag:s25] =	ssyncset.done $0x0  }
0x5f: {  	s22 =	sadd.s32 $0x190, s22;
	[sflag:s25] =	ssyncadd.s32 $0xFFFFD800  }
0x60: {  	[tilespmem:s21], [sflag:$0x3] =	stream.indirect.gather [hbm4b:s2+s17], $0x80, s22, s17, $0xb8;
	[tilespmem:$0x1FEA0] =	vst v63  }
0x61: {  	_ =	swait.ge [sflag:s16], $0x2800  }
0x62: {  	[sflag:s16] =	ssyncset.done $0x0  }
0x63: {  	s20 =	simm.s32 $0x4D30;
	[sflag:s16] =	ssyncadd.s32 $0xFFFFD800  }
0x64: {  	[spmem:s3] =	stream.indirect.scatter.add.f32 [tilespmem:s21], [sflag:$0x6], $0x80, s20, s17, $0xb8;
	[tilespmem:$0x1FEA0] =	vst v63  }
0x65: {  	_ =	swait.ge [sflag:s23], $0x2800  }
0x66: {  	[sflag:s23] =	ssyncset.done $0x0  }
0x67: {  	[sflag:s23] =	ssyncadd.s32 $0xFFFFD800  }
0x68: {  	[tilespmem:s18], [sflag:$0x1] =	stream.indirect.gather [hbm4b:s2+s17], $0x80, s28, s17, $0xb8;
	[tilespmem:$0x1FEA0] =	vst v63  }
0x69: {  	_ =	swait.ge [sflag:s14], $0x2800  }
0x6a: {  	[sflag:s14] =	ssyncset.done $0x0  }
0x6b: {  	[sflag:s14] =	ssyncadd.s32 $0xFFFFD800  }
0x6c: {  	[spmem:s3] =	stream.indirect.scatter.add.f32 [tilespmem:s18], [sflag:$0x4], $0x80, s29, s17, $0xb8;
	[tilespmem:$0x1FEA0] =	vst v63  }
0x6d: {  	_ =	swait.ge [sflag:s24], $0x2800  }
0x6e: {  	[sflag:s24] =	ssyncset.done $0x0  }
0x6f: {  	[sflag:s24] =	ssyncadd.s32 $0xFFFFD800  }
0x70: {  	[tilespmem:s19], [sflag:$0x2] =	stream.indirect.gather [hbm4b:s2+s17], $0x80, s30, s17, $0xb8;
	[tilespmem:$0x1FEA0] =	vst v63  }
0x71: {  	_ =	swait.ge [sflag:s15], $0x2800  }
0x72: {  	[sflag:s15] =	ssyncset.done $0x0  }
0x73: {  	[sflag:s15] =	ssyncadd.s32 $0xFFFFD800  }
0x74: {  	[spmem:s3] =	stream.indirect.scatter.add.f32 [tilespmem:s19], [sflag:$0x5], $0x80, s31, s17, $0xb8;
	[tilespmem:$0x1FEA0] =	vst v63  }
0x75: {  	_ =	swait.ge [sflag:s25], $0x2800  }
0x76: {  	[sflag:s25] =	ssyncset.done $0x0  }
0x77: {  	[sflag:s25] =	ssyncadd.s32 $0xFFFFD800  }
0x78: {  	[tilespmem:s21], [sflag:$0x3] =	stream.indirect.gather [hbm4b:s2+s17], $0x80, s30, s17, $0xb8;
	[tilespmem:$0x1FEA0] =	vst v63  }
0x79: {  	_ =	swait.ge [sflag:s16], $0x2800  }
0x7a: {  	[sflag:s16] =	ssyncset.done $0x0  }
0x7b: {  	[sflag:s16] =	ssyncadd.s32 $0xFFFFD800  }
0x7c: {  	_ =	swait.ge [sflag:s23], $0x2800  }
0x7d: {  	[sflag:s23] =	ssyncset.done $0x0  }
0x7e: {  	[sflag:s23] =	ssyncadd.s32 $0xFFFFD800  }
0x7f: {  	_ =	swait.ge [sflag:s24], $0x2800  }
0x80: {  	s0 =	sadd.s32 $0x1, s0;
	[sflag:s24] =	ssyncset.done $0x0  }
0x81: {  	p0 =	sne.s32 s0, s9;
	[sflag:s24] =	ssyncadd.s32 $0xFFFFD800  }
.Ltmp1:
0x82: {  	s26 =	sor.u32 $0x1C07, s8;
	[bflag:$0x0] =	sbarrier.arrive $0xFFFF;
	(pc) =	sbr.rel @p0 .LBB2_1-.Ltmp1, $4  }
0x83: {  	[hbm:s7], [sflag:s26] =	dma.local [spmem:s13], $0x2780  }
0x84: {  	_ =	swait.ge [sflag:s1], $0x2780  }
0x85: {  	[sflag:s1] =	ssyncset.done $0x0  }
0x86: {  	[sflag:s1] =	ssyncadd.s32 $0xFFFFD880  }
0x87: {  	_ =	sfence.sel $0x180000  }
0x88: {  	[bflag:$0x0] =	sbarrier.arrive $0xFFFF  }
0x89: {  	_ =	strace $0x9000004A  }
0x8a: {  	s0 =	stileid.u32;
	[bflag:$0x2] =	sbarrier.arrive $0xFFFF  }
0x8b: {  	p0 =	sne.s32 s0, $0x0;
	s0 =	rddreg [dreg:$0x3]  }
0x8c: {  	s0 =	sadd.s32 @!p0 $0x100000, s0  }
0x8d: {  	[sflag:s0] =	ssyncadd.tile.s32 @!p0 $0x1;
	_ =	shalt  }
.Lfunc_end2:
_tile_overlayer_lowered:
.L_overlay_start_2:
0x8e: {  	(tag) =	ssettag $0x2  }
0x8f: {  	s0 =	rddreg [dreg:$0x0];
	s2 =	stileid.u32  }
0x90: {  	s1 =	rddreg [dreg:$0x1];
	p0 =	sne.s32 s2, $0x0  }
0x91: {  	s3 =	rddreg [dreg:$0x2];
	[bflag:$0x3] =	sbarrier.arrive $0xFFFF;
	s2 =	simm.s32 @!p0 $0x1C07  }
0x92: {  	[timem:s3], [sflag:s2] =	dma.local @!p0 [hbm:s0], s1  }
0x93: {  	s0 =	simm.s32 @!p0 $0x7  }
0x94: {  	_ =	swait.ge @!p0 [sflag:s0], s1  }
0x95: {  	s1 =	ssub.s32 @!p0 $0x0, s1;
	[sflag:s0] =	ssyncset.done @!p0 $0x0  }
0x96: {  	[sflag:s0] =	ssyncadd.s32 @!p0 s1  }
0x97: {  	[bflag:$0x3] =	sbarrier.arrive $0xFFFF  }
0x98: {  	_ =	shalt  }

// kernel: kernel.16.cloned.1.call-start
scs
__scs_entry_jumppad:
0x0: {  	(pc) =	sbr.rel $0x88, $3  }
0x1: {  	(tag) =	ssettag $0x0;
	lr =	simm.s32 $0x1  }
0x2: {  	[smem:$0x3F95] =	sst lr;
	_ =	strace $0xD0000000  }
0x3: {  	_ = 	snop  }
0x4: {  	_ = 	snop  }
0x5: {  	_ = 	snop  }
0x6: {  	_ = 	snop  }
0x7: {  	_ = 	snop  }
__scs_overlays_trampoline_lowered:
0x8: {  	[smem:$0x3FA4] =	sst s0  }
0x9: {  	[smem:$0x3FA5] =	sst s1  }
0xa: {  	[smem:$0x3FA6] =	sst s2  }
0xb: {  	[smem:$0x3FA7] =	sst s3  }
0xc: {  	[smem:$0x3FA8] =	sst s4  }
0xd: {  	[smem:$0x3FA9] =	sst s5  }
0xe: {  	[smem:$0x3FAA] =	sst s6  }
0xf: {  	[smem:$0x3FAB] =	sst s7  }
0x10: {  	[smem:$0x3FAC] =	sst s8  }
0x11: {  	[smem:$0x3FAD] =	sst s9;
	s0 =	simm.s32 @!p0 $0x0  }
0x12: {  	s1 =	sld [smem:$0x3F93];
	s0 =	simm.s32 @p0 $0x1  }
0x13: {  	[smem:$0x3FAE] =	sst s0;
	s0 =	simm.s32 @!p1 $0x0  }
0x14: {  	s2 =	sld [smem:$0x3F92];
	s0 =	simm.s32 @p1 $0x1  }
0x15: {  	[smem:$0x3FAF] =	sst s0;
	s0 =	simm.s32 @!p2 $0x0  }
0x16: {  	s3 =	sld [smem:$0x3FDB];
	s0 =	simm.s32 @p2 $0x1  }
0x17: {  	s4 =	simm.s32 $0x1BF5;
	[smem:$0x3FB1] =	sst s0  }
0x18: {  	s0 =	sld [smem:$0x3F94];
	_ =	swait.ge [sflag:s4], $0x0  }
0x19: {  	s7 =	sld [smem:$0x3F95]  }
0x1a: {  	s8 =	sadd.s32 $0xFFFFE003, lr  }
0x1b: {  	s9 =	sadd.s32 $0xFFFFFEF7, lr;
	s5 =	simm.s32 $0xFFFFFFFF;
	p2 =	slt.u32 s8, $0xFFFFF086  }
0x1c: {  	p1 =	slt.u32 s9, $0xF7A;
	s5 =	simm.s32 @!p2 $0x0  }
0x1d: {  	s5 =	simm.s32 @p1 $0x1;
	p0 =	seq.s32 s7, s2  }
0x1e: {  	s7 =	smul.u32 @!p0 $0xF7A, s2;
	p2 =	seq.s32 @!p0 s5, $0x0  }
0x1f: {  	s9 =	smul.u32 $0xF7A, s1;
	s8 =	simm.s32 @!p0 $0x1BF5;
	p2 =	por !p2, p0  }
0x20: {  	[sflag:s8] =	ssyncset.s32 @!p0 $0xFFFFF086;
	s6 =	sadd.s32 @!p0 s3, s7;
	s7 =	simm.s32 @!p0 $0x108  }
0x21: {  	s3 =	sadd.s32 s3, s9;
	s6 =	sadd.s32 @!p0 $0x88, s6;
	s7 =	simm.s32 @p2 $0x1082  }
0x22: {  	[simem:s7], [sflag:s8] =	dma.local @!p0 [hbm:s6], $0xF7A  }
0x23: {  	s9 =	sor.u32 $0xD0000000, s2;
	s6 =	simm.s32 $0x108;
	_ =	swait.ge @!p0 [sflag:s8], $0x0  }
0x24: {  	s3 =	sadd.s32 $0x88, s3;
	s6 =	simm.s32 @!p1 $0x1082;
	[sflag:s4] =	ssyncset.s32 $0xFFFFF086  }
0x25: {  	[simem:s6], [sflag:s4] =	dma.local [hbm:s3], $0xF7A  }
0x26: {  	[smem:$0x3F95] =	sst s1;
	(tag) =	ssettag s2;
	_ =	strace s9  }
0x27: {  	s1 =	sld [smem:$0x3FA5]  }
0x28: {  	s2 =	sld [smem:$0x3FA6]  }
0x29: {  	s4 =	sld [smem:$0x3FA8]  }
0x2a: {  	p0 =	seq.s32 s5, $0x0;
	s5 =	sld [smem:$0x3FA9]  }
0x2b: {  	s6 =	sld [smem:$0x3FAA]  }
0x2c: {  	s7 =	sld [smem:$0x3FAB]  }
0x2d: {  	s3 =	simm.s32 $0x108;
	s8 =	sld [smem:$0x3FAC]  }
0x2e: {  	s3 =	simm.s32 @!p0 $0x1082;
	s9 =	sld [smem:$0x3FAD]  }
0x2f: {  	lr =	sadd.s32 s0, s3;
	s0 =	sld [smem:$0x3FA4]  }
0x30: {  	s3 =	sld [smem:$0x3FA7]  }
0x31: {  	[smem:$0x3FB0] =	sst s10  }
0x32: {  	s10 =	sld [smem:$0x3FAE];
	_ =	sdelay $0x3  }
0x33: {  	p0 =	seq.s32 s10, $0x1;
	s10 =	sld [smem:$0x3FB0];
	_ =	sdelay $0x3  }
0x34: {  	[smem:$0x3FB0] =	sst s10  }
0x35: {  	s10 =	sld [smem:$0x3FAF];
	_ =	sdelay $0x3  }
0x36: {  	p1 =	seq.s32 s10, $0x1;
	s10 =	sld [smem:$0x3FB0];
	_ =	sdelay $0x3  }
0x37: {  	[smem:$0x3FB0] =	sst s10  }
0x38: {  	s10 =	sld [smem:$0x3FB1]  }
0x39: {  	_ = 	snop;
	(pc) =	sbr.ind lr, $3  }
0x3a: {  	_ = 	snop  }
0x3b: {  	_ = 	snop  }
0x3c: {  	p2 =	seq.s32 s10, $0x1;
	s10 =	sld [smem:$0x3FB0]  }
0x3d: {  	_ =	shalt  }
0x3e: {  	_ =	shalt  }
0x3f: {  	_ =	shalt  }
0x40: {  	_ =	shalt  }
0x41: {  	_ =	shalt  }
0x42: {  	_ =	shalt  }
0x43: {  	_ =	shalt  }
0x44: {  	_ =	shalt  }
0x45: {  	_ =	shalt  }
0x46: {  	_ =	shalt  }
0x47: {  	_ =	shalt  }
0x48: {  	_ =	shalt  }
0x49: {  	_ =	shalt  }
0x4a: {  	_ =	shalt  }
0x4b: {  	_ =	shalt  }
0x4c: {  	_ =	shalt  }
0x4d: {  	_ =	shalt  }
0x4e: {  	_ =	shalt  }
0x4f: {  	_ =	shalt  }
0x50: {  	_ =	shalt  }
0x51: {  	_ =	shalt  }
0x52: {  	_ =	shalt  }
0x53: {  	_ =	shalt  }
0x54: {  	_ =	shalt  }
0x55: {  	_ =	shalt  }
0x56: {  	_ =	shalt  }
0x57: {  	_ =	shalt  }
0x58: {  	_ =	shalt  }
0x59: {  	_ =	shalt  }
0x5a: {  	_ =	shalt  }
0x5b: {  	_ =	shalt  }
0x5c: {  	_ =	shalt  }
0x5d: {  	_ =	shalt  }
0x5e: {  	_ =	shalt  }
0x5f: {  	_ =	shalt  }
0x60: {  	_ =	shalt  }
0x61: {  	_ =	shalt  }
0x62: {  	_ =	shalt  }
0x63: {  	_ =	shalt  }
0x64: {  	_ =	shalt  }
0x65: {  	_ =	shalt  }
0x66: {  	_ =	shalt  }
0x67: {  	_ =	shalt  }
0x68: {  	_ =	shalt  }
0x69: {  	_ =	shalt  }
0x6a: {  	_ =	shalt  }
0x6b: {  	_ =	shalt  }
0x6c: {  	_ =	shalt  }
0x6d: {  	_ =	shalt  }
0x6e: {  	_ =	shalt  }
0x6f: {  	_ =	shalt  }
0x70: {  	_ =	shalt  }
0x71: {  	_ =	shalt  }
0x72: {  	_ =	shalt  }
0x73: {  	_ =	shalt  }
0x74: {  	_ =	shalt  }
0x75: {  	_ =	shalt  }
0x76: {  	_ =	shalt  }
0x77: {  	_ =	shalt  }
0x78: {  	_ =	shalt  }
0x79: {  	_ =	shalt  }
0x7a: {  	_ =	shalt  }
0x7b: {  	_ =	shalt  }
0x7c: {  	_ =	shalt  }
0x7d: {  	_ =	shalt  }
0x7e: {  	_ =	shalt  }
0x7f: {  	_ =	shalt  }
0x80: {  	_ =	shalt  }
0x81: {  	_ =	shalt  }
0x82: {  	_ =	shalt  }
0x83: {  	_ =	shalt  }
0x84: {  	_ =	shalt  }
0x85: {  	_ =	shalt  }
0x86: {  	_ =	shalt  }
0x87: {  	_ =	shalt  }
.Lfunc_end0:
.L_simem_size_0:
called_computation.2_lowered:
.L_overlay_start_0:
0x88: {  	s2 =	sld [smem:$0x3FD9]  }
0x89: {  	s3 =	sld [smem:$0x3FFE];
	_ =	sdelay $0x1  }
0x8a: {  	s1 =	srdreg.scid  }
0x8b: {  	s0 =	sand.u32 $0x1, s1  }
0x8c: {  	s17 =	sshll.u32 s0, $0xA;
	s2 =	sadd.s32 s3, s2  }
0x8d: {  	s2 =	sadd.s32 s2, s17  }
0x8e: {  	[smem:$0x3FBC] =	sst s2  }
0x8f: {  	_ = 	snop  }
0x90: {  	s2 =	sld [smem:$0x3FD0];
	(tm) =	ssettm $0x1  }
0x91: {  	s18 =	sld [smem:$0x3FFB];
	_ =	sdelay $0x3  }
0x92: {  	_ =	strace s18  }
0x93: {  	s3 =	sld [smem:$0x3FFC];
	_ =	sdelay $0x3  }
0x94: {  	_ =	strace s3  }
0x95: {  	s3 =	sld [smem:$0x3FFD];
	_ =	sdelay $0x3  }
0x96: {  	_ =	strace s3  }
0x97: {  	_ =	strace $0x8FFFFFFF  }
0x98: {  	s19 =	sld [smem:$0x3FDB];
	_ =	sdelay $0x1  }
0x99: {  	s4 =	simm.s32 $_scs_section_size  }
0x9a: {  	s5 =	simm.s32 $_size__tile_overlayer_lowered;
	s6 =	simm.s32 $_tile_overlayer_lowered  }
0x9b: {  	s22 =	simm.s32 $0x1BFF;
	s21 =	sshll.u32 s6, $0x1;
	s3 =	sadd.s32 s4, s19  }
0x9c: {  	s7 =	simm.s32 $0x0;
	s20 =	sshll.u32 s5, $0x1;
	s5 =	sadd.s32 s21, s3  }
0x9d: {  	[timem:s7], [sflag:s22] =	dma.local [hbm:s5], s20  }
0x9e: {  	_ =	swait.ge [sflag:s22], s20  }
0x9f: {  	s4 =	ssub.s32 $0x0, s20;
	[sflag:s22] =	ssyncset.done $0x0  }
0xa0: {  	[sflag:s22] =	ssyncadd.s32 s4;
	_ =	sdelay $0x1  }
0xa1: {  	s23 =	simm.s32 $0x1B8B  }
0xa2: {  	_ =	swait.ge [sflag:s23], $0x1  }
0xa3: {  	[sflag:s23] =	ssyncset.done $0x0  }
0xa4: {  	s25 =	simm.s32 $0x1B8E;
	s24 =	sld [smem:$0x3FFE];
	[sflag:s23] =	ssyncadd.s32 $0xFFFFFFFF  }
0xa5: {  	s26 =	simm.s32 $execute0_lowered;
	[smem:$0x3FD2] =	sst s25  }
0xa6: {  	s5 =	sshll.u32 s26, $0x1;
	_ =	strace $0x8000004C;
	[dreg:$0x1] =	wrdreg $0xFFFFFFFF  }
0xa7: {  	s28 =	simm.s32 $_size_execute0_lowered;
	s3 =	sadd.s32 s3, s5;
	[dreg:$0x0] =	wrdreg $0x0  }
0xa8: {  	s5 =	sshll.u32 s28, $0x1;
	[dreg:$0x2] =	wrdreg s3  }
0xa9: {  	[dreg:$0x3] =	wrdreg s5  }
0xaa: {  	[dreg:$0x4] =	wrdreg $0xC0  }
0xab: {  	_ =	task [dreg:s7], $0x5FFFF  }
0xac: {  	[dreg:$0x1] =	wrdreg $0xFFFFFFFF  }
0xad: {  	[dreg:$0x0] =	wrdreg $0x60  }
0xae: {  	[dreg:$0x2] =	wrdreg s2  }
0xaf: {  	[dreg:$0x3] =	wrdreg s24  }
0xb0: {  	[dreg:$0x4] =	wrdreg $0xC6200  }
0xb1: {  	[dreg:$0x5] =	wrdreg $0x9  }
0xb2: {  	_ =	task.clear_ibuf [dreg:s7], $0x6FFFF;
	_ =	strace $0x9000004C  }
0xb3: {  	s29 =	simm.s32 $0x9;
	_ =	strace $0x8000004E  }
0xb4: {  	_ =	swait.ge [sflag:s29], $0x1  }
0xb5: {  	[sflag:s29] =	ssyncadd.s32 $0xFFFFFFFF  }
0xb6: {  	_ =	strace $0x9000004E  }
0xb7: {  	_ =	sfence  }
0xb8: {  	s30 =	sld [smem:$0x0];
	_ =	sdelay $0x2  }
0xb9: {  	s31 =	sshll.u32 s1, $0xD;
	s1 =	sshrl.u32 s1, $0x2  }
0xba: {  	s3 =	sand.u32 $0x4000, s31;
	s1 =	sadd.s32 s1, s30  }
0xbb: {  	s0 =	sor.u32 s3, s0;
	s1 =	sshll.u32 s1, $0x11  }
0xbc: {  	s0 =	sor.u32 s1, s0  }
0xbd: {  	s0 =	sadd.s32 $0x8F2B, s0  }
0xbe: {  	[sflag:s0] =	ssyncadd.remote.s32 $0x1  }
0xbf: {  	_ =	sfence.sel $0xFFFF  }
0xc0: {  	[dreg:$0x0] =	wrdreg $0xFFFFFFFF;
	(pc) =	sbr.abs _section_cstart, $3  }
0xc1: {  	[dreg:$0x1] =	wrdreg $0xFFFFFFFF  }
0xc2: {  	_ =	task.clear_ibuf [dreg:s7], $0x2FFFF;
	_ =	strace $0x9FFFFFFF  }
0xc3: {  	(tm) =	ssettm $0x7FFFFFFF  }
tec
execute0_lowered:
.L_overlay_start_1:
0x0: {  	(tag) =	ssettag $0x1  }
0x1: {  	s2 =	rddreg [dreg:$0x0]  }
0x2: {  	s0 =	rddreg [dreg:$0x1]  }
0x3: {  	s3 =	rddreg [dreg:$0x2]  }
0x4: {  	s13 =	stileid.u32;
	s1 =	srdreg.scid;
	s4 =	simm.s32 $0x0  }
0x5: {  	s14 =	simm.s32 $0x1;
	s15 =	simm.s32 $0x2;
	s16 =	simm.s32 $0x3  }
0x6: {  	s17 =	simm.s32 $0x50;
	s18 =	simm.s32 $0x4E20;
	s19 =	simm.s32 $0x7620  }
0x7: {  	s21 =	simm.s32 $0x9E20;
	s23 =	simm.s32 $0x4;
	s28 =	simm.s32 $0x2670  }
0x8: {  	s29 =	simm.s32 $0x4D80;
	s30 =	simm.s32 $0x26C0;
	s31 =	simm.s32 $0x4DD0  }
0x9: {  	s5 =	smul.u32 $0x278, s13;
	s1 =	sand.u32 $0x1, s1;
	s6 =	sshll.u32 s13, $0x1  }
0xa: {  	[smem:$0x7FF] =	sst s4;
	s9 =	sadd.s32 $0x16E00, s0;
	s12 =	smov.u32 s2  }
0xb: {  	s24 =	smul.u32 $0x138800, s1;
	s6 =	sor.u32 s1, s6;
	_ =	strace $0x8000004D  }
0xc: {  	s10 =	ssub.s32 $0x2, s1;
	p0 =	seq.s32 s1, $0x1;
	s1 =	simm.s32 $0x7  }
0xd: {  	s7 =	smin.u32 s5, $0x2498;
	s6 =	smul.u32 $0x4E2, s6;
	s25 =	sshrl.u32 s10, $0x1  }
0xe: {  	s12 =	smov.u32 @p0 s9;
	s8 =	sshll.u32 s7, $0x7;
	s10 =	ssub.s32 s10, s25  }
0xf: {  	s11 =	sshll.u32 s7, $0x4;
	s25 =	simm.s32 $0x6;
	s5 =	sadd.s32 s24, s8  }
0x10: {  	s6 =	sadd.s32 s6, s0;
	s26 =	sadd.s32 s8, s3;
	s8 =	sshll.u32 s13, $0x6  }
0x11: {  	s9 =	smax.u32 s10, $0x1;
	s10 =	sadd.s32 s12, s11;
	s12 =	simm.s32 $0x2710  }
0x12: {  	s24 =	simm.s32 $0x5;
	s5 =	sshrl.u32 s5, $0x3;
	s11 =	sor.u32 $0x1C03, s8  }
0x13: {  	s13 =	sshrl.u32 s26, $0x3;
	s0 =	sadd.s32 s5, s0;
	s5 =	sadd.s32 $0x3200, s6  }
0x14: {  	s6 =	sadd.s32 $0xD000, s6;
	s7 =	sadd.s32 $0x3E000, s0;
	s0 =	simm.s32 $0x0  }
.LBB2_1:
0x15: {  	[tilespmem:s4], [sflag:$0x1] =	stream.linear.gather [hbm4b:s5+s4], $0x2710, $0x38;
	[tilespmem:$0x1FEA0] =	vst v63  }
0x16: {  	_ = 	snop  }
0x17: {  	[tilespmem:s12], [sflag:$0x2] =	stream.linear.gather [hbm4b:s6+s4], $0x2710, $0x38;
	[tilespmem:$0x1FEA0] =	vst v63  }
0x18: {  	[spmem:s13], [sflag:s11] =	dma.local [hbm:s10], $0x2780  }
0x19: {  	_ =	swait.ge [sflag:s14], $0x2710  }
0x1a: {  	[sflag:s14] =	ssyncset.done $0x0  }
0x1b: {  	[sflag:s14] =	ssyncadd.s32 $0xFFFFD8F0  }
0x1c: {  	_ =	swait.ge [sflag:s15], $0x2710  }
0x1d: {  	[sflag:s15] =	ssyncset.done $0x0  }
0x1e: {  	[sflag:s15] =	ssyncadd.s32 $0xFFFFD8F0  }
0x1f: {  	_ =	swait.ge [sflag:s16], $0x2780  }
0x20: {  	[sflag:s16] =	ssyncset.done $0x0  }
0x21: {  	[sflag:s16] =	ssyncadd.s32 $0xFFFFD880  }
0x22: {  	[bflag:$0x0] =	sbarrier.arrive $0xFFFF  }
0x23: {  	[tilespmem:s18], [sflag:$0x1] =	stream.indirect.gather [hbm4b:s2+s17], $0x80, s4, s17, $0xb8;
	[tilespmem:$0x1FEA0] =	vst v63  }
0x24: {  	_ = 	snop  }
0x25: {  	[tilespmem:s19], [sflag:$0x2] =	stream.indirect.gather [hbm4b:s2+s17], $0x80, s17, s17, $0xb8;
	[tilespmem:$0x1FEA0] =	vst v63  }
0x26: {  	s20 =	simm.s32 $0xA0  }
0x27: {  	[tilespmem:s21], [sflag:$0x3] =	stream.indirect.gather [hbm4b:s2+s17], $0x80, s20, s17, $0xb8;
	[tilespmem:$0x1FEA0] =	vst v63  }
0x28: {  	_ =	swait.ge [sflag:s14], $0x2800  }
0x29: {  	[sflag:s14] =	ssyncset.done $0x0  }
0x2a: {  	[sflag:s14] =	ssyncadd.s32 $0xFFFFD800  }
0x2b: {  	[spmem:s3] =	stream.indirect.scatter.add.f32 [tilespmem:s18], [sflag:$0x4], $0x80, s12, s17, $0xb8;
	[tilespmem:$0x1FEA0] =	vst v63  }
0x2c: {  	_ =	swait.ge [sflag:s15], $0x2800  }
0x2d: {  	[sflag:s15] =	ssyncset.done $0x0  }
0x2e: {  	s22 =	simm.s32 $0x2760;
	[sflag:s15] =	ssyncadd.s32 $0xFFFFD800  }
0x2f: {  	[spmem:s3] =	stream.indirect.scatter.add.f32 [tilespmem:s19], [sflag:$0x5], $0x80, s22, s17, $0xb8;
	[tilespmem:$0x1FEA0] =	vst v63  }
0x30: {  	_ =	swait.ge [sflag:s16], $0x2800  }
0x31: {  	[sflag:s16] =	ssyncset.done $0x0  }
0x32: {  	s26 =	simm.s32 $0x27B0;
	[sflag:s16] =	ssyncadd.s32 $0xFFFFD800  }
0x33: {  	[spmem:s3] =	stream.indirect.scatter.add.f32 [tilespmem:s21], [sflag:$0x6], $0x80, s26, s17, $0xb8;
	[tilespmem:$0x1FEA0] =	vst v63  }
0x34: {  	_ =	swait.ge [sflag:s23], $0x2800  }
0x35: {  	[sflag:s23] =	ssyncset.done $0x0  }
0x36: {  	s22 =	simm.s32 $0xF0;
	[sflag:s23] =	ssyncadd.s32 $0xFFFFD800  }
0x37: {  	[tilespmem:s18], [sflag:$0x1] =	stream.indirect.gather [hbm4b:s2+s17], $0x80, s22, s17, $0xb8;
	[tilespmem:$0x1FEA0] =	vst v63  }
0x38: {  	_ =	swait.ge [sflag:s14], $0x2800  }
0x39: {  	[sflag:s14] =	ssyncset.done $0x0  }
0x3a: {  	s26 =	simm.s32 $0x2800;
	[sflag:s14] =	ssyncadd.s32 $0xFFFFD800  }
0x3b: {  	[spmem:s3] =	stream.indirect.scatter.add.f32 [tilespmem:s18], [sflag:$0x4], $0x80, s26, s17, $0xb8;
	[tilespmem:$0x1FEA0] =	vst v63  }
0x3c: {  	_ =	swait.ge [sflag:s24], $0x2800  }
0x3d: {  	[sflag:s24] =	ssyncset.done $0x0  }
0x3e: {  	s22 =	simm.s32 $0x140;
	[sflag:s24] =	ssyncadd.s32 $0xFFFFD800  }
0x3f: {  	[tilespmem:s19], [sflag:$0x2] =	stream.indirect.gather [hbm4b:s2+s17], $0x80, s22, s17, $0xb8;
	[tilespmem:$0x1FEA0] =	vst v63  }
0x40: {  	_ =	swait.ge [sflag:s15], $0x2800  }
0x41: {  	[sflag:s15] =	ssyncset.done $0x0  }
0x42: {  	s26 =	simm.s32 $0x2850;
	[sflag:s15] =	ssyncadd.s32 $0xFFFFD800  }
0x43: {  	[spmem:s3] =	stream.indirect.scatter.add.f32 [tilespmem:s19], [sflag:$0x5], $0x80, s26, s17, $0xb8;
	[tilespmem:$0x1FEA0] =	vst v63  }
0x44: {  	_ =	swait.ge [sflag:s25], $0x2800  }
0x45: {  	[sflag:s25] =	ssyncset.done $0x0  }
0x46: {  	s20 =	simm.s32 $0x3C0;
	s22 =	simm.s32 $0x190;
	[sflag:s25] =	ssyncadd.s32 $0xFFFFD800  }
.LBB2_2:
0x47: {  	[tilespmem:s21], [sflag:$0x3] =	stream.indirect.gather [hbm4b:s2+s17], $0x80, s22, s17, $0xb8;
	[tilespmem:$0x1FEA0] =	vst v63  }
0x48: {  	s22 =	smov.u32 s20  }
0x49: {  	p0 =	sne.s32 s20, $0x9240;
	s20 =	sadd.s32 $0x3C0, s20;
	_ =	swait.ge [sflag:s16], $0x2800  }
0x4a: {  	s22 =	sshra.s32 s22, $0x2;
	[sflag:s16] =	ssyncset.done $0x0  }
0x4b: {  	s26 =	sadd.s32 $0x27B0, s22;
	[sflag:s16] =	ssyncadd.s32 $0xFFFFD800  }
0x4c: {  	[spmem:s3] =	stream.indirect.scatter.add.f32 [tilespmem:s21], [sflag:$0x6], $0x80, s26, s17, $0xb8;
	[tilespmem:$0x1FEA0] =	vst v63  }
0x4d: {  	_ =	swait.ge [sflag:s23], $0x2800  }
0x4e: {  	[sflag:s23] =	ssyncset.done $0x0  }
0x4f: {  	s26 =	sadd.s32 $0xF0, s22;
	[sflag:s23] =	ssyncadd.s32 $0xFFFFD800  }
0x50: {  	[tilespmem:s18], [sflag:$0x1] =	stream.indirect.gather [hbm4b:s2+s17], $0x80, s26, s17, $0xb8;
	[tilespmem:$0x1FEA0] =	vst v63  }
0x51: {  	_ =	swait.ge [sflag:s14], $0x2800  }
0x52: {  	[sflag:s14] =	ssyncset.done $0x0  }
0x53: {  	s26 =	sadd.s32 $0x2800, s22;
	[sflag:s14] =	ssyncadd.s32 $0xFFFFD800  }
0x54: {  	[spmem:s3] =	stream.indirect.scatter.add.f32 [tilespmem:s18], [sflag:$0x4], $0x80, s26, s17, $0xb8;
	[tilespmem:$0x1FEA0] =	vst v63  }
0x55: {  	_ =	swait.ge [sflag:s24], $0x2800  }
0x56: {  	[sflag:s24] =	ssyncset.done $0x0  }
0x57: {  	s26 =	sadd.s32 $0x140, s22;
	[sflag:s24] =	ssyncadd.s32 $0xFFFFD800  }
0x58: {  	[tilespmem:s19], [sflag:$0x2] =	stream.indirect.gather [hbm4b:s2+s17], $0x80, s26, s17, $0xb8;
	[tilespmem:$0x1FEA0] =	vst v63  }
0x59: {  	_ =	swait.ge [sflag:s15], $0x2800  }
0x5a: {  	[sflag:s15] =	ssyncset.done $0x0  }
.Ltmp0:
0x5b: {  	s26 =	sadd.s32 $0x2850, s22;
	[sflag:s15] =	ssyncadd.s32 $0xFFFFD800;
	(pc) =	sbr.rel @p0 .LBB2_2-.Ltmp0, $4  }
0x5c: {  	[spmem:s3] =	stream.indirect.scatter.add.f32 [tilespmem:s19], [sflag:$0x5], $0x80, s26, s17, $0xb8;
	[tilespmem:$0x1FEA0] =	vst v63  }
0x5d: {  	_ =	swait.ge [sflag:s25], $0x2800  }
0x5e: {  	[sflag:s25] =	ssyncset.done $0x0  }
0x5f: {  	s22 =	sadd.s32 $0x190, s22;
	[sflag:s25] =	ssyncadd.s32 $0xFFFFD800  }
0x60: {  	[tilespmem:s21], [sflag:$0x3] =	stream.indirect.gather [hbm4b:s2+s17], $0x80, s22, s17, $0xb8;
	[tilespmem:$0x1FEA0] =	vst v63  }
0x61: {  	_ =	swait.ge [sflag:s16], $0x2800  }
0x62: {  	[sflag:s16] =	ssyncset.done $0x0  }
0x63: {  	s20 =	simm.s32 $0x4D30;
	[sflag:s16] =	ssyncadd.s32 $0xFFFFD800  }
0x64: {  	[spmem:s3] =	stream.indirect.scatter.add.f32 [tilespmem:s21], [sflag:$0x6], $0x80, s20, s17, $0xb8;
	[tilespmem:$0x1FEA0] =	vst v63  }
0x65: {  	_ =	swait.ge [sflag:s23], $0x2800  }
0x66: {  	[sflag:s23] =	ssyncset.done $0x0  }
0x67: {  	[sflag:s23] =	ssyncadd.s32 $0xFFFFD800  }
0x68: {  	[tilespmem:s18], [sflag:$0x1] =	stream.indirect.gather [hbm4b:s2+s17], $0x80, s28, s17, $0xb8;
	[tilespmem:$0x1FEA0] =	vst v63  }
0x69: {  	_ =	swait.ge [sflag:s14], $0x2800  }
0x6a: {  	[sflag:s14] =	ssyncset.done $0x0  }
0x6b: {  	[sflag:s14] =	ssyncadd.s32 $0xFFFFD800  }
0x6c: {  	[spmem:s3] =	stream.indirect.scatter.add.f32 [tilespmem:s18], [sflag:$0x4], $0x80, s29, s17, $0xb8;
	[tilespmem:$0x1FEA0] =	vst v63  }
0x6d: {  	_ =	swait.ge [sflag:s24], $0x2800  }
0x6e: {  	[sflag:s24] =	ssyncset.done $0x0  }
0x6f: {  	[sflag:s24] =	ssyncadd.s32 $0xFFFFD800  }
0x70: {  	[tilespmem:s19], [sflag:$0x2] =	stream.indirect.gather [hbm4b:s2+s17], $0x80, s30, s17, $0xb8;
	[tilespmem:$0x1FEA0] =	vst v63  }
0x71: {  	_ =	swait.ge [sflag:s15], $0x2800  }
0x72: {  	[sflag:s15] =	ssyncset.done $0x0  }
0x73: {  	[sflag:s15] =	ssyncadd.s32 $0xFFFFD800  }
0x74: {  	[spmem:s3] =	stream.indirect.scatter.add.f32 [tilespmem:s19], [sflag:$0x5], $0x80, s31, s17, $0xb8;
	[tilespmem:$0x1FEA0] =	vst v63  }
0x75: {  	_ =	swait.ge [sflag:s25], $0x2800  }
0x76: {  	[sflag:s25] =	ssyncset.done $0x0  }
0x77: {  	[sflag:s25] =	ssyncadd.s32 $0xFFFFD800  }
0x78: {  	[tilespmem:s21], [sflag:$0x3] =	stream.indirect.gather [hbm4b:s2+s17], $0x80, s30, s17, $0xb8;
	[tilespmem:$0x1FEA0] =	vst v63  }
0x79: {  	_ =	swait.ge [sflag:s16], $0x2800  }
0x7a: {  	[sflag:s16] =	ssyncset.done $0x0  }
0x7b: {  	[sflag:s16] =	ssyncadd.s32 $0xFFFFD800  }
0x7c: {  	_ =	swait.ge [sflag:s23], $0x2800  }
0x7d: {  	[sflag:s23] =	ssyncset.done $0x0  }
0x7e: {  	[sflag:s23] =	ssyncadd.s32 $0xFFFFD800  }
0x7f: {  	_ =	swait.ge [sflag:s24], $0x2800  }
0x80: {  	s0 =	sadd.s32 $0x1, s0;
	[sflag:s24] =	ssyncset.done $0x0  }
0x81: {  	p0 =	sne.s32 s0, s9;
	[sflag:s24] =	ssyncadd.s32 $0xFFFFD800  }
.Ltmp1:
0x82: {  	s26 =	sor.u32 $0x1C07, s8;
	[bflag:$0x0] =	sbarrier.arrive $0xFFFF;
	(pc) =	sbr.rel @p0 .LBB2_1-.Ltmp1, $4  }
0x83: {  	[hbm:s7], [sflag:s26] =	dma.local [spmem:s13], $0x2780  }
0x84: {  	_ =	swait.ge [sflag:s1], $0x2780  }
0x85: {  	[sflag:s1] =	ssyncset.done $0x0  }
0x86: {  	[sflag:s1] =	ssyncadd.s32 $0xFFFFD880  }
0x87: {  	_ =	sfence.sel $0x180000  }
0x88: {  	[bflag:$0x0] =	sbarrier.arrive $0xFFFF  }
0x89: {  	_ =	strace $0x9000004D  }
0x8a: {  	s0 =	stileid.u32;
	[bflag:$0x2] =	sbarrier.arrive $0xFFFF  }
0x8b: {  	p0 =	sne.s32 s0, $0x0;
	s0 =	rddreg [dreg:$0x3]  }
0x8c: {  	s0 =	sadd.s32 @!p0 $0x100000, s0  }
0x8d: {  	[sflag:s0] =	ssyncadd.tile.s32 @!p0 $0x1;
	_ =	shalt  }
.Lfunc_end2:
_tile_overlayer_lowered:
.L_overlay_start_2:
0x8e: {  	(tag) =	ssettag $0x2  }
0x8f: {  	s0 =	rddreg [dreg:$0x0];
	s2 =	stileid.u32  }
0x90: {  	s1 =	rddreg [dreg:$0x1];
	p0 =	sne.s32 s2, $0x0  }
0x91: {  	s3 =	rddreg [dreg:$0x2];
	[bflag:$0x3] =	sbarrier.arrive $0xFFFF;
	s2 =	simm.s32 @!p0 $0x1C07  }
0x92: {  	[timem:s3], [sflag:s2] =	dma.local @!p0 [hbm:s0], s1  }
0x93: {  	s0 =	simm.s32 @!p0 $0x7  }
0x94: {  	_ =	swait.ge @!p0 [sflag:s0], s1  }
0x95: {  	s1 =	ssub.s32 @!p0 $0x0, s1;
	[sflag:s0] =	ssyncset.done @!p0 $0x0  }
0x96: {  	[sflag:s0] =	ssyncadd.s32 @!p0 s1  }
0x97: {  	[bflag:$0x3] =	sbarrier.arrive $0xFFFF  }
0x98: {  	_ =	shalt  }

// kernel: kernel.19.cloned.1.call-start
scs
__scs_entry_jumppad:
0x0: {  	(pc) =	sbr.rel $0x88, $3  }
0x1: {  	(tag) =	ssettag $0x0;
	lr =	simm.s32 $0x1  }
0x2: {  	[smem:$0x3F95] =	sst lr;
	_ =	strace $0xD0000000  }
0x3: {  	_ = 	snop  }
0x4: {  	_ = 	snop  }
0x5: {  	_ = 	snop  }
0x6: {  	_ = 	snop  }
0x7: {  	_ = 	snop  }
__scs_overlays_trampoline_lowered:
0x8: {  	[smem:$0x3FA4] =	sst s0  }
0x9: {  	[smem:$0x3FA5] =	sst s1  }
0xa: {  	[smem:$0x3FA6] =	sst s2  }
0xb: {  	[smem:$0x3FA7] =	sst s3  }
0xc: {  	[smem:$0x3FA8] =	sst s4  }
0xd: {  	[smem:$0x3FA9] =	sst s5  }
0xe: {  	[smem:$0x3FAA] =	sst s6  }
0xf: {  	[smem:$0x3FAB] =	sst s7  }
0x10: {  	[smem:$0x3FAC] =	sst s8  }
0x11: {  	[smem:$0x3FAD] =	sst s9;
	s0 =	simm.s32 @!p0 $0x0  }
0x12: {  	s1 =	sld [smem:$0x3F93];
	s0 =	simm.s32 @p0 $0x1  }
0x13: {  	[smem:$0x3FAE] =	sst s0;
	s0 =	simm.s32 @!p1 $0x0  }
0x14: {  	s2 =	sld [smem:$0x3F92];
	s0 =	simm.s32 @p1 $0x1  }
0x15: {  	[smem:$0x3FAF] =	sst s0;
	s0 =	simm.s32 @!p2 $0x0  }
0x16: {  	s3 =	sld [smem:$0x3FDB];
	s0 =	simm.s32 @p2 $0x1  }
0x17: {  	s4 =	simm.s32 $0x1BF5;
	[smem:$0x3FB1] =	sst s0  }
0x18: {  	s0 =	sld [smem:$0x3F94];
	_ =	swait.ge [sflag:s4], $0x0  }
0x19: {  	s7 =	sld [smem:$0x3F95]  }
0x1a: {  	s8 =	sadd.s32 $0xFFFFE003, lr  }
0x1b: {  	s9 =	sadd.s32 $0xFFFFFEF7, lr;
	s5 =	simm.s32 $0xFFFFFFFF;
	p2 =	slt.u32 s8, $0xFFFFF086  }
0x1c: {  	p1 =	slt.u32 s9, $0xF7A;
	s5 =	simm.s32 @!p2 $0x0  }
0x1d: {  	s5 =	simm.s32 @p1 $0x1;
	p0 =	seq.s32 s7, s2  }
0x1e: {  	s7 =	smul.u32 @!p0 $0xF7A, s2;
	p2 =	seq.s32 @!p0 s5, $0x0  }
0x1f: {  	s9 =	smul.u32 $0xF7A, s1;
	s8 =	simm.s32 @!p0 $0x1BF5;
	p2 =	por !p2, p0  }
0x20: {  	[sflag:s8] =	ssyncset.s32 @!p0 $0xFFFFF086;
	s6 =	sadd.s32 @!p0 s3, s7;
	s7 =	simm.s32 @!p0 $0x108  }
0x21: {  	s3 =	sadd.s32 s3, s9;
	s6 =	sadd.s32 @!p0 $0x88, s6;
	s7 =	simm.s32 @p2 $0x1082  }
0x22: {  	[simem:s7], [sflag:s8] =	dma.local @!p0 [hbm:s6], $0xF7A  }
0x23: {  	s9 =	sor.u32 $0xD0000000, s2;
	s6 =	simm.s32 $0x108;
	_ =	swait.ge @!p0 [sflag:s8], $0x0  }
0x24: {  	s3 =	sadd.s32 $0x88, s3;
	s6 =	simm.s32 @!p1 $0x1082;
	[sflag:s4] =	ssyncset.s32 $0xFFFFF086  }
0x25: {  	[simem:s6], [sflag:s4] =	dma.local [hbm:s3], $0xF7A  }
0x26: {  	[smem:$0x3F95] =	sst s1;
	(tag) =	ssettag s2;
	_ =	strace s9  }
0x27: {  	s1 =	sld [smem:$0x3FA5]  }
0x28: {  	s2 =	sld [smem:$0x3FA6]  }
0x29: {  	s4 =	sld [smem:$0x3FA8]  }
0x2a: {  	p0 =	seq.s32 s5, $0x0;
	s5 =	sld [smem:$0x3FA9]  }
0x2b: {  	s6 =	sld [smem:$0x3FAA]  }
0x2c: {  	s7 =	sld [smem:$0x3FAB]  }
0x2d: {  	s3 =	simm.s32 $0x108;
	s8 =	sld [smem:$0x3FAC]  }
0x2e: {  	s3 =	simm.s32 @!p0 $0x1082;
	s9 =	sld [smem:$0x3FAD]  }
0x2f: {  	lr =	sadd.s32 s0, s3;
	s0 =	sld [smem:$0x3FA4]  }
0x30: {  	s3 =	sld [smem:$0x3FA7]  }
0x31: {  	[smem:$0x3FB0] =	sst s10  }
0x32: {  	s10 =	sld [smem:$0x3FAE];
	_ =	sdelay $0x3  }
0x33: {  	p0 =	seq.s32 s10, $0x1;
	s10 =	sld [smem:$0x3FB0];
	_ =	sdelay $0x3  }
0x34: {  	[smem:$0x3FB0] =	sst s10  }
0x35: {  	s10 =	sld [smem:$0x3FAF];
	_ =	sdelay $0x3  }
0x36: {  	p1 =	seq.s32 s10, $0x1;
	s10 =	sld [smem:$0x3FB0];
	_ =	sdelay $0x3  }
0x37: {  	[smem:$0x3FB0] =	sst s10  }
0x38: {  	s10 =	sld [smem:$0x3FB1]  }
0x39: {  	_ = 	snop;
	(pc) =	sbr.ind lr, $3  }
0x3a: {  	_ = 	snop  }
0x3b: {  	_ = 	snop  }
0x3c: {  	p2 =	seq.s32 s10, $0x1;
	s10 =	sld [smem:$0x3FB0]  }
0x3d: {  	_ =	shalt  }
0x3e: {  	_ =	shalt  }
0x3f: {  	_ =	shalt  }
0x40: {  	_ =	shalt  }
0x41: {  	_ =	shalt  }
0x42: {  	_ =	shalt  }
0x43: {  	_ =	shalt  }
0x44: {  	_ =	shalt  }
0x45: {  	_ =	shalt  }
0x46: {  	_ =	shalt  }
0x47: {  	_ =	shalt  }
0x48: {  	_ =	shalt  }
0x49: {  	_ =	shalt  }
0x4a: {  	_ =	shalt  }
0x4b: {  	_ =	shalt  }
0x4c: {  	_ =	shalt  }
0x4d: {  	_ =	shalt  }
0x4e: {  	_ =	shalt  }
0x4f: {  	_ =	shalt  }
0x50: {  	_ =	shalt  }
0x51: {  	_ =	shalt  }
0x52: {  	_ =	shalt  }
0x53: {  	_ =	shalt  }
0x54: {  	_ =	shalt  }
0x55: {  	_ =	shalt  }
0x56: {  	_ =	shalt  }
0x57: {  	_ =	shalt  }
0x58: {  	_ =	shalt  }
0x59: {  	_ =	shalt  }
0x5a: {  	_ =	shalt  }
0x5b: {  	_ =	shalt  }
0x5c: {  	_ =	shalt  }
0x5d: {  	_ =	shalt  }
0x5e: {  	_ =	shalt  }
0x5f: {  	_ =	shalt  }
0x60: {  	_ =	shalt  }
0x61: {  	_ =	shalt  }
0x62: {  	_ =	shalt  }
0x63: {  	_ =	shalt  }
0x64: {  	_ =	shalt  }
0x65: {  	_ =	shalt  }
0x66: {  	_ =	shalt  }
0x67: {  	_ =	shalt  }
0x68: {  	_ =	shalt  }
0x69: {  	_ =	shalt  }
0x6a: {  	_ =	shalt  }
0x6b: {  	_ =	shalt  }
0x6c: {  	_ =	shalt  }
0x6d: {  	_ =	shalt  }
0x6e: {  	_ =	shalt  }
0x6f: {  	_ =	shalt  }
0x70: {  	_ =	shalt  }
0x71: {  	_ =	shalt  }
0x72: {  	_ =	shalt  }
0x73: {  	_ =	shalt  }
0x74: {  	_ =	shalt  }
0x75: {  	_ =	shalt  }
0x76: {  	_ =	shalt  }
0x77: {  	_ =	shalt  }
0x78: {  	_ =	shalt  }
0x79: {  	_ =	shalt  }
0x7a: {  	_ =	shalt  }
0x7b: {  	_ =	shalt  }
0x7c: {  	_ =	shalt  }
0x7d: {  	_ =	shalt  }
0x7e: {  	_ =	shalt  }
0x7f: {  	_ =	shalt  }
0x80: {  	_ =	shalt  }
0x81: {  	_ =	shalt  }
0x82: {  	_ =	shalt  }
0x83: {  	_ =	shalt  }
0x84: {  	_ =	shalt  }
0x85: {  	_ =	shalt  }
0x86: {  	_ =	shalt  }
0x87: {  	_ =	shalt  }
.Lfunc_end0:
.L_simem_size_0:
called_computation.3_lowered:
.L_overlay_start_0:
0x88: {  	s2 =	sld [smem:$0x3FD9]  }
0x89: {  	s3 =	sld [smem:$0x3FFE];
	_ =	sdelay $0x1  }
0x8a: {  	s1 =	srdreg.scid  }
0x8b: {  	s0 =	sand.u32 $0x1, s1  }
0x8c: {  	s17 =	sshll.u32 s0, $0xA;
	s2 =	sadd.s32 s3, s2  }
0x8d: {  	s2 =	sadd.s32 s2, s17  }
0x8e: {  	[smem:$0x3FBC] =	sst s2  }
0x8f: {  	_ = 	snop  }
0x90: {  	s2 =	sld [smem:$0x3FD0];
	(tm) =	ssettm $0x1  }
0x91: {  	s18 =	sld [smem:$0x3FFB];
	_ =	sdelay $0x3  }
0x92: {  	_ =	strace s18  }
0x93: {  	s3 =	sld [smem:$0x3FFC];
	_ =	sdelay $0x3  }
0x94: {  	_ =	strace s3  }
0x95: {  	s3 =	sld [smem:$0x3FFD];
	_ =	sdelay $0x3  }
0x96: {  	_ =	strace s3  }
0x97: {  	_ =	strace $0x8FFFFFFF  }
0x98: {  	s19 =	sld [smem:$0x3FDB];
	_ =	sdelay $0x1  }
0x99: {  	s4 =	simm.s32 $_scs_section_size  }
0x9a: {  	s5 =	simm.s32 $_size__tile_overlayer_lowered;
	s6 =	simm.s32 $_tile_overlayer_lowered  }
0x9b: {  	s22 =	simm.s32 $0x1BFF;
	s21 =	sshll.u32 s6, $0x1;
	s3 =	sadd.s32 s4, s19  }
0x9c: {  	s7 =	simm.s32 $0x0;
	s20 =	sshll.u32 s5, $0x1;
	s5 =	sadd.s32 s21, s3  }
0x9d: {  	[timem:s7], [sflag:s22] =	dma.local [hbm:s5], s20  }
0x9e: {  	_ =	swait.ge [sflag:s22], s20  }
0x9f: {  	s4 =	ssub.s32 $0x0, s20;
	[sflag:s22] =	ssyncset.done $0x0  }
0xa0: {  	[sflag:s22] =	ssyncadd.s32 s4;
	_ =	sdelay $0x1  }
0xa1: {  	s23 =	simm.s32 $0x1B8B  }
0xa2: {  	_ =	swait.ge [sflag:s23], $0x1  }
0xa3: {  	[sflag:s23] =	ssyncset.done $0x0  }
0xa4: {  	s25 =	simm.s32 $0x1B8E;
	s24 =	sld [smem:$0x3FFE];
	[sflag:s23] =	ssyncadd.s32 $0xFFFFFFFF  }
0xa5: {  	s26 =	simm.s32 $execute0_lowered;
	[smem:$0x3FD2] =	sst s25  }
0xa6: {  	s5 =	sshll.u32 s26, $0x1;
	_ =	strace $0x8000004F;
	[dreg:$0x1] =	wrdreg $0xFFFFFFFF  }
0xa7: {  	s28 =	simm.s32 $_size_execute0_lowered;
	s3 =	sadd.s32 s3, s5;
	[dreg:$0x0] =	wrdreg $0x0  }
0xa8: {  	s5 =	sshll.u32 s28, $0x1;
	[dreg:$0x2] =	wrdreg s3  }
0xa9: {  	[dreg:$0x3] =	wrdreg s5  }
0xaa: {  	[dreg:$0x4] =	wrdreg $0xC0  }
0xab: {  	_ =	task [dreg:s7], $0x5FFFF  }
0xac: {  	[dreg:$0x1] =	wrdreg $0xFFFFFFFF  }
0xad: {  	[dreg:$0x0] =	wrdreg $0x60  }
0xae: {  	[dreg:$0x2] =	wrdreg s2  }
0xaf: {  	[dreg:$0x3] =	wrdreg s24  }
0xb0: {  	[dreg:$0x4] =	wrdreg $0xC6200  }
0xb1: {  	[dreg:$0x5] =	wrdreg $0x9  }
0xb2: {  	_ =	task.clear_ibuf [dreg:s7], $0x6FFFF;
	_ =	strace $0x9000004F  }
0xb3: {  	s29 =	simm.s32 $0x9;
	_ =	strace $0x80000051  }
0xb4: {  	_ =	swait.ge [sflag:s29], $0x1  }
0xb5: {  	[sflag:s29] =	ssyncadd.s32 $0xFFFFFFFF  }
0xb6: {  	_ =	strace $0x90000051  }
0xb7: {  	_ =	sfence  }
0xb8: {  	s30 =	sld [smem:$0x0];
	_ =	sdelay $0x2  }
0xb9: {  	s31 =	sshll.u32 s1, $0xD;
	s1 =	sshrl.u32 s1, $0x2  }
0xba: {  	s3 =	sand.u32 $0x4000, s31;
	s1 =	sadd.s32 s1, s30  }
0xbb: {  	s0 =	sor.u32 s3, s0;
	s1 =	sshll.u32 s1, $0x11  }
0xbc: {  	s0 =	sor.u32 s1, s0  }
0xbd: {  	s0 =	sadd.s32 $0x8F2B, s0  }
0xbe: {  	[sflag:s0] =	ssyncadd.remote.s32 $0x1  }
0xbf: {  	_ =	sfence.sel $0xFFFF  }
0xc0: {  	[dreg:$0x0] =	wrdreg $0xFFFFFFFF;
	(pc) =	sbr.abs _section_cstart, $3  }
0xc1: {  	[dreg:$0x1] =	wrdreg $0xFFFFFFFF  }
0xc2: {  	_ =	task.clear_ibuf [dreg:s7], $0x2FFFF;
	_ =	strace $0x9FFFFFFF  }
0xc3: {  	(tm) =	ssettm $0x7FFFFFFF  }
tec
execute0_lowered:
.L_overlay_start_1:
0x0: {  	(tag) =	ssettag $0x1  }
0x1: {  	s2 =	rddreg [dreg:$0x0]  }
0x2: {  	s0 =	rddreg [dreg:$0x1]  }
0x3: {  	s3 =	rddreg [dreg:$0x2]  }
0x4: {  	s13 =	stileid.u32;
	s1 =	srdreg.scid;
	s4 =	simm.s32 $0x0  }
0x5: {  	s14 =	simm.s32 $0x1;
	s15 =	simm.s32 $0x2;
	s16 =	simm.s32 $0x3  }
0x6: {  	s17 =	simm.s32 $0x50;
	s18 =	simm.s32 $0x4E20;
	s19 =	simm.s32 $0x7620  }
0x7: {  	s21 =	simm.s32 $0x9E20;
	s23 =	simm.s32 $0x4;
	s28 =	simm.s32 $0x2670  }
0x8: {  	s29 =	simm.s32 $0x4D80;
	s30 =	simm.s32 $0x26C0;
	s31 =	simm.s32 $0x4DD0  }
0x9: {  	s5 =	smul.u32 $0x278, s13;
	s1 =	sand.u32 $0x1, s1;
	s6 =	sshll.u32 s13, $0x1  }
0xa: {  	[smem:$0x7FF] =	sst s4;
	s9 =	sadd.s32 $0x16E00, s0;
	s12 =	smov.u32 s2  }
0xb: {  	s24 =	smul.u32 $0x138800, s1;
	s6 =	sor.u32 s1, s6;
	_ =	strace $0x80000050  }
0xc: {  	s10 =	ssub.s32 $0x2, s1;
	p0 =	seq.s32 s1, $0x1;
	s1 =	simm.s32 $0x7  }
0xd: {  	s7 =	smin.u32 s5, $0x2498;
	s6 =	smul.u32 $0x4E2, s6;
	s25 =	sshrl.u32 s10, $0x1  }
0xe: {  	s12 =	smov.u32 @p0 s9;
	s8 =	sshll.u32 s7, $0x7;
	s10 =	ssub.s32 s10, s25  }
0xf: {  	s11 =	sshll.u32 s7, $0x4;
	s25 =	simm.s32 $0x6;
	s5 =	sadd.s32 s24, s8  }
0x10: {  	s6 =	sadd.s32 s6, s0;
	s26 =	sadd.s32 s8, s3;
	s8 =	sshll.u32 s13, $0x6  }
0x11: {  	s9 =	smax.u32 s10, $0x1;
	s10 =	sadd.s32 s12, s11;
	s12 =	simm.s32 $0x2710  }
0x12: {  	s24 =	simm.s32 $0x5;
	s5 =	sshrl.u32 s5, $0x3;
	s11 =	sor.u32 $0x1C03, s8  }
0x13: {  	s13 =	sshrl.u32 s26, $0x3;
	s0 =	sadd.s32 s5, s0;
	s5 =	sadd.s32 $0x3200, s6  }
0x14: {  	s6 =	sadd.s32 $0xD000, s6;
	s7 =	sadd.s32 $0x3E000, s0;
	s0 =	simm.s32 $0x0  }
.LBB2_1:
0x15: {  	[tilespmem:s4], [sflag:$0x1] =	stream.linear.gather [hbm4b:s5+s4], $0x2710, $0x38;
	[tilespmem:$0x1FEA0] =	vst v63  }
0x16: {  	_ = 	snop  }
0x17: {  	[tilespmem:s12], [sflag:$0x2] =	stream.linear.gather [hbm4b:s6+s4], $0x2710, $0x38;
	[tilespmem:$0x1FEA0] =	vst v63  }
0x18: {  	[spmem:s13], [sflag:s11] =	dma.local [hbm:s10], $0x2780  }
0x19: {  	_ =	swait.ge [sflag:s14], $0x2710  }
0x1a: {  	[sflag:s14] =	ssyncset.done $0x0  }
0x1b: {  	[sflag:s14] =	ssyncadd.s32 $0xFFFFD8F0  }
0x1c: {  	_ =	swait.ge [sflag:s15], $0x2710  }
0x1d: {  	[sflag:s15] =	ssyncset.done $0x0  }
0x1e: {  	[sflag:s15] =	ssyncadd.s32 $0xFFFFD8F0  }
0x1f: {  	_ =	swait.ge [sflag:s16], $0x2780  }
0x20: {  	[sflag:s16] =	ssyncset.done $0x0  }
0x21: {  	[sflag:s16] =	ssyncadd.s32 $0xFFFFD880  }
0x22: {  	[bflag:$0x0] =	sbarrier.arrive $0xFFFF  }
0x23: {  	[tilespmem:s18], [sflag:$0x1] =	stream.indirect.gather [hbm4b:s2+s17], $0x80, s4, s17, $0xb8;
	[tilespmem:$0x1FEA0] =	vst v63  }
0x24: {  	_ = 	snop  }
0x25: {  	[tilespmem:s19], [sflag:$0x2] =	stream.indirect.gather [hbm4b:s2+s17], $0x80, s17, s17, $0xb8;
	[tilespmem:$0x1FEA0] =	vst v63  }
0x26: {  	s20 =	simm.s32 $0xA0  }
0x27: {  	[tilespmem:s21], [sflag:$0x3] =	stream.indirect.gather [hbm4b:s2+s17], $0x80, s20, s17, $0xb8;
	[tilespmem:$0x1FEA0] =	vst v63  }
0x28: {  	_ =	swait.ge [sflag:s14], $0x2800  }
0x29: {  	[sflag:s14] =	ssyncset.done $0x0  }
0x2a: {  	[sflag:s14] =	ssyncadd.s32 $0xFFFFD800  }
0x2b: {  	[spmem:s3] =	stream.indirect.scatter.add.f32 [tilespmem:s18], [sflag:$0x4], $0x80, s12, s17, $0xb8;
	[tilespmem:$0x1FEA0] =	vst v63  }
0x2c: {  	_ =	swait.ge [sflag:s15], $0x2800  }
0x2d: {  	[sflag:s15] =	ssyncset.done $0x0  }
0x2e: {  	s22 =	simm.s32 $0x2760;
	[sflag:s15] =	ssyncadd.s32 $0xFFFFD800  }
0x2f: {  	[spmem:s3] =	stream.indirect.scatter.add.f32 [tilespmem:s19], [sflag:$0x5], $0x80, s22, s17, $0xb8;
	[tilespmem:$0x1FEA0] =	vst v63  }
0x30: {  	_ =	swait.ge [sflag:s16], $0x2800  }
0x31: {  	[sflag:s16] =	ssyncset.done $0x0  }
0x32: {  	s26 =	simm.s32 $0x27B0;
	[sflag:s16] =	ssyncadd.s32 $0xFFFFD800  }
0x33: {  	[spmem:s3] =	stream.indirect.scatter.add.f32 [tilespmem:s21], [sflag:$0x6], $0x80, s26, s17, $0xb8;
	[tilespmem:$0x1FEA0] =	vst v63  }
0x34: {  	_ =	swait.ge [sflag:s23], $0x2800  }
0x35: {  	[sflag:s23] =	ssyncset.done $0x0  }
0x36: {  	s22 =	simm.s32 $0xF0;
	[sflag:s23] =	ssyncadd.s32 $0xFFFFD800  }
0x37: {  	[tilespmem:s18], [sflag:$0x1] =	stream.indirect.gather [hbm4b:s2+s17], $0x80, s22, s17, $0xb8;
	[tilespmem:$0x1FEA0] =	vst v63  }
0x38: {  	_ =	swait.ge [sflag:s14], $0x2800  }
0x39: {  	[sflag:s14] =	ssyncset.done $0x0  }
0x3a: {  	s26 =	simm.s32 $0x2800;
	[sflag:s14] =	ssyncadd.s32 $0xFFFFD800  }
0x3b: {  	[spmem:s3] =	stream.indirect.scatter.add.f32 [tilespmem:s18], [sflag:$0x4], $0x80, s26, s17, $0xb8;
	[tilespmem:$0x1FEA0] =	vst v63  }
0x3c: {  	_ =	swait.ge [sflag:s24], $0x2800  }
0x3d: {  	[sflag:s24] =	ssyncset.done $0x0  }
0x3e: {  	s22 =	simm.s32 $0x140;
	[sflag:s24] =	ssyncadd.s32 $0xFFFFD800  }
0x3f: {  	[tilespmem:s19], [sflag:$0x2] =	stream.indirect.gather [hbm4b:s2+s17], $0x80, s22, s17, $0xb8;
	[tilespmem:$0x1FEA0] =	vst v63  }
0x40: {  	_ =	swait.ge [sflag:s15], $0x2800  }
0x41: {  	[sflag:s15] =	ssyncset.done $0x0  }
0x42: {  	s26 =	simm.s32 $0x2850;
	[sflag:s15] =	ssyncadd.s32 $0xFFFFD800  }
0x43: {  	[spmem:s3] =	stream.indirect.scatter.add.f32 [tilespmem:s19], [sflag:$0x5], $0x80, s26, s17, $0xb8;
	[tilespmem:$0x1FEA0] =	vst v63  }
0x44: {  	_ =	swait.ge [sflag:s25], $0x2800  }
0x45: {  	[sflag:s25] =	ssyncset.done $0x0  }
0x46: {  	s20 =	simm.s32 $0x3C0;
	s22 =	simm.s32 $0x190;
	[sflag:s25] =	ssyncadd.s32 $0xFFFFD800  }
.LBB2_2:
0x47: {  	[tilespmem:s21], [sflag:$0x3] =	stream.indirect.gather [hbm4b:s2+s17], $0x80, s22, s17, $0xb8;
	[tilespmem:$0x1FEA0] =	vst v63  }
0x48: {  	s22 =	smov.u32 s20  }
0x49: {  	p0 =	sne.s32 s20, $0x9240;
	s20 =	sadd.s32 $0x3C0, s20;
	_ =	swait.ge [sflag:s16], $0x2800  }
0x4a: {  	s22 =	sshra.s32 s22, $0x2;
	[sflag:s16] =	ssyncset.done $0x0  }
0x4b: {  	s26 =	sadd.s32 $0x27B0, s22;
	[sflag:s16] =	ssyncadd.s32 $0xFFFFD800  }
0x4c: {  	[spmem:s3] =	stream.indirect.scatter.add.f32 [tilespmem:s21], [sflag:$0x6], $0x80, s26, s17, $0xb8;
	[tilespmem:$0x1FEA0] =	vst v63  }
0x4d: {  	_ =	swait.ge [sflag:s23], $0x2800  }
0x4e: {  	[sflag:s23] =	ssyncset.done $0x0  }
0x4f: {  	s26 =	sadd.s32 $0xF0, s22;
	[sflag:s23] =	ssyncadd.s32 $0xFFFFD800  }
0x50: {  	[tilespmem:s18], [sflag:$0x1] =	stream.indirect.gather [hbm4b:s2+s17], $0x80, s26, s17, $0xb8;
	[tilespmem:$0x1FEA0] =	vst v63  }
0x51: {  	_ =	swait.ge [sflag:s14], $0x2800  }
0x52: {  	[sflag:s14] =	ssyncset.done $0x0  }
0x53: {  	s26 =	sadd.s32 $0x2800, s22;
	[sflag:s14] =	ssyncadd.s32 $0xFFFFD800  }
0x54: {  	[spmem:s3] =	stream.indirect.scatter.add.f32 [tilespmem:s18], [sflag:$0x4], $0x80, s26, s17, $0xb8;
	[tilespmem:$0x1FEA0] =	vst v63  }
0x55: {  	_ =	swait.ge [sflag:s24], $0x2800  }
0x56: {  	[sflag:s24] =	ssyncset.done $0x0  }
0x57: {  	s26 =	sadd.s32 $0x140, s22;
	[sflag:s24] =	ssyncadd.s32 $0xFFFFD800  }
0x58: {  	[tilespmem:s19], [sflag:$0x2] =	stream.indirect.gather [hbm4b:s2+s17], $0x80, s26, s17, $0xb8;
	[tilespmem:$0x1FEA0] =	vst v63  }
0x59: {  	_ =	swait.ge [sflag:s15], $0x2800  }
0x5a: {  	[sflag:s15] =	ssyncset.done $0x0  }
.Ltmp0:
0x5b: {  	s26 =	sadd.s32 $0x2850, s22;
	[sflag:s15] =	ssyncadd.s32 $0xFFFFD800;
	(pc) =	sbr.rel @p0 .LBB2_2-.Ltmp0, $4  }
0x5c: {  	[spmem:s3] =	stream.indirect.scatter.add.f32 [tilespmem:s19], [sflag:$0x5], $0x80, s26, s17, $0xb8;
	[tilespmem:$0x1FEA0] =	vst v63  }
0x5d: {  	_ =	swait.ge [sflag:s25], $0x2800  }
0x5e: {  	[sflag:s25] =	ssyncset.done $0x0  }
0x5f: {  	s22 =	sadd.s32 $0x190, s22;
	[sflag:s25] =	ssyncadd.s32 $0xFFFFD800  }
0x60: {  	[tilespmem:s21], [sflag:$0x3] =	stream.indirect.gather [hbm4b:s2+s17], $0x80, s22, s17, $0xb8;
	[tilespmem:$0x1FEA0] =	vst v63  }
0x61: {  	_ =	swait.ge [sflag:s16], $0x2800  }
0x62: {  	[sflag:s16] =	ssyncset.done $0x0  }
0x63: {  	s20 =	simm.s32 $0x4D30;
	[sflag:s16] =	ssyncadd.s32 $0xFFFFD800  }
0x64: {  	[spmem:s3] =	stream.indirect.scatter.add.f32 [tilespmem:s21], [sflag:$0x6], $0x80, s20, s17, $0xb8;
	[tilespmem:$0x1FEA0] =	vst v63  }
0x65: {  	_ =	swait.ge [sflag:s23], $0x2800  }
0x66: {  	[sflag:s23] =	ssyncset.done $0x0  }
0x67: {  	[sflag:s23] =	ssyncadd.s32 $0xFFFFD800  }
0x68: {  	[tilespmem:s18], [sflag:$0x1] =	stream.indirect.gather [hbm4b:s2+s17], $0x80, s28, s17, $0xb8;
	[tilespmem:$0x1FEA0] =	vst v63  }
0x69: {  	_ =	swait.ge [sflag:s14], $0x2800  }
0x6a: {  	[sflag:s14] =	ssyncset.done $0x0  }
0x6b: {  	[sflag:s14] =	ssyncadd.s32 $0xFFFFD800  }
0x6c: {  	[spmem:s3] =	stream.indirect.scatter.add.f32 [tilespmem:s18], [sflag:$0x4], $0x80, s29, s17, $0xb8;
	[tilespmem:$0x1FEA0] =	vst v63  }
0x6d: {  	_ =	swait.ge [sflag:s24], $0x2800  }
0x6e: {  	[sflag:s24] =	ssyncset.done $0x0  }
0x6f: {  	[sflag:s24] =	ssyncadd.s32 $0xFFFFD800  }
0x70: {  	[tilespmem:s19], [sflag:$0x2] =	stream.indirect.gather [hbm4b:s2+s17], $0x80, s30, s17, $0xb8;
	[tilespmem:$0x1FEA0] =	vst v63  }
0x71: {  	_ =	swait.ge [sflag:s15], $0x2800  }
0x72: {  	[sflag:s15] =	ssyncset.done $0x0  }
0x73: {  	[sflag:s15] =	ssyncadd.s32 $0xFFFFD800  }
0x74: {  	[spmem:s3] =	stream.indirect.scatter.add.f32 [tilespmem:s19], [sflag:$0x5], $0x80, s31, s17, $0xb8;
	[tilespmem:$0x1FEA0] =	vst v63  }
0x75: {  	_ =	swait.ge [sflag:s25], $0x2800  }
0x76: {  	[sflag:s25] =	ssyncset.done $0x0  }
0x77: {  	[sflag:s25] =	ssyncadd.s32 $0xFFFFD800  }
0x78: {  	[tilespmem:s21], [sflag:$0x3] =	stream.indirect.gather [hbm4b:s2+s17], $0x80, s30, s17, $0xb8;
	[tilespmem:$0x1FEA0] =	vst v63  }
0x79: {  	_ =	swait.ge [sflag:s16], $0x2800  }
0x7a: {  	[sflag:s16] =	ssyncset.done $0x0  }
0x7b: {  	[sflag:s16] =	ssyncadd.s32 $0xFFFFD800  }
0x7c: {  	_ =	swait.ge [sflag:s23], $0x2800  }
0x7d: {  	[sflag:s23] =	ssyncset.done $0x0  }
0x7e: {  	[sflag:s23] =	ssyncadd.s32 $0xFFFFD800  }
0x7f: {  	_ =	swait.ge [sflag:s24], $0x2800  }
0x80: {  	s0 =	sadd.s32 $0x1, s0;
	[sflag:s24] =	ssyncset.done $0x0  }
0x81: {  	p0 =	sne.s32 s0, s9;
	[sflag:s24] =	ssyncadd.s32 $0xFFFFD800  }
.Ltmp1:
0x82: {  	s26 =	sor.u32 $0x1C07, s8;
	[bflag:$0x0] =	sbarrier.arrive $0xFFFF;
	(pc) =	sbr.rel @p0 .LBB2_1-.Ltmp1, $4  }
0x83: {  	[hbm:s7], [sflag:s26] =	dma.local [spmem:s13], $0x2780  }
0x84: {  	_ =	swait.ge [sflag:s1], $0x2780  }
0x85: {  	[sflag:s1] =	ssyncset.done $0x0  }
0x86: {  	[sflag:s1] =	ssyncadd.s32 $0xFFFFD880  }
0x87: {  	_ =	sfence.sel $0x180000  }
0x88: {  	[bflag:$0x0] =	sbarrier.arrive $0xFFFF  }
0x89: {  	_ =	strace $0x90000050  }
0x8a: {  	s0 =	stileid.u32;
	[bflag:$0x2] =	sbarrier.arrive $0xFFFF  }
0x8b: {  	p0 =	sne.s32 s0, $0x0;
	s0 =	rddreg [dreg:$0x3]  }
0x8c: {  	s0 =	sadd.s32 @!p0 $0x100000, s0  }
0x8d: {  	[sflag:s0] =	ssyncadd.tile.s32 @!p0 $0x1;
	_ =	shalt  }
.Lfunc_end2:
_tile_overlayer_lowered:
.L_overlay_start_2:
0x8e: {  	(tag) =	ssettag $0x2  }
0x8f: {  	s0 =	rddreg [dreg:$0x0];
	s2 =	stileid.u32  }
0x90: {  	s1 =	rddreg [dreg:$0x1];
	p0 =	sne.s32 s2, $0x0  }
0x91: {  	s3 =	rddreg [dreg:$0x2];
	[bflag:$0x3] =	sbarrier.arrive $0xFFFF;
	s2 =	simm.s32 @!p0 $0x1C07  }
0x92: {  	[timem:s3], [sflag:s2] =	dma.local @!p0 [hbm:s0], s1  }
0x93: {  	s0 =	simm.s32 @!p0 $0x7  }
0x94: {  	_ =	swait.ge @!p0 [sflag:s0], s1  }
0x95: {  	s1 =	ssub.s32 @!p0 $0x0, s1;
	[sflag:s0] =	ssyncset.done @!p0 $0x0  }
0x96: {  	[sflag:s0] =	ssyncadd.s32 @!p0 s1  }
0x97: {  	[bflag:$0x3] =	sbarrier.arrive $0xFFFF  }
0x98: {  	_ =	shalt  }

</sc_bundles>
